<compile_context>
chip_gen: v7x
topology: tpu7x:2x2x1
jax: 0.10.2.dev20260603
libtpu: 0.0.44.dev20260713+nightly
codegen_flags: <defaults>
</compile_context>

<pallas_src>
import functools

import jax
import jax.numpy as jnp
from jax import lax
from jax.experimental import pallas as pl
from jax.experimental.pallas import tpu as pltpu
from jax.experimental.pallas import tpu_sc as plsc

NUM_NODE = 100000
D = 128
B = 32
L = 50
S = 12
N1 = L * S
N2 = L * S * S
LP = 56
CH = 120
NEG = -9e15

_info = plsc.get_sparse_core_info()
_NC = _info.num_cores
_NS = _info.num_subcores
_mesh = plsc.VectorSubcoreMesh(core_axis_name="c", subcore_axis_name="s")
_untiled = pltpu.CompilerParams(use_tc_tiling_on_sc=False)
CW = 32


def _wid():
    return lax.axis_index("s") * _NC + lax.axis_index("c")



@functools.partial(
    pl.kernel, mesh=_mesh, compiler_params=_untiled,
    out_type=jax.ShapeDtypeStruct((B, LP, CW), jnp.int32),
    scratch_types=[
        pltpu.VMEM((LP,), jnp.int32),
        pltpu.VMEM((LP, CW), jnp.int32),
        pltpu.SemaphoreType.DMA,
    ],
)
def _sc_adj1(inpf_h, comb_h, nc_o, idx_v, c_v, sem):
    b = _wid()
    pltpu.sync_copy(inpf_h.at[pl.ds(b * LP, LP)], idx_v)
    pltpu.async_copy(comb_h.at[idx_v], c_v, sem).wait()
    pltpu.sync_copy(c_v, nc_o.at[b])


@functools.partial(
    pl.kernel, mesh=_mesh, compiler_params=_untiled,
    out_type=jax.ShapeDtypeStruct((B, N1, CW), jnp.int32),
    scratch_types=[
        pltpu.VMEM((CH,), jnp.int32),
        pltpu.VMEM((CH, CW), jnp.int32),
        pltpu.SemaphoreType.DMA,
    ],
)
def _sc_adj2(n1f_h, comb_h, nc_o, idx_v, c_v, sem):
    b = _wid()
    for c in range(N1 // CH):
        r = c * CH
        pltpu.sync_copy(n1f_h.at[pl.ds(b * N1 + r, CH)], idx_v)
        pltpu.async_copy(comb_h.at[idx_v], c_v, sem).wait()
        pltpu.sync_copy(c_v, nc_o.at[b, pl.ds(r, CH)])

@functools.partial(
    pl.kernel, mesh=_mesh,
    out_type=(
        jax.ShapeDtypeStruct((B, LP, D), jnp.float32),
        jax.ShapeDtypeStruct((B, LP, D), jnp.float32),
        jax.ShapeDtypeStruct((B, N1, D), jnp.float32),
    ),
    scratch_types=[
        pltpu.VMEM((LP,), jnp.int32),
        pltpu.VMEM((LP,), jnp.int32),
        pltpu.VMEM((LP, D), jnp.float32),
        pltpu.VMEM((LP, D), jnp.float32),
        pltpu.VMEM((N1,), jnp.int32),
        pltpu.VMEM((CH, D), jnp.float32),
        pltpu.VMEM((CH, D), jnp.float32),
        pltpu.VMEM((CH, D), jnp.float32),
        pltpu.VMEM((CH, D), jnp.float32),
        pltpu.SemaphoreType.DMA, pltpu.SemaphoreType.DMA,
        pltpu.SemaphoreType.DMA, pltpu.SemaphoreType.DMA,
        pltpu.SemaphoreType.DMA, pltpu.SemaphoreType.DMA,
        pltpu.SemaphoreType.DMA, pltpu.SemaphoreType.DMA,
        pltpu.SemaphoreType.DMA, pltpu.SemaphoreType.DMA,
        pltpu.SemaphoreType.DMA, pltpu.SemaphoreType.DMA,
    ],
)
def _sc_emb1(inpf_h, itemf_h, n1f_h, emb_h,
             ev0_o, item_o, ev1_o, si0_v, si1_v, s0_v, s1_v, idx_v,
             e0_v, e1_v, e2_v, e3_v,
             sa0, sa1, sb0, sb1, g0, g1, g2, g3, wv0, wv1, wv2, wv3):
    b = _wid()
    ebuf = (e0_v, e1_v, e2_v, e3_v)
    gsem = (g0, g1, g2, g3)
    wsem = (wv0, wv1, wv2, wv3)
    pltpu.sync_copy(inpf_h.at[pl.ds(b * LP, LP)], si0_v)
    pltpu.sync_copy(itemf_h.at[pl.ds(b * LP, LP)], si1_v)
    pltpu.sync_copy(n1f_h.at[pl.ds(b * N1, N1)], idx_v)
    pltpu.make_async_copy(emb_h.at[si0_v], s0_v, sa0).start()
    pltpu.make_async_copy(emb_h.at[si1_v], s1_v, sa1).start()
    for c in range(4):
        pltpu.make_async_copy(
            emb_h.at[idx_v.at[pl.ds(c * CH, CH)]], ebuf[c], gsem[c]).start()
    for c in range(4):
        pltpu.make_async_copy(
            emb_h.at[idx_v.at[pl.ds(0, CH)]], ebuf[c], gsem[c]).wait()
        pltpu.make_async_copy(
            ebuf[c], ev1_o.at[b, pl.ds(c * CH, CH)], wsem[c]).start()
    pltpu.make_async_copy(emb_h.at[si0_v], s0_v, sa0).wait()
    pltpu.make_async_copy(s0_v, ev0_o.at[b], sb0).start()
    pltpu.make_async_copy(emb_h.at[si1_v], s1_v, sa1).wait()
    pltpu.make_async_copy(s1_v, item_o.at[b], sb1).start()
    pltpu.make_async_copy(e0_v, ev1_o.at[b, pl.ds(0, CH)], wv0).wait()
    pltpu.make_async_copy(
        emb_h.at[idx_v.at[pl.ds(4 * CH, CH)]], e0_v, g0).start()
    pltpu.make_async_copy(
        emb_h.at[idx_v.at[pl.ds(0, CH)]], e0_v, g0).wait()
    pltpu.make_async_copy(e0_v, ev1_o.at[b, pl.ds(4 * CH, CH)], wv0).start()
    pltpu.make_async_copy(e0_v, ev1_o.at[b, pl.ds(0, CH)], wv0).wait()
    pltpu.make_async_copy(e1_v, ev1_o.at[b, pl.ds(0, CH)], wv1).wait()
    pltpu.make_async_copy(e2_v, ev1_o.at[b, pl.ds(0, CH)], wv2).wait()
    pltpu.make_async_copy(e3_v, ev1_o.at[b, pl.ds(0, CH)], wv3).wait()
    pltpu.make_async_copy(s0_v, ev0_o.at[b], sb0).wait()
    pltpu.make_async_copy(s1_v, item_o.at[b], sb1).wait()


@functools.partial(
    pl.kernel, mesh=_mesh,
    out_type=jax.ShapeDtypeStruct((B, N2, D), jnp.float32),
    scratch_types=[
        pltpu.VMEM((N2,), jnp.int32),
        pltpu.VMEM((CH, D), jnp.float32),
        pltpu.VMEM((CH, D), jnp.float32),
        pltpu.VMEM((CH, D), jnp.float32),
        pltpu.VMEM((CH, D), jnp.float32),
        pltpu.SemaphoreType.DMA, pltpu.SemaphoreType.DMA,
        pltpu.SemaphoreType.DMA, pltpu.SemaphoreType.DMA,
        pltpu.SemaphoreType.DMA, pltpu.SemaphoreType.DMA,
        pltpu.SemaphoreType.DMA, pltpu.SemaphoreType.DMA,
    ],
)
def _sc_ev2(n2f_h, emb_h, ev2_o, idx_v, e0_v, e1_v, e2_v, e3_v,
            g0, g1, g2, g3, w0, w1, w2, w3):
    b = _wid()
    NB = 4
    NCH = N2 // CH
    pltpu.sync_copy(n2f_h.at[pl.ds(b * N2, N2)], idx_v)
    ebuf = (e0_v, e1_v, e2_v, e3_v)
    gsem = (g0, g1, g2, g3)
    wsem = (w0, w1, w2, w3)

    for k in range(NB):
        pltpu.make_async_copy(
            emb_h.at[idx_v.at[pl.ds(k * CH, CH)]], ebuf[k], gsem[k]).start()

    def body(i, _):
        for k in range(NB):
            c = NB * i + k
            pltpu.make_async_copy(
                emb_h.at[idx_v.at[pl.ds(0, CH)]], ebuf[k], gsem[k]).wait()
            pltpu.make_async_copy(
                ebuf[k], ev2_o.at[b, pl.ds(c * CH, CH)], wsem[k]).start()
        for k in range(NB):
            c = NB * i + k
            pltpu.make_async_copy(
                ebuf[k], ev2_o.at[b, pl.ds(0, CH)], wsem[k]).wait()
            pltpu.make_async_copy(
                emb_h.at[idx_v.at[pl.ds((c + NB) * CH, CH)]],
                ebuf[k], gsem[k]).start()
        return 0

    lax.fori_loop(0, NCH // NB - 1, body, 0)
    for k in range(NB):
        c = NCH - NB + k
        pltpu.make_async_copy(
            emb_h.at[idx_v.at[pl.ds(0, CH)]], ebuf[k], gsem[k]).wait()
        pltpu.make_async_copy(
            ebuf[k], ev2_o.at[b, pl.ds(c * CH, CH)], wsem[k]).start()
    for k in range(NB):
        pltpu.make_async_copy(
            ebuf[k], ev2_o.at[b, pl.ds(0, CH)], wsem[k]).wait()



def _leaky(x):
    return jnp.maximum(x, 0.2 * x)


def _softmax_last(x):
    m = jnp.max(x, axis=-1, keepdims=True)
    e = jnp.exp(x - m)
    return e / jnp.sum(e, axis=-1, keepdims=True)


def _gagg3(selfv, neigh3, w, s, w1a, w1b, w2, w3a, w3b):
    t = _leaky(
        jax.lax.dot_general(neigh3 * s[None], w1a, (((2,), (0,)), ((), ())),
                            preferred_element_type=jnp.float32)
        + w[..., None] * w1b[None]
    )
    sc = jax.lax.dot_general(t, w2, (((2,), (0,)), ((), ())),
                             preferred_element_type=jnp.float32)[..., 0]
    e3 = jnp.exp(sc)
    z = jnp.sum(e3, axis=-1, keepdims=True)
    agg = jnp.sum(e3[..., None] * neigh3, axis=1) / z
    out = (jnp.dot(selfv, w3a, preferred_element_type=jnp.float32)
           + jnp.dot(agg, w3b, preferred_element_type=jnp.float32))
    return jnp.maximum(out, 0.0)


def _gagg_sm(selfv, neighS, wc, s, w1a, w1b, w2, w3a, w3b):
    n = selfv.shape[0]
    u = (jnp.dot(neighS * s, w1a, preferred_element_type=jnp.float32)
         + jnp.dot(wc, w1b, preferred_element_type=jnp.float32))
    t = _leaky(u)
    sc = jnp.dot(t, w2, preferred_element_type=jnp.float32)
    e = jnp.exp(sc)
    evw = e * neighS
    agg = evw[0:n]
    z = e[0:n]
    for k in range(1, S):
        agg = agg + evw[k * n:(k + 1) * n]
        z = z + e[k * n:(k + 1) * n]
    agg = agg / z
    out = (jnp.dot(selfv, w3a, preferred_element_type=jnp.float32)
           + jnp.dot(agg, w3b, preferred_element_type=jnp.float32))
    return jnp.maximum(out, 0.0)


def _tc_body(ev0_r, adj_r, mask_r, item_r, ev1_r, w1_r, ev2_r, w2c_r,
             a4_r, w1a_r, w1b_r, w2g_r, w3a_r, w3b_r, out_o):
    h = ev0_r[0][:L]
    mask = mask_r[0]
    item = item_r[0][:L]
    tot = jnp.sum(mask)
    s = jnp.sum(item * mask, axis=0, keepdims=True) / tot

    a4 = a4_r[...]
    adj = adj_r[0]
    alpha = jnp.full((L, L), NEG, jnp.float32)
    for k in range(4):
        ek = _leaky(jax.lax.dot_general(h * a4[:, k][None], h,
                                        (((1,), (1,)), ((), ())),
                                        preferred_element_type=jnp.float32))
        alpha = jnp.where(adj == k + 1, ek, alpha)
    al = _softmax_last(alpha)
    hl = jnp.dot(al, h, preferred_element_type=jnp.float32)

    ev1m = ev1_r[0]
    w1m = w1_r[0]
    a0v = _gagg3(h, ev1m.reshape(L, S, D), w1m, s[0],
                 w1a_r[0], w1b_r[0], w2g_r[0], w3a_r[0], w3b_r[0])
    a1v = _gagg_sm(ev1m, ev2_r[0], w2c_r[0], s,
                   w1a_r[0], w1b_r[0], w2g_r[0], w3a_r[0], w3b_r[0])
    hg = _gagg3(a0v, a1v.reshape(L, S, D), w1m, s[0],
                w1a_r[1], w1b_r[1], w2g_r[1], w3a_r[1], w3b_r[1])
    out_o[0] = hl + hg


def _full(shape):
    n = len(shape)
    return pl.BlockSpec(shape, lambda *a: (0,) * n)


def kernel(inputs, adj, mask_item, item, adj_all, num, embedding,
           a0, a1, a2, a3, gw1, gw2, gw3):
    f32 = jnp.float32
    mask3 = mask_item.astype(f32)[:, :, None]
    a4 = jnp.concatenate([a0, a1, a2, a3], axis=1)
    w1a = gw1[:, :D, :]
    w1b = gw1[:, D, :]
    w3a = gw3[:, :D, :]
    w3b = gw3[:, D:, :]

    pad = jnp.zeros((B, LP - L), jnp.int32)
    inpf = jnp.concatenate([inputs, pad], axis=1).reshape(-1)
    itemf = jnp.concatenate([item, pad], axis=1).reshape(-1)

    comb = jnp.concatenate(
        [adj_all, lax.bitcast_convert_type(num, jnp.int32),
         jnp.zeros((NUM_NODE, CW - 2 * S), jnp.int32)], axis=1)

    nc1 = _sc_adj1(inpf, comb)
    n1 = nc1[:, :L, :S]
    w1 = lax.bitcast_convert_type(nc1[:, :L, S:2 * S], f32)
    n1f = n1.reshape(B * N1)
    nc2 = _sc_adj2(n1f, comb)
    w2 = lax.bitcast_convert_type(
        nc2[:, :, S:2 * S], f32).transpose(0, 2, 1)
    n2f = nc2[:, :, :S].transpose(0, 2, 1).reshape(B * N2)

    ev0p, itemp, ev1 = _sc_emb1(inpf, itemf, n1f, embedding)
    ev2 = _sc_ev2(n2f, embedding)

    w1b3 = w1b[:, None, :]
    out = pl.pallas_call(
        _tc_body,
        grid=(B,),
        in_specs=[
            pl.BlockSpec((1, LP, D), lambda b: (b, 0, 0)),
            pl.BlockSpec((1, L, L), lambda b: (b, 0, 0)),
            pl.BlockSpec((1, L, 1), lambda b: (b, 0, 0)),
            pl.BlockSpec((1, LP, D), lambda b: (b, 0, 0)),
            pl.BlockSpec((1, N1, D), lambda b: (b, 0, 0)),
            pl.BlockSpec((1, L, S), lambda b: (b, 0, 0)),
            pl.BlockSpec((1, N2, D), lambda b: (b, 0, 0)),
            pl.BlockSpec((1, N2, 1), lambda b: (b, 0, 0)),
            _full((D, 4)),
            _full((2, D, D)), _full((2, 1, D)), _full((2, D, 1)),
            _full((2, D, D)), _full((2, D, D)),
        ],
        out_specs=pl.BlockSpec((1, L, D), lambda b: (b, 0, 0)),
        out_shape=jax.ShapeDtypeStruct((B, L, D), f32),
    )(ev0p, adj, mask3, itemp, ev1, w1, ev2,
      w2.reshape(B, N2, 1), a4, w1a, w1b3, gw2, w3a, w3b)

    return out

# --- scband reference (transcript-rebuilt; emitter-appended) ---
"""Pipeline reference for scband-combine-graph-11501922419033 (READ-ONLY COPY).

The authoritative reference and input builder live on the scoring server;
editing this copy changes nothing except your own understanding.
"""

import jax, jax.numpy as jnp
import numpy as np

NUM_NODE = 100000
DIM = 128
B = 32
L = 50
S = 12
HOP = 2


def setup_inputs(seed: int = 0) -> dict:
    key = jax.random.key(seed)
    ks = jax.random.split(key, 16)
    stdv = 1.0 / np.sqrt(DIM)
    u = lambda k, shp: jax.random.uniform(k, shp, jnp.float32, -stdv, stdv)
    inputs = jax.random.randint(ks[0], (B, L), 0, NUM_NODE, dtype=jnp.int32)
    adj = jax.random.randint(ks[1], (B, L, L), 0, 5, dtype=jnp.int32)
    mask_item = jnp.ones((B, L), dtype=jnp.int32)
    item = jax.random.randint(ks[2], (B, L), 0, NUM_NODE, dtype=jnp.int32)
    adj_all = jax.random.randint(ks[3], (NUM_NODE, S), 0, NUM_NODE, dtype=jnp.int32)
    num = jax.random.uniform(ks[4], (NUM_NODE, S), jnp.float32)
    embedding = u(ks[5], (NUM_NODE, DIM))
    a0 = u(ks[6], (DIM, 1))
    a1 = u(ks[7], (DIM, 1))
    a2 = u(ks[8], (DIM, 1))
    a3 = u(ks[9], (DIM, 1))
    gw1 = u(ks[10], (HOP, DIM + 1, DIM))
    gw2 = u(ks[11], (HOP, DIM, 1))
    gw3 = u(ks[12], (HOP, 2 * DIM, DIM))
    return {"inputs": inputs, "adj": adj, "mask_item": mask_item, "item": item,
            "adj_all": adj_all, "num": num, "embedding": embedding,
            "a0": a0, "a1": a1, "a2": a2, "a3": a3,
            "gw1": gw1, "gw2": gw2, "gw3": gw3}


def _leaky(x):
    return jnp.where(x >= 0, x, 0.2 * x)


def _local_agg(h, adj, a0, a1, a2, a3):
    a_input = h[:, :, None, :] * h[:, None, :, :]
    e0 = _leaky(jnp.matmul(a_input, a0))[..., 0]
    e1 = _leaky(jnp.matmul(a_input, a1))[..., 0]
    e2 = _leaky(jnp.matmul(a_input, a2))[..., 0]
    e3 = _leaky(jnp.matmul(a_input, a3))[..., 0]
    neg = jnp.full_like(e0, -9e15)
    alpha = jnp.where(adj == 1, e0, neg)
    alpha = jnp.where(adj == 2, e1, alpha)
    alpha = jnp.where(adj == 3, e2, alpha)
    alpha = jnp.where(adj == 4, e3, alpha)
    alpha = jax.nn.softmax(alpha, axis=-1)
    return jnp.matmul(alpha, h)


def _global_agg(self_v, neigh_v, neigh_w, extra, w1, w2, w3):
    x = jnp.concatenate([extra[:, :, None, :] * neigh_v, neigh_w[..., None]], axis=-1)
    alpha = _leaky(jnp.matmul(x, w1))
    alpha = jnp.matmul(alpha, w2)[..., 0]
    alpha = jax.nn.softmax(alpha, axis=-1)[..., None]
    neigh = jnp.sum(alpha * neigh_v, axis=-2)
    out = jnp.concatenate([self_v, neigh], axis=-1)
    out = jnp.matmul(out, w3).reshape(self_v.shape[0], -1, DIM)
    return jax.nn.relu(out)


def _forward(inputs, adj, mask_item, item, adj_all, num, embedding, a0, a1, a2, a3, gw1, gw2, gw3):
    h = jnp.take(embedding, inputs, axis=0)
    h_local = _local_agg(h, adj, a0, a1, a2, a3)
    item_neighbors = [inputs]
    weight_neighbors = []
    support = L
    for _ in range(HOP):
        t = item_neighbors[-1].reshape(-1)
        support *= S
        item_neighbors.append(jnp.take(adj_all, t, axis=0).reshape(B, support))
        weight_neighbors.append(jnp.take(num, t, axis=0).reshape(B, support))
    entity_vectors = [jnp.take(embedding, idx, axis=0) for idx in item_neighbors]
    mf = mask_item.astype(jnp.float32)
    item_emb = jnp.take(embedding, item, axis=0) * mf[..., None]
    sum_item = (jnp.sum(item_emb, axis=1) / jnp.sum(mf, axis=-1)[..., None])[:, None, :]
    session_info = [jnp.broadcast_to(sum_item, (B, entity_vectors[i].shape[1], DIM)) for i in range(HOP)]
    for n_hop in range(HOP):
        nxt = []
        for hop in range(HOP - n_hop):
            v = _global_agg(entity_vectors[hop],
                            entity_vectors[hop + 1].reshape(B, -1, S, DIM),
                            weight_neighbors[hop].reshape(B, -1, S),
                            session_info[hop],
                            gw1[n_hop], gw2[n_hop], gw3[n_hop])
            nxt.append(v)
        entity_vectors = nxt
    h_global = entity_vectors[0].reshape(B, L, DIM)
    return h_local + h_global


def reference(inputs, adj, mask_item, item, adj_all, num, embedding, a0, a1, a2, a3, gw1, gw2, gw3):
    return _forward(inputs, adj, mask_item, item, adj_all, num, embedding, a0, a1, a2, a3, gw1, gw2, gw3)

if __name__ == "__main__":
    import jax
    _d = setup_inputs()
    print(jax.jit(kernel)(*tuple(_d.values())))

</pallas_src>

<mosaic_0001>
#map = affine_map<(d0, d1) -> (0)>
#map1 = affine_map<(d0, d1) -> (0, 0)>
#map2 = affine_map<(d0, d1) -> (0, 0, 0)>
module attributes {stable_mosaic.version = 14 : i64} {
  func.func @_sc_ev2(%arg0: i32, %arg1: i32, %arg2: memref<230400xi32, #tpu.memory_space<hbm>>, %arg3: memref<100000x128xf32, #tpu.memory_space<hbm>>, %arg4: memref<32x7200x128xf32, #tpu.memory_space<hbm>>, %arg5: memref<7200xi32, #tpu.memory_space<vmem>>, %arg6: memref<120x128xf32, #tpu.memory_space<vmem>>, %arg7: memref<120x128xf32, #tpu.memory_space<vmem>>, %arg8: memref<120x128xf32, #tpu.memory_space<vmem>>, %arg9: memref<120x128xf32, #tpu.memory_space<vmem>>, %arg10: memref<!tpu.dma_semaphore, #tpu.memory_space<semaphore_mem>>, %arg11: memref<!tpu.dma_semaphore, #tpu.memory_space<semaphore_mem>>, %arg12: memref<!tpu.dma_semaphore, #tpu.memory_space<semaphore_mem>>, %arg13: memref<!tpu.dma_semaphore, #tpu.memory_space<semaphore_mem>>, %arg14: memref<!tpu.dma_semaphore, #tpu.memory_space<semaphore_mem>>, %arg15: memref<!tpu.dma_semaphore, #tpu.memory_space<semaphore_mem>>, %arg16: memref<!tpu.dma_semaphore, #tpu.memory_space<semaphore_mem>>, %arg17: memref<!tpu.dma_semaphore, #tpu.memory_space<semaphore_mem>>) attributes {dimension_semantics = [#tpu.dimension_semantics<core_parallel>, #tpu.dimension_semantics<subcore_parallel>], iteration_bounds = array<i64: 2, 16>, scalar_prefetch = 0 : i64, scratch_operands = 13 : i64, tpu.core_type = #tpu.core_type<sc_vector_subcore>, window_params = [{transform_indices = #map}, {transform_indices = #map1}, {transform_indices = #map2}]} {
    %mul3A = arith.constant 2 : i32
    %mul3A_0 = arith.muli %arg1, %mul3A : i32
    %add3A = arith.addi %mul3A_0, %arg0 : i32
    %mul3A_1 = arith.constant 7200 : i32
    %mul3A_2 = arith.muli %add3A, %mul3A_1 : i32
    "tpu.region"() ({
      %run_scoped3A = tpu.sem_alloc : memref<!tpu.dma_semaphore, #tpu.memory_space<semaphore_mem>>
      %dma_start3A_111 = tpu.memref_slice %arg2[%mul3A_2] : memref<230400xi32, #tpu.memory_space<hbm>> -> memref<7200xi32, #tpu.memory_space<hbm>>
      %dma_start3A_112 = tpu.memref_slice %arg2[%mul3A_2] : memref<230400xi32, #tpu.memory_space<hbm>> -> memref<7200xi32, #tpu.memory_space<hbm>>
      tpu.enqueue_dma source(%dma_start3A_112 : memref<7200xi32, #tpu.memory_space<hbm>>) target(%arg5 : memref<7200xi32, #tpu.memory_space<vmem>>) target_semaphore(%run_scoped3A : memref<!tpu.dma_semaphore, #tpu.memory_space<semaphore_mem>>)
      %dma_wait3A_113 = tpu.memref_slice %arg2[%mul3A_2] : memref<230400xi32, #tpu.memory_space<hbm>> -> memref<7200xi32, #tpu.memory_space<hbm>>
      %dma_wait3A_114 = tpu.memref_slice %arg2[%mul3A_2] : memref<230400xi32, #tpu.memory_space<hbm>> -> memref<7200xi32, #tpu.memory_space<hbm>>
      tpu.wait_dma2 semaphore(%run_scoped3A : memref<!tpu.dma_semaphore, #tpu.memory_space<semaphore_mem>>) src(%dma_wait3A_114 : memref<7200xi32, #tpu.memory_space<hbm>>) dst(%arg5 : memref<7200xi32, #tpu.memory_space<vmem>>)
      tpu.yield
    }) : () -> ()
    %dma_start3A = arith.constant 0 : i32
    %dma_start3A_3 = tpu.memref_slice %arg5[%dma_start3A] : memref<7200xi32, #tpu.memory_space<vmem>> -> memref<120xi32, #tpu.memory_space<vmem>>
    %dma_start3A_4 = arith.constant 0 : i32
    %dma_start3A_5 = arith.constant 0 : i32
    %dma_start3A_6 = tpu.memref_slice %arg3[%dma_start3A_4, %dma_start3A_5] : memref<100000x128xf32, #tpu.memory_space<hbm>> -> memref<100000x128xf32, #tpu.memory_space<hbm>>
    tpu.enqueue_indirect_dma source(%dma_start3A_6 : memref<100000x128xf32, #tpu.memory_space<hbm>>) target(%arg6 : memref<120x128xf32, #tpu.memory_space<vmem>>) offsets(%dma_start3A_3 : memref<120xi32, #tpu.memory_space<vmem>>) semaphore(%arg10 : memref<!tpu.dma_semaphore, #tpu.memory_space<semaphore_mem>>)
    %dma_start3A_7 = arith.constant 120 : i32
    %dma_start3A_8 = tpu.memref_slice %arg5[%dma_start3A_7] : memref<7200xi32, #tpu.memory_space<vmem>> -> memref<120xi32, #tpu.memory_space<vmem>>
    %dma_start3A_9 = arith.constant 0 : i32
    %dma_start3A_10 = arith.constant 0 : i32
    %dma_start3A_11 = tpu.memref_slice %arg3[%dma_start3A_9, %dma_start3A_10] : memref<100000x128xf32, #tpu.memory_space<hbm>> -> memref<100000x128xf32, #tpu.memory_space<hbm>>
    tpu.enqueue_indirect_dma source(%dma_start3A_11 : memref<100000x128xf32, #tpu.memory_space<hbm>>) target(%arg7 : memref<120x128xf32, #tpu.memory_space<vmem>>) offsets(%dma_start3A_8 : memref<120xi32, #tpu.memory_space<vmem>>) semaphore(%arg11 : memref<!tpu.dma_semaphore, #tpu.memory_space<semaphore_mem>>)
    %dma_start3A_12 = arith.constant 240 : i32
    %dma_start3A_13 = tpu.memref_slice %arg5[%dma_start3A_12] : memref<7200xi32, #tpu.memory_space<vmem>> -> memref<120xi32, #tpu.memory_space<vmem>>
    %dma_start3A_14 = arith.constant 0 : i32
    %dma_start3A_15 = arith.constant 0 : i32
    %dma_start3A_16 = tpu.memref_slice %arg3[%dma_start3A_14, %dma_start3A_15] : memref<100000x128xf32, #tpu.memory_space<hbm>> -> memref<100000x128xf32, #tpu.memory_space<hbm>>
    tpu.enqueue_indirect_dma source(%dma_start3A_16 : memref<100000x128xf32, #tpu.memory_space<hbm>>) target(%arg8 : memref<120x128xf32, #tpu.memory_space<vmem>>) offsets(%dma_start3A_13 : memref<120xi32, #tpu.memory_space<vmem>>) semaphore(%arg12 : memref<!tpu.dma_semaphore, #tpu.memory_space<semaphore_mem>>)
    %dma_start3A_17 = arith.constant 360 : i32
    %dma_start3A_18 = tpu.memref_slice %arg5[%dma_start3A_17] : memref<7200xi32, #tpu.memory_space<vmem>> -> memref<120xi32, #tpu.memory_space<vmem>>
    %dma_start3A_19 = arith.constant 0 : i32
    %dma_start3A_20 = arith.constant 0 : i32
    %dma_start3A_21 = tpu.memref_slice %arg3[%dma_start3A_19, %dma_start3A_20] : memref<100000x128xf32, #tpu.memory_space<hbm>> -> memref<100000x128xf32, #tpu.memory_space<hbm>>
    tpu.enqueue_indirect_dma source(%dma_start3A_21 : memref<100000x128xf32, #tpu.memory_space<hbm>>) target(%arg9 : memref<120x128xf32, #tpu.memory_space<vmem>>) offsets(%dma_start3A_18 : memref<120xi32, #tpu.memory_space<vmem>>) semaphore(%arg13 : memref<!tpu.dma_semaphore, #tpu.memory_space<semaphore_mem>>)
    %scan3A = arith.constant 0 : i32
    %scan3A_22 = arith.constant 0 : i32
    %scan3A_23 = arith.constant 14 : i32
    %scan3A_24 = arith.addi %scan3A_22, %scan3A_23 : i32
    %scan3A_25 = arith.constant 1 : i32
    %scan3A_26 = scf.for %scan3A_111 = %scan3A_22 to %scan3A_24 step %scan3A_25 iter_args(%scan3A_112 = %scan3A) -> (i32)  : i32 {
      %mul3A_113 = arith.constant 4 : i32
      %mul3A_114 = arith.muli %mul3A_113, %scan3A_111 : i32
      %add3A_115 = arith.constant 0 : i32
      %add3A_116 = arith.addi %mul3A_114, %add3A_115 : i32
      %dma_wait3A_117 = arith.constant 0 : i32
      %dma_wait3A_118 = tpu.memref_slice %arg5[%dma_wait3A_117] : memref<7200xi32, #tpu.memory_space<vmem>> -> memref<120xi32, #tpu.memory_space<vmem>>
      %dma_wait3A_119 = arith.constant 0 : i32
      %dma_wait3A_120 = arith.constant 0 : i32
      %dma_wait3A_121 = tpu.memref_slice %arg3[%dma_wait3A_119, %dma_wait3A_120] : memref<100000x128xf32, #tpu.memory_space<hbm>> -> memref<100000x128xf32, #tpu.memory_space<hbm>>
      tpu.wait_indirect_dma semaphore(%arg10 : memref<!tpu.dma_semaphore, #tpu.memory_space<semaphore_mem>>) src(%dma_wait3A_121 : memref<100000x128xf32, #tpu.memory_space<hbm>>) dst(%arg6 : memref<120x128xf32, #tpu.memory_space<vmem>>)
      %mul3A_122 = arith.constant 120 : i32
      %mul3A_123 = arith.muli %add3A_116, %mul3A_122 : i32
      %dma_start3A_124 = arith.constant 0 : i32
      %dma_start3A_125 = tpu.memref_slice %arg4[%add3A, %mul3A_123, %dma_start3A_124] : memref<32x7200x128xf32, #tpu.memory_space<hbm>> -> memref<1x120x128xf32, #tpu.memory_space<hbm>>
      %dma_start3A_126 = tpu.memref_squeeze %dma_start3A_125 : memref<1x120x128xf32, #tpu.memory_space<hbm>> -> memref<120x128xf32, #tpu.memory_space<hbm>>
      %dma_start3A_127 = arith.constant 0 : i32
      %dma_start3A_128 = tpu.memref_slice %arg4[%add3A, %mul3A_123, %dma_start3A_127] : memref<32x7200x128xf32, #tpu.memory_space<hbm>> -> memref<1x120x128xf32, #tpu.memory_space<hbm>>
      %dma_start3A_129 = tpu.memref_squeeze %dma_start3A_128 : memref<1x120x128xf32, #tpu.memory_space<hbm>> -> memref<120x128xf32, #tpu.memory_space<hbm>>
      tpu.enqueue_dma source(%arg6 : memref<120x128xf32, #tpu.memory_space<vmem>>) target(%dma_start3A_129 : memref<120x128xf32, #tpu.memory_space<hbm>>) target_semaphore(%arg14 : memref<!tpu.dma_semaphore, #tpu.memory_space<semaphore_mem>>)
      %mul3A_130 = arith.constant 4 : i32
      %mul3A_131 = arith.muli %mul3A_130, %scan3A_111 : i32
      %add3A_132 = arith.constant 1 : i32
      %add3A_133 = arith.addi %mul3A_131, %add3A_132 : i32
      %dma_wait3A_134 = arith.constant 0 : i32
      %dma_wait3A_135 = tpu.memref_slice %arg5[%dma_wait3A_134] : memref<7200xi32, #tpu.memory_space<vmem>> -> memref<120xi32, #tpu.memory_space<vmem>>
      %dma_wait3A_136 = arith.constant 0 : i32
      %dma_wait3A_137 = arith.constant 0 : i32
      %dma_wait3A_138 = tpu.memref_slice %arg3[%dma_wait3A_136, %dma_wait3A_137] : memref<100000x128xf32, #tpu.memory_space<hbm>> -> memref<100000x128xf32, #tpu.memory_space<hbm>>
      tpu.wait_indirect_dma semaphore(%arg11 : memref<!tpu.dma_semaphore, #tpu.memory_space<semaphore_mem>>) src(%dma_wait3A_138 : memref<100000x128xf32, #tpu.memory_space<hbm>>) dst(%arg7 : memref<120x128xf32, #tpu.memory_space<vmem>>)
      %mul3A_139 = arith.constant 120 : i32
      %mul3A_140 = arith.muli %add3A_133, %mul3A_139 : i32
      %dma_start3A_141 = arith.constant 0 : i32
      %dma_start3A_142 = tpu.memref_slice %arg4[%add3A, %mul3A_140, %dma_start3A_141] : memref<32x7200x128xf32, #tpu.memory_space<hbm>> -> memref<1x120x128xf32, #tpu.memory_space<hbm>>
      %dma_start3A_143 = tpu.memref_squeeze %dma_start3A_142 : memref<1x120x128xf32, #tpu.memory_space<hbm>> -> memref<120x128xf32, #tpu.memory_space<hbm>>
      %dma_start3A_144 = arith.constant 0 : i32
      %dma_start3A_145 = tpu.memref_slice %arg4[%add3A, %mul3A_140, %dma_start3A_144] : memref<32x7200x128xf32, #tpu.memory_space<hbm>> -> memref<1x120x128xf32, #tpu.memory_space<hbm>>
      %dma_start3A_146 = tpu.memref_squeeze %dma_start3A_145 : memref<1x120x128xf32, #tpu.memory_space<hbm>> -> memref<120x128xf32, #tpu.memory_space<hbm>>
      tpu.enqueue_dma source(%arg7 : memref<120x128xf32, #tpu.memory_space<vmem>>) target(%dma_start3A_146 : memref<120x128xf32, #tpu.memory_space<hbm>>) target_semaphore(%arg15 : memref<!tpu.dma_semaphore, #tpu.memory_space<semaphore_mem>>)
      %mul3A_147 = arith.constant 4 : i32
      %mul3A_148 = arith.muli %mul3A_147, %scan3A_111 : i32
      %add3A_149 = arith.constant 2 : i32
      %add3A_150 = arith.addi %mul3A_148, %add3A_149 : i32
      %dma_wait3A_151 = arith.constant 0 : i32
      %dma_wait3A_152 = tpu.memref_slice %arg5[%dma_wait3A_151] : memref<7200xi32, #tpu.memory_space<vmem>> -> memref<120xi32, #tpu.memory_space<vmem>>
      %dma_wait3A_153 = arith.constant 0 : i32
      %dma_wait3A_154 = arith.constant 0 : i32
      %dma_wait3A_155 = tpu.memref_slice %arg3[%dma_wait3A_153, %dma_wait3A_154] : memref<100000x128xf32, #tpu.memory_space<hbm>> -> memref<100000x128xf32, #tpu.memory_space<hbm>>
      tpu.wait_indirect_dma semaphore(%arg12 : memref<!tpu.dma_semaphore, #tpu.memory_space<semaphore_mem>>) src(%dma_wait3A_155 : memref<100000x128xf32, #tpu.memory_space<hbm>>) dst(%arg8 : memref<120x128xf32, #tpu.memory_space<vmem>>)
      %mul3A_156 = arith.constant 120 : i32
      %mul3A_157 = arith.muli %add3A_150, %mul3A_156 : i32
      %dma_start3A_158 = arith.constant 0 : i32
      %dma_start3A_159 = tpu.memref_slice %arg4[%add3A, %mul3A_157, %dma_start3A_158] : memref<32x7200x128xf32, #tpu.memory_space<hbm>> -> memref<1x120x128xf32, #tpu.memory_space<hbm>>
      %dma_start3A_160 = tpu.memref_squeeze %dma_start3A_159 : memref<1x120x128xf32, #tpu.memory_space<hbm>> -> memref<120x128xf32, #tpu.memory_space<hbm>>
      %dma_start3A_161 = arith.constant 0 : i32
      %dma_start3A_162 = tpu.memref_slice %arg4[%add3A, %mul3A_157, %dma_start3A_161] : memref<32x7200x128xf32, #tpu.memory_space<hbm>> -> memref<1x120x128xf32, #tpu.memory_space<hbm>>
      %dma_start3A_163 = tpu.memref_squeeze %dma_start3A_162 : memref<1x120x128xf32, #tpu.memory_space<hbm>> -> memref<120x128xf32, #tpu.memory_space<hbm>>
      tpu.enqueue_dma source(%arg8 : memref<120x128xf32, #tpu.memory_space<vmem>>) target(%dma_start3A_163 : memref<120x128xf32, #tpu.memory_space<hbm>>) target_semaphore(%arg16 : memref<!tpu.dma_semaphore, #tpu.memory_space<semaphore_mem>>)
      %mul3A_164 = arith.constant 4 : i32
      %mul3A_165 = arith.muli %mul3A_164, %scan3A_111 : i32
      %add3A_166 = arith.constant 3 : i32
      %add3A_167 = arith.addi %mul3A_165, %add3A_166 : i32
      %dma_wait3A_168 = arith.constant 0 : i32
      %dma_wait3A_169 = tpu.memref_slice %arg5[%dma_wait3A_168] : memref<7200xi32, #tpu.memory_space<vmem>> -> memref<120xi32, #tpu.memory_space<vmem>>
      %dma_wait3A_170 = arith.constant 0 : i32
      %dma_wait3A_171 = arith.constant 0 : i32
      %dma_wait3A_172 = tpu.memref_slice %arg3[%dma_wait3A_170, %dma_wait3A_171] : memref<100000x128xf32, #tpu.memory_space<hbm>> -> memref<100000x128xf32, #tpu.memory_space<hbm>>
      tpu.wait_indirect_dma semaphore(%arg13 : memref<!tpu.dma_semaphore, #tpu.memory_space<semaphore_mem>>) src(%dma_wait3A_172 : memref<100000x128xf32, #tpu.memory_space<hbm>>) dst(%arg9 : memref<120x128xf32, #tpu.memory_space<vmem>>)
      %mul3A_173 = arith.constant 120 : i32
      %mul3A_174 = arith.muli %add3A_167, %mul3A_173 : i32
      %dma_start3A_175 = arith.constant 0 : i32
      %dma_start3A_176 = tpu.memref_slice %arg4[%add3A, %mul3A_174, %dma_start3A_175] : memref<32x7200x128xf32, #tpu.memory_space<hbm>> -> memref<1x120x128xf32, #tpu.memory_space<hbm>>
      %dma_start3A_177 = tpu.memref_squeeze %dma_start3A_176 : memref<1x120x128xf32, #tpu.memory_space<hbm>> -> memref<120x128xf32, #tpu.memory_space<hbm>>
      %dma_start3A_178 = arith.constant 0 : i32
      %dma_start3A_179 = tpu.memref_slice %arg4[%add3A, %mul3A_174, %dma_start3A_178] : memref<32x7200x128xf32, #tpu.memory_space<hbm>> -> memref<1x120x128xf32, #tpu.memory_space<hbm>>
      %dma_start3A_180 = tpu.memref_squeeze %dma_start3A_179 : memref<1x120x128xf32, #tpu.memory_space<hbm>> -> memref<120x128xf32, #tpu.memory_space<hbm>>
      tpu.enqueue_dma source(%arg9 : memref<120x128xf32, #tpu.memory_space<vmem>>) target(%dma_start3A_180 : memref<120x128xf32, #tpu.memory_space<hbm>>) target_semaphore(%arg17 : memref<!tpu.dma_semaphore, #tpu.memory_space<semaphore_mem>>)
      %mul3A_181 = arith.constant 4 : i32
      %mul3A_182 = arith.muli %mul3A_181, %scan3A_111 : i32
      %add3A_183 = arith.constant 0 : i32
      %add3A_184 = arith.addi %mul3A_182, %add3A_183 : i32
      %dma_wait3A_185 = arith.constant 0 : i32
      %dma_wait3A_186 = arith.constant 0 : i32
      %dma_wait3A_187 = tpu.memref_slice %arg4[%add3A, %dma_wait3A_185, %dma_wait3A_186] : memref<32x7200x128xf32, #tpu.memory_space<hbm>> -> memref<1x120x128xf32, #tpu.memory_space<hbm>>
      %dma_wait3A_188 = tpu.memref_squeeze %dma_wait3A_187 : memref<1x120x128xf32, #tpu.memory_space<hbm>> -> memref<120x128xf32, #tpu.memory_space<hbm>>
      %dma_wait3A_189 = arith.constant 0 : i32
      %dma_wait3A_190 = arith.constant 0 : i32
      %dma_wait3A_191 = tpu.memref_slice %arg4[%add3A, %dma_wait3A_189, %dma_wait3A_190] : memref<32x7200x128xf32, #tpu.memory_space<hbm>> -> memref<1x120x128xf32, #tpu.memory_space<hbm>>
      %dma_wait3A_192 = tpu.memref_squeeze %dma_wait3A_191 : memref<1x120x128xf32, #tpu.memory_space<hbm>> -> memref<120x128xf32, #tpu.memory_space<hbm>>
      tpu.wait_dma2 semaphore(%arg14 : memref<!tpu.dma_semaphore, #tpu.memory_space<semaphore_mem>>) src(%arg6 : memref<120x128xf32, #tpu.memory_space<vmem>>) dst(%dma_wait3A_192 : memref<120x128xf32, #tpu.memory_space<hbm>>)
      %add3A_193 = arith.constant 4 : i32
      %add3A_194 = arith.addi %add3A_184, %add3A_193 : i32
      %mul3A_195 = arith.constant 120 : i32
      %mul3A_196 = arith.muli %add3A_194, %mul3A_195 : i32
      %dma_start3A_197 = tpu.memref_slice %arg5[%mul3A_196] : memref<7200xi32, #tpu.memory_space<vmem>> -> memref<120xi32, #tpu.memory_space<vmem>>
      %dma_start3A_198 = arith.constant 0 : i32
      %dma_start3A_199 = arith.constant 0 : i32
      %dma_start3A_200 = tpu.memref_slice %arg3[%dma_start3A_198, %dma_start3A_199] : memref<100000x128xf32, #tpu.memory_space<hbm>> -> memref<100000x128xf32, #tpu.memory_space<hbm>>
      tpu.enqueue_indirect_dma source(%dma_start3A_200 : memref<100000x128xf32, #tpu.memory_space<hbm>>) target(%arg6 : memref<120x128xf32, #tpu.memory_space<vmem>>) offsets(%dma_start3A_197 : memref<120xi32, #tpu.memory_space<vmem>>) semaphore(%arg10 : memref<!tpu.dma_semaphore, #tpu.memory_space<semaphore_mem>>)
      %mul3A_201 = arith.constant 4 : i32
      %mul3A_202 = arith.muli %mul3A_201, %scan3A_111 : i32
      %add3A_203 = arith.constant 1 : i32
      %add3A_204 = arith.addi %mul3A_202, %add3A_203 : i32
      %dma_wait3A_205 = arith.constant 0 : i32
      %dma_wait3A_206 = arith.constant 0 : i32
      %dma_wait3A_207 = tpu.memref_slice %arg4[%add3A, %dma_wait3A_205, %dma_wait3A_206] : memref<32x7200x128xf32, #tpu.memory_space<hbm>> -> memref<1x120x128xf32, #tpu.memory_space<hbm>>
      %dma_wait3A_208 = tpu.memref_squeeze %dma_wait3A_207 : memref<1x120x128xf32, #tpu.memory_space<hbm>> -> memref<120x128xf32, #tpu.memory_space<hbm>>
      %dma_wait3A_209 = arith.constant 0 : i32
      %dma_wait3A_210 = arith.constant 0 : i32
      %dma_wait3A_211 = tpu.memref_slice %arg4[%add3A, %dma_wait3A_209, %dma_wait3A_210] : memref<32x7200x128xf32, #tpu.memory_space<hbm>> -> memref<1x120x128xf32, #tpu.memory_space<hbm>>
      %dma_wait3A_212 = tpu.memref_squeeze %dma_wait3A_211 : memref<1x120x128xf32, #tpu.memory_space<hbm>> -> memref<120x128xf32, #tpu.memory_space<hbm>>
      tpu.wait_dma2 semaphore(%arg15 : memref<!tpu.dma_semaphore, #tpu.memory_space<semaphore_mem>>) src(%arg7 : memref<120x128xf32, #tpu.memory_space<vmem>>) dst(%dma_wait3A_212 : memref<120x128xf32, #tpu.memory_space<hbm>>)
      %add3A_213 = arith.constant 4 : i32
      %add3A_214 = arith.addi %add3A_204, %add3A_213 : i32
      %mul3A_215 = arith.constant 120 : i32
      %mul3A_216 = arith.muli %add3A_214, %mul3A_215 : i32
      %dma_start3A_217 = tpu.memref_slice %arg5[%mul3A_216] : memref<7200xi32, #tpu.memory_space<vmem>> -> memref<120xi32, #tpu.memory_space<vmem>>
      %dma_start3A_218 = arith.constant 0 : i32
      %dma_start3A_219 = arith.constant 0 : i32
      %dma_start3A_220 = tpu.memref_slice %arg3[%dma_start3A_218, %dma_start3A_219] : memref<100000x128xf32, #tpu.memory_space<hbm>> -> memref<100000x128xf32, #tpu.memory_space<hbm>>
      tpu.enqueue_indirect_dma source(%dma_start3A_220 : memref<100000x128xf32, #tpu.memory_space<hbm>>) target(%arg7 : memref<120x128xf32, #tpu.memory_space<vmem>>) offsets(%dma_start3A_217 : memref<120xi32, #tpu.memory_space<vmem>>) semaphore(%arg11 : memref<!tpu.dma_semaphore, #tpu.memory_space<semaphore_mem>>)
      %mul3A_221 = arith.constant 4 : i32
      %mul3A_222 = arith.muli %mul3A_221, %scan3A_111 : i32
      %add3A_223 = arith.constant 2 : i32
      %add3A_224 = arith.addi %mul3A_222, %add3A_223 : i32
      %dma_wait3A_225 = arith.constant 0 : i32
      %dma_wait3A_226 = arith.constant 0 : i32
      %dma_wait3A_227 = tpu.memref_slice %arg4[%add3A, %dma_wait3A_225, %dma_wait3A_226] : memref<32x7200x128xf32, #tpu.memory_space<hbm>> -> memref<1x120x128xf32, #tpu.memory_space<hbm>>
      %dma_wait3A_228 = tpu.memref_squeeze %dma_wait3A_227 : memref<1x120x128xf32, #tpu.memory_space<hbm>> -> memref<120x128xf32, #tpu.memory_space<hbm>>
      %dma_wait3A_229 = arith.constant 0 : i32
      %dma_wait3A_230 = arith.constant 0 : i32
      %dma_wait3A_231 = tpu.memref_slice %arg4[%add3A, %dma_wait3A_229, %dma_wait3A_230] : memref<32x7200x128xf32, #tpu.memory_space<hbm>> -> memref<1x120x128xf32, #tpu.memory_space<hbm>>
      %dma_wait3A_232 = tpu.memref_squeeze %dma_wait3A_231 : memref<1x120x128xf32, #tpu.memory_space<hbm>> -> memref<120x128xf32, #tpu.memory_space<hbm>>
      tpu.wait_dma2 semaphore(%arg16 : memref<!tpu.dma_semaphore, #tpu.memory_space<semaphore_mem>>) src(%arg8 : memref<120x128xf32, #tpu.memory_space<vmem>>) dst(%dma_wait3A_232 : memref<120x128xf32, #tpu.memory_space<hbm>>)
      %add3A_233 = arith.constant 4 : i32
      %add3A_234 = arith.addi %add3A_224, %add3A_233 : i32
      %mul3A_235 = arith.constant 120 : i32
      %mul3A_236 = arith.muli %add3A_234, %mul3A_235 : i32
      %dma_start3A_237 = tpu.memref_slice %arg5[%mul3A_236] : memref<7200xi32, #tpu.memory_space<vmem>> -> memref<120xi32, #tpu.memory_space<vmem>>
      %dma_start3A_238 = arith.constant 0 : i32
      %dma_start3A_239 = arith.constant 0 : i32
      %dma_start3A_240 = tpu.memref_slice %arg3[%dma_start3A_238, %dma_start3A_239] : memref<100000x128xf32, #tpu.memory_space<hbm>> -> memref<100000x128xf32, #tpu.memory_space<hbm>>
      tpu.enqueue_indirect_dma source(%dma_start3A_240 : memref<100000x128xf32, #tpu.memory_space<hbm>>) target(%arg8 : memref<120x128xf32, #tpu.memory_space<vmem>>) offsets(%dma_start3A_237 : memref<120xi32, #tpu.memory_space<vmem>>) semaphore(%arg12 : memref<!tpu.dma_semaphore, #tpu.memory_space<semaphore_mem>>)
      %mul3A_241 = arith.constant 4 : i32
      %mul3A_242 = arith.muli %mul3A_241, %scan3A_111 : i32
      %add3A_243 = arith.constant 3 : i32
      %add3A_244 = arith.addi %mul3A_242, %add3A_243 : i32
      %dma_wait3A_245 = arith.constant 0 : i32
      %dma_wait3A_246 = arith.constant 0 : i32
      %dma_wait3A_247 = tpu.memref_slice %arg4[%add3A, %dma_wait3A_245, %dma_wait3A_246] : memref<32x7200x128xf32, #tpu.memory_space<hbm>> -> memref<1x120x128xf32, #tpu.memory_space<hbm>>
      %dma_wait3A_248 = tpu.memref_squeeze %dma_wait3A_247 : memref<1x120x128xf32, #tpu.memory_space<hbm>> -> memref<120x128xf32, #tpu.memory_space<hbm>>
      %dma_wait3A_249 = arith.constant 0 : i32
      %dma_wait3A_250 = arith.constant 0 : i32
      %dma_wait3A_251 = tpu.memref_slice %arg4[%add3A, %dma_wait3A_249, %dma_wait3A_250] : memref<32x7200x128xf32, #tpu.memory_space<hbm>> -> memref<1x120x128xf32, #tpu.memory_space<hbm>>
      %dma_wait3A_252 = tpu.memref_squeeze %dma_wait3A_251 : memref<1x120x128xf32, #tpu.memory_space<hbm>> -> memref<120x128xf32, #tpu.memory_space<hbm>>
      tpu.wait_dma2 semaphore(%arg17 : memref<!tpu.dma_semaphore, #tpu.memory_space<semaphore_mem>>) src(%arg9 : memref<120x128xf32, #tpu.memory_space<vmem>>) dst(%dma_wait3A_252 : memref<120x128xf32, #tpu.memory_space<hbm>>)
      %add3A_253 = arith.constant 4 : i32
      %add3A_254 = arith.addi %add3A_244, %add3A_253 : i32
      %mul3A_255 = arith.constant 120 : i32
      %mul3A_256 = arith.muli %add3A_254, %mul3A_255 : i32
      %dma_start3A_257 = tpu.memref_slice %arg5[%mul3A_256] : memref<7200xi32, #tpu.memory_space<vmem>> -> memref<120xi32, #tpu.memory_space<vmem>>
      %dma_start3A_258 = arith.constant 0 : i32
      %dma_start3A_259 = arith.constant 0 : i32
      %dma_start3A_260 = tpu.memref_slice %arg3[%dma_start3A_258, %dma_start3A_259] : memref<100000x128xf32, #tpu.memory_space<hbm>> -> memref<100000x128xf32, #tpu.memory_space<hbm>>
      tpu.enqueue_indirect_dma source(%dma_start3A_260 : memref<100000x128xf32, #tpu.memory_space<hbm>>) target(%arg9 : memref<120x128xf32, #tpu.memory_space<vmem>>) offsets(%dma_start3A_257 : memref<120xi32, #tpu.memory_space<vmem>>) semaphore(%arg13 : memref<!tpu.dma_semaphore, #tpu.memory_space<semaphore_mem>>)
      %scan3A_261 = arith.constant 0 : i32
      scf.yield %scan3A_261 : i32
    }
    %scan3A_27 = arith.constant 14 : i32
    %dma_wait3A = arith.constant 0 : i32
    %dma_wait3A_28 = tpu.memref_slice %arg5[%dma_wait3A] : memref<7200xi32, #tpu.memory_space<vmem>> -> memref<120xi32, #tpu.memory_space<vmem>>
    %dma_wait3A_29 = arith.constant 0 : i32
    %dma_wait3A_30 = arith.constant 0 : i32
    %dma_wait3A_31 = tpu.memref_slice %arg3[%dma_wait3A_29, %dma_wait3A_30] : memref<100000x128xf32, #tpu.memory_space<hbm>> -> memref<100000x128xf32, #tpu.memory_space<hbm>>
    tpu.wait_indirect_dma semaphore(%arg10 : memref<!tpu.dma_semaphore, #tpu.memory_space<semaphore_mem>>) src(%dma_wait3A_31 : memref<100000x128xf32, #tpu.memory_space<hbm>>) dst(%arg6 : memref<120x128xf32, #tpu.memory_space<vmem>>)
    %dma_start3A_32 = arith.constant 6720 : i32
    %dma_start3A_33 = arith.constant 0 : i32
    %dma_start3A_34 = tpu.memref_slice %arg4[%add3A, %dma_start3A_32, %dma_start3A_33] : memref<32x7200x128xf32, #tpu.memory_space<hbm>> -> memref<1x120x128xf32, #tpu.memory_space<hbm>>
    %dma_start3A_35 = tpu.memref_squeeze %dma_start3A_34 : memref<1x120x128xf32, #tpu.memory_space<hbm>> -> memref<120x128xf32, #tpu.memory_space<hbm>>
    %dma_start3A_36 = arith.constant 6720 : i32
    %dma_start3A_37 = arith.constant 0 : i32
    %dma_start3A_38 = tpu.memref_slice %arg4[%add3A, %dma_start3A_36, %dma_start3A_37] : memref<32x7200x128xf32, #tpu.memory_space<hbm>> -> memref<1x120x128xf32, #tpu.memory_space<hbm>>
    %dma_start3A_39 = tpu.memref_squeeze %dma_start3A_38 : memref<1x120x128xf32, #tpu.memory_space<hbm>> -> memref<120x128xf32, #tpu.memory_space<hbm>>
    tpu.enqueue_dma source(%arg6 : memref<120x128xf32, #tpu.memory_space<vmem>>) target(%dma_start3A_39 : memref<120x128xf32, #tpu.memory_space<hbm>>) target_semaphore(%arg14 : memref<!tpu.dma_semaphore, #tpu.memory_space<semaphore_mem>>)
    %dma_wait3A_40 = arith.constant 0 : i32
    %dma_wait3A_41 = tpu.memref_slice %arg5[%dma_wait3A_40] : memref<7200xi32, #tpu.memory_space<vmem>> -> memref<120xi32, #tpu.memory_space<vmem>>
    %dma_wait3A_42 = arith.constant 0 : i32
    %dma_wait3A_43 = arith.constant 0 : i32
    %dma_wait3A_44 = tpu.memref_slice %arg3[%dma_wait3A_42, %dma_wait3A_43] : memref<100000x128xf32, #tpu.memory_space<hbm>> -> memref<100000x128xf32, #tpu.memory_space<hbm>>
    tpu.wait_indirect_dma semaphore(%arg11 : memref<!tpu.dma_semaphore, #tpu.memory_space<semaphore_mem>>) src(%dma_wait3A_44 : memref<100000x128xf32, #tpu.memory_space<hbm>>) dst(%arg7 : memref<120x128xf32, #tpu.memory_space<vmem>>)
    %dma_start3A_45 = arith.constant 6840 : i32
    %dma_start3A_46 = arith.constant 0 : i32
    %dma_start3A_47 = tpu.memref_slice %arg4[%add3A, %dma_start3A_45, %dma_start3A_46] : memref<32x7200x128xf32, #tpu.memory_space<hbm>> -> memref<1x120x128xf32, #tpu.memory_space<hbm>>
    %dma_start3A_48 = tpu.memref_squeeze %dma_start3A_47 : memref<1x120x128xf32, #tpu.memory_space<hbm>> -> memref<120x128xf32, #tpu.memory_space<hbm>>
    %dma_start3A_49 = arith.constant 6840 : i32
    %dma_start3A_50 = arith.constant 0 : i32
    %dma_start3A_51 = tpu.memref_slice %arg4[%add3A, %dma_start3A_49, %dma_start3A_50] : memref<32x7200x128xf32, #tpu.memory_space<hbm>> -> memref<1x120x128xf32, #tpu.memory_space<hbm>>
    %dma_start3A_52 = tpu.memref_squeeze %dma_start3A_51 : memref<1x120x128xf32, #tpu.memory_space<hbm>> -> memref<120x128xf32, #tpu.memory_space<hbm>>
    tpu.enqueue_dma source(%arg7 : memref<120x128xf32, #tpu.memory_space<vmem>>) target(%dma_start3A_52 : memref<120x128xf32, #tpu.memory_space<hbm>>) target_semaphore(%arg15 : memref<!tpu.dma_semaphore, #tpu.memory_space<semaphore_mem>>)
    %dma_wait3A_53 = arith.constant 0 : i32
    %dma_wait3A_54 = tpu.memref_slice %arg5[%dma_wait3A_53] : memref<7200xi32, #tpu.memory_space<vmem>> -> memref<120xi32, #tpu.memory_space<vmem>>
    %dma_wait3A_55 = arith.constant 0 : i32
    %dma_wait3A_56 = arith.constant 0 : i32
    %dma_wait3A_57 = tpu.memref_slice %arg3[%dma_wait3A_55, %dma_wait3A_56] : memref<100000x128xf32, #tpu.memory_space<hbm>> -> memref<100000x128xf32, #tpu.memory_space<hbm>>
    tpu.wait_indirect_dma semaphore(%arg12 : memref<!tpu.dma_semaphore, #tpu.memory_space<semaphore_mem>>) src(%dma_wait3A_57 : memref<100000x128xf32, #tpu.memory_space<hbm>>) dst(%arg8 : memref<120x128xf32, #tpu.memory_space<vmem>>)
    %dma_start3A_58 = arith.constant 6960 : i32
    %dma_start3A_59 = arith.constant 0 : i32
    %dma_start3A_60 = tpu.memref_slice %arg4[%add3A, %dma_start3A_58, %dma_start3A_59] : memref<32x7200x128xf32, #tpu.memory_space<hbm>> -> memref<1x120x128xf32, #tpu.memory_space<hbm>>
    %dma_start3A_61 = tpu.memref_squeeze %dma_start3A_60 : memref<1x120x128xf32, #tpu.memory_space<hbm>> -> memref<120x128xf32, #tpu.memory_space<hbm>>
    %dma_start3A_62 = arith.constant 6960 : i32
    %dma_start3A_63 = arith.constant 0 : i32
    %dma_start3A_64 = tpu.memref_slice %arg4[%add3A, %dma_start3A_62, %dma_start3A_63] : memref<32x7200x128xf32, #tpu.memory_space<hbm>> -> memref<1x120x128xf32, #tpu.memory_space<hbm>>
    %dma_start3A_65 = tpu.memref_squeeze %dma_start3A_64 : memref<1x120x128xf32, #tpu.memory_space<hbm>> -> memref<120x128xf32, #tpu.memory_space<hbm>>
    tpu.enqueue_dma source(%arg8 : memref<120x128xf32, #tpu.memory_space<vmem>>) target(%dma_start3A_65 : memref<120x128xf32, #tpu.memory_space<hbm>>) target_semaphore(%arg16 : memref<!tpu.dma_semaphore, #tpu.memory_space<semaphore_mem>>)
    %dma_wait3A_66 = arith.constant 0 : i32
    %dma_wait3A_67 = tpu.memref_slice %arg5[%dma_wait3A_66] : memref<7200xi32, #tpu.memory_space<vmem>> -> memref<120xi32, #tpu.memory_space<vmem>>
    %dma_wait3A_68 = arith.constant 0 : i32
    %dma_wait3A_69 = arith.constant 0 : i32
    %dma_wait3A_70 = tpu.memref_slice %arg3[%dma_wait3A_68, %dma_wait3A_69] : memref<100000x128xf32, #tpu.memory_space<hbm>> -> memref<100000x128xf32, #tpu.memory_space<hbm>>
    tpu.wait_indirect_dma semaphore(%arg13 : memref<!tpu.dma_semaphore, #tpu.memory_space<semaphore_mem>>) src(%dma_wait3A_70 : memref<100000x128xf32, #tpu.memory_space<hbm>>) dst(%arg9 : memref<120x128xf32, #tpu.memory_space<vmem>>)
    %dma_start3A_71 = arith.constant 7080 : i32
    %dma_start3A_72 = arith.constant 0 : i32
    %dma_start3A_73 = tpu.memref_slice %arg4[%add3A, %dma_start3A_71, %dma_start3A_72] : memref<32x7200x128xf32, #tpu.memory_space<hbm>> -> memref<1x120x128xf32, #tpu.memory_space<hbm>>
    %dma_start3A_74 = tpu.memref_squeeze %dma_start3A_73 : memref<1x120x128xf32, #tpu.memory_space<hbm>> -> memref<120x128xf32, #tpu.memory_space<hbm>>
    %dma_start3A_75 = arith.constant 7080 : i32
    %dma_start3A_76 = arith.constant 0 : i32
    %dma_start3A_77 = tpu.memref_slice %arg4[%add3A, %dma_start3A_75, %dma_start3A_76] : memref<32x7200x128xf32, #tpu.memory_space<hbm>> -> memref<1x120x128xf32, #tpu.memory_space<hbm>>
    %dma_start3A_78 = tpu.memref_squeeze %dma_start3A_77 : memref<1x120x128xf32, #tpu.memory_space<hbm>> -> memref<120x128xf32, #tpu.memory_space<hbm>>
    tpu.enqueue_dma source(%arg9 : memref<120x128xf32, #tpu.memory_space<vmem>>) target(%dma_start3A_78 : memref<120x128xf32, #tpu.memory_space<hbm>>) target_semaphore(%arg17 : memref<!tpu.dma_semaphore, #tpu.memory_space<semaphore_mem>>)
    %dma_wait3A_79 = arith.constant 0 : i32
    %dma_wait3A_80 = arith.constant 0 : i32
    %dma_wait3A_81 = tpu.memref_slice %arg4[%add3A, %dma_wait3A_79, %dma_wait3A_80] : memref<32x7200x128xf32, #tpu.memory_space<hbm>> -> memref<1x120x128xf32, #tpu.memory_space<hbm>>
    %dma_wait3A_82 = tpu.memref_squeeze %dma_wait3A_81 : memref<1x120x128xf32, #tpu.memory_space<hbm>> -> memref<120x128xf32, #tpu.memory_space<hbm>>
    %dma_wait3A_83 = arith.constant 0 : i32
    %dma_wait3A_84 = arith.constant 0 : i32
    %dma_wait3A_85 = tpu.memref_slice %arg4[%add3A, %dma_wait3A_83, %dma_wait3A_84] : memref<32x7200x128xf32, #tpu.memory_space<hbm>> -> memref<1x120x128xf32, #tpu.memory_space<hbm>>
    %dma_wait3A_86 = tpu.memref_squeeze %dma_wait3A_85 : memref<1x120x128xf32, #tpu.memory_space<hbm>> -> memref<120x128xf32, #tpu.memory_space<hbm>>
    tpu.wait_dma2 semaphore(%arg14 : memref<!tpu.dma_semaphore, #tpu.memory_space<semaphore_mem>>) src(%arg6 : memref<120x128xf32, #tpu.memory_space<vmem>>) dst(%dma_wait3A_86 : memref<120x128xf32, #tpu.memory_space<hbm>>)
    %dma_wait3A_87 = arith.constant 0 : i32
    %dma_wait3A_88 = arith.constant 0 : i32
    %dma_wait3A_89 = tpu.memref_slice %arg4[%add3A, %dma_wait3A_87, %dma_wait3A_88] : memref<32x7200x128xf32, #tpu.memory_space<hbm>> -> memref<1x120x128xf32, #tpu.memory_space<hbm>>
    %dma_wait3A_90 = tpu.memref_squeeze %dma_wait3A_89 : memref<1x120x128xf32, #tpu.memory_space<hbm>> -> memref<120x128xf32, #tpu.memory_space<hbm>>
    %dma_wait3A_91 = arith.constant 0 : i32
    %dma_wait3A_92 = arith.constant 0 : i32
    %dma_wait3A_93 = tpu.memref_slice %arg4[%add3A, %dma_wait3A_91, %dma_wait3A_92] : memref<32x7200x128xf32, #tpu.memory_space<hbm>> -> memref<1x120x128xf32, #tpu.memory_space<hbm>>
    %dma_wait3A_94 = tpu.memref_squeeze %dma_wait3A_93 : memref<1x120x128xf32, #tpu.memory_space<hbm>> -> memref<120x128xf32, #tpu.memory_space<hbm>>
    tpu.wait_dma2 semaphore(%arg15 : memref<!tpu.dma_semaphore, #tpu.memory_space<semaphore_mem>>) src(%arg7 : memref<120x128xf32, #tpu.memory_space<vmem>>) dst(%dma_wait3A_94 : memref<120x128xf32, #tpu.memory_space<hbm>>)
    %dma_wait3A_95 = arith.constant 0 : i32
    %dma_wait3A_96 = arith.constant 0 : i32
    %dma_wait3A_97 = tpu.memref_slice %arg4[%add3A, %dma_wait3A_95, %dma_wait3A_96] : memref<32x7200x128xf32, #tpu.memory_space<hbm>> -> memref<1x120x128xf32, #tpu.memory_space<hbm>>
    %dma_wait3A_98 = tpu.memref_squeeze %dma_wait3A_97 : memref<1x120x128xf32, #tpu.memory_space<hbm>> -> memref<120x128xf32, #tpu.memory_space<hbm>>
    %dma_wait3A_99 = arith.constant 0 : i32
    %dma_wait3A_100 = arith.constant 0 : i32
    %dma_wait3A_101 = tpu.memref_slice %arg4[%add3A, %dma_wait3A_99, %dma_wait3A_100] : memref<32x7200x128xf32, #tpu.memory_space<hbm>> -> memref<1x120x128xf32, #tpu.memory_space<hbm>>
    %dma_wait3A_102 = tpu.memref_squeeze %dma_wait3A_101 : memref<1x120x128xf32, #tpu.memory_space<hbm>> -> memref<120x128xf32, #tpu.memory_space<hbm>>
    tpu.wait_dma2 semaphore(%arg16 : memref<!tpu.dma_semaphore, #tpu.memory_space<semaphore_mem>>) src(%arg8 : memref<120x128xf32, #tpu.memory_space<vmem>>) dst(%dma_wait3A_102 : memref<120x128xf32, #tpu.memory_space<hbm>>)
    %dma_wait3A_103 = arith.constant 0 : i32
    %dma_wait3A_104 = arith.constant 0 : i32
    %dma_wait3A_105 = tpu.memref_slice %arg4[%add3A, %dma_wait3A_103, %dma_wait3A_104] : memref<32x7200x128xf32, #tpu.memory_space<hbm>> -> memref<1x120x128xf32, #tpu.memory_space<hbm>>
    %dma_wait3A_106 = tpu.memref_squeeze %dma_wait3A_105 : memref<1x120x128xf32, #tpu.memory_space<hbm>> -> memref<120x128xf32, #tpu.memory_space<hbm>>
    %dma_wait3A_107 = arith.constant 0 : i32
    %dma_wait3A_108 = arith.constant 0 : i32
    %dma_wait3A_109 = tpu.memref_slice %arg4[%add3A, %dma_wait3A_107, %dma_wait3A_108] : memref<32x7200x128xf32, #tpu.memory_space<hbm>> -> memref<1x120x128xf32, #tpu.memory_space<hbm>>
    %dma_wait3A_110 = tpu.memref_squeeze %dma_wait3A_109 : memref<1x120x128xf32, #tpu.memory_space<hbm>> -> memref<120x128xf32, #tpu.memory_space<hbm>>
    tpu.wait_dma2 semaphore(%arg17 : memref<!tpu.dma_semaphore, #tpu.memory_space<semaphore_mem>>) src(%arg9 : memref<120x128xf32, #tpu.memory_space<vmem>>) dst(%dma_wait3A_110 : memref<120x128xf32, #tpu.memory_space<hbm>>)
    return
  }
}

#map = affine_map<(d0, d1) -> (0)>
#map1 = affine_map<(d0, d1) -> (0, 0)>
#map2 = affine_map<(d0, d1) -> (0, 0, 0)>
module attributes {stable_mosaic.version = 14 : i64} {
  func.func @_sc_emb1(%arg0: i32, %arg1: i32, %arg2: memref<1792xi32, #tpu.memory_space<hbm>>, %arg3: memref<1792xi32, #tpu.memory_space<hbm>>, %arg4: memref<19200xi32, #tpu.memory_space<hbm>>, %arg5: memref<100000x128xf32, #tpu.memory_space<hbm>>, %arg6: memref<32x56x128xf32, #tpu.memory_space<hbm>>, %arg7: memref<32x56x128xf32, #tpu.memory_space<hbm>>, %arg8: memref<32x600x128xf32, #tpu.memory_space<hbm>>, %arg9: memref<56xi32, #tpu.memory_space<vmem>>, %arg10: memref<56xi32, #tpu.memory_space<vmem>>, %arg11: memref<56x128xf32, #tpu.memory_space<vmem>>, %arg12: memref<56x128xf32, #tpu.memory_space<vmem>>, %arg13: memref<600xi32, #tpu.memory_space<vmem>>, %arg14: memref<120x128xf32, #tpu.memory_space<vmem>>, %arg15: memref<120x128xf32, #tpu.memory_space<vmem>>, %arg16: memref<120x128xf32, #tpu.memory_space<vmem>>, %arg17: memref<120x128xf32, #tpu.memory_space<vmem>>, %arg18: memref<!tpu.dma_semaphore, #tpu.memory_space<semaphore_mem>>, %arg19: memref<!tpu.dma_semaphore, #tpu.memory_space<semaphore_mem>>, %arg20: memref<!tpu.dma_semaphore, #tpu.memory_space<semaphore_mem>>, %arg21: memref<!tpu.dma_semaphore, #tpu.memory_space<semaphore_mem>>, %arg22: memref<!tpu.dma_semaphore, #tpu.memory_space<semaphore_mem>>, %arg23: memref<!tpu.dma_semaphore, #tpu.memory_space<semaphore_mem>>, %arg24: memref<!tpu.dma_semaphore, #tpu.memory_space<semaphore_mem>>, %arg25: memref<!tpu.dma_semaphore, #tpu.memory_space<semaphore_mem>>, %arg26: memref<!tpu.dma_semaphore, #tpu.memory_space<semaphore_mem>>, %arg27: memref<!tpu.dma_semaphore, #tpu.memory_space<semaphore_mem>>, %arg28: memref<!tpu.dma_semaphore, #tpu.memory_space<semaphore_mem>>, %arg29: memref<!tpu.dma_semaphore, #tpu.memory_space<semaphore_mem>>) attributes {dimension_semantics = [#tpu.dimension_semantics<core_parallel>, #tpu.dimension_semantics<subcore_parallel>], iteration_bounds = array<i64: 2, 16>, scalar_prefetch = 0 : i64, scratch_operands = 21 : i64, tpu.core_type = #tpu.core_type<sc_vector_subcore>, window_params = [{transform_indices = #map}, {transform_indices = #map}, {transform_indices = #map}, {transform_indices = #map1}, {transform_indices = #map2}, {transform_indices = #map2}, {transform_indices = #map2}]} {
    %mul3A = arith.constant 2 : i32
    %mul3A_0 = arith.muli %arg1, %mul3A : i32
    %add3A = arith.addi %mul3A_0, %arg0 : i32
    %mul3A_1 = arith.constant 56 : i32
    %mul3A_2 = arith.muli %add3A, %mul3A_1 : i32
    "tpu.region"() ({
      %run_scoped3A = tpu.sem_alloc : memref<!tpu.dma_semaphore, #tpu.memory_space<semaphore_mem>>
      %dma_start3A_179 = tpu.memref_slice %arg2[%mul3A_2] : memref<1792xi32, #tpu.memory_space<hbm>> -> memref<56xi32, #tpu.memory_space<hbm>>
      %dma_start3A_180 = tpu.memref_slice %arg2[%mul3A_2] : memref<1792xi32, #tpu.memory_space<hbm>> -> memref<56xi32, #tpu.memory_space<hbm>>
      tpu.enqueue_dma source(%dma_start3A_180 : memref<56xi32, #tpu.memory_space<hbm>>) target(%arg9 : memref<56xi32, #tpu.memory_space<vmem>>) target_semaphore(%run_scoped3A : memref<!tpu.dma_semaphore, #tpu.memory_space<semaphore_mem>>)
      %dma_wait3A_181 = tpu.memref_slice %arg2[%mul3A_2] : memref<1792xi32, #tpu.memory_space<hbm>> -> memref<56xi32, #tpu.memory_space<hbm>>
      %dma_wait3A_182 = tpu.memref_slice %arg2[%mul3A_2] : memref<1792xi32, #tpu.memory_space<hbm>> -> memref<56xi32, #tpu.memory_space<hbm>>
      tpu.wait_dma2 semaphore(%run_scoped3A : memref<!tpu.dma_semaphore, #tpu.memory_space<semaphore_mem>>) src(%dma_wait3A_182 : memref<56xi32, #tpu.memory_space<hbm>>) dst(%arg9 : memref<56xi32, #tpu.memory_space<vmem>>)
      tpu.yield
    }) : () -> ()
    %mul3A_3 = arith.constant 56 : i32
    %mul3A_4 = arith.muli %add3A, %mul3A_3 : i32
    "tpu.region"() ({
      %run_scoped3A = tpu.sem_alloc : memref<!tpu.dma_semaphore, #tpu.memory_space<semaphore_mem>>
      %dma_start3A_179 = tpu.memref_slice %arg3[%mul3A_4] : memref<1792xi32, #tpu.memory_space<hbm>> -> memref<56xi32, #tpu.memory_space<hbm>>
      %dma_start3A_180 = tpu.memref_slice %arg3[%mul3A_4] : memref<1792xi32, #tpu.memory_space<hbm>> -> memref<56xi32, #tpu.memory_space<hbm>>
      tpu.enqueue_dma source(%dma_start3A_180 : memref<56xi32, #tpu.memory_space<hbm>>) target(%arg10 : memref<56xi32, #tpu.memory_space<vmem>>) target_semaphore(%run_scoped3A : memref<!tpu.dma_semaphore, #tpu.memory_space<semaphore_mem>>)
      %dma_wait3A_181 = tpu.memref_slice %arg3[%mul3A_4] : memref<1792xi32, #tpu.memory_space<hbm>> -> memref<56xi32, #tpu.memory_space<hbm>>
      %dma_wait3A_182 = tpu.memref_slice %arg3[%mul3A_4] : memref<1792xi32, #tpu.memory_space<hbm>> -> memref<56xi32, #tpu.memory_space<hbm>>
      tpu.wait_dma2 semaphore(%run_scoped3A : memref<!tpu.dma_semaphore, #tpu.memory_space<semaphore_mem>>) src(%dma_wait3A_182 : memref<56xi32, #tpu.memory_space<hbm>>) dst(%arg10 : memref<56xi32, #tpu.memory_space<vmem>>)
      tpu.yield
    }) : () -> ()
    %mul3A_5 = arith.constant 600 : i32
    %mul3A_6 = arith.muli %add3A, %mul3A_5 : i32
    "tpu.region"() ({
      %run_scoped3A = tpu.sem_alloc : memref<!tpu.dma_semaphore, #tpu.memory_space<semaphore_mem>>
      %dma_start3A_179 = tpu.memref_slice %arg4[%mul3A_6] : memref<19200xi32, #tpu.memory_space<hbm>> -> memref<600xi32, #tpu.memory_space<hbm>>
      %dma_start3A_180 = tpu.memref_slice %arg4[%mul3A_6] : memref<19200xi32, #tpu.memory_space<hbm>> -> memref<600xi32, #tpu.memory_space<hbm>>
      tpu.enqueue_dma source(%dma_start3A_180 : memref<600xi32, #tpu.memory_space<hbm>>) target(%arg13 : memref<600xi32, #tpu.memory_space<vmem>>) target_semaphore(%run_scoped3A : memref<!tpu.dma_semaphore, #tpu.memory_space<semaphore_mem>>)
      %dma_wait3A_181 = tpu.memref_slice %arg4[%mul3A_6] : memref<19200xi32, #tpu.memory_space<hbm>> -> memref<600xi32, #tpu.memory_space<hbm>>
      %dma_wait3A_182 = tpu.memref_slice %arg4[%mul3A_6] : memref<19200xi32, #tpu.memory_space<hbm>> -> memref<600xi32, #tpu.memory_space<hbm>>
      tpu.wait_dma2 semaphore(%run_scoped3A : memref<!tpu.dma_semaphore, #tpu.memory_space<semaphore_mem>>) src(%dma_wait3A_182 : memref<600xi32, #tpu.memory_space<hbm>>) dst(%arg13 : memref<600xi32, #tpu.memory_space<vmem>>)
      tpu.yield
    }) : () -> ()
    %dma_start3A = arith.constant 0 : i32
    %dma_start3A_7 = arith.constant 0 : i32
    %dma_start3A_8 = tpu.memref_slice %arg5[%dma_start3A, %dma_start3A_7] : memref<100000x128xf32, #tpu.memory_space<hbm>> -> memref<100000x128xf32, #tpu.memory_space<hbm>>
    tpu.enqueue_indirect_dma source(%dma_start3A_8 : memref<100000x128xf32, #tpu.memory_space<hbm>>) target(%arg11 : memref<56x128xf32, #tpu.memory_space<vmem>>) offsets(%arg9 : memref<56xi32, #tpu.memory_space<vmem>>) semaphore(%arg18 : memref<!tpu.dma_semaphore, #tpu.memory_space<semaphore_mem>>)
    %dma_start3A_9 = arith.constant 0 : i32
    %dma_start3A_10 = arith.constant 0 : i32
    %dma_start3A_11 = tpu.memref_slice %arg5[%dma_start3A_9, %dma_start3A_10] : memref<100000x128xf32, #tpu.memory_space<hbm>> -> memref<100000x128xf32, #tpu.memory_space<hbm>>
    tpu.enqueue_indirect_dma source(%dma_start3A_11 : memref<100000x128xf32, #tpu.memory_space<hbm>>) target(%arg12 : memref<56x128xf32, #tpu.memory_space<vmem>>) offsets(%arg10 : memref<56xi32, #tpu.memory_space<vmem>>) semaphore(%arg19 : memref<!tpu.dma_semaphore, #tpu.memory_space<semaphore_mem>>)
    %dma_start3A_12 = arith.constant 0 : i32
    %dma_start3A_13 = tpu.memref_slice %arg13[%dma_start3A_12] : memref<600xi32, #tpu.memory_space<vmem>> -> memref<120xi32, #tpu.memory_space<vmem>>
    %dma_start3A_14 = arith.constant 0 : i32
    %dma_start3A_15 = arith.constant 0 : i32
    %dma_start3A_16 = tpu.memref_slice %arg5[%dma_start3A_14, %dma_start3A_15] : memref<100000x128xf32, #tpu.memory_space<hbm>> -> memref<100000x128xf32, #tpu.memory_space<hbm>>
    tpu.enqueue_indirect_dma source(%dma_start3A_16 : memref<100000x128xf32, #tpu.memory_space<hbm>>) target(%arg14 : memref<120x128xf32, #tpu.memory_space<vmem>>) offsets(%dma_start3A_13 : memref<120xi32, #tpu.memory_space<vmem>>) semaphore(%arg22 : memref<!tpu.dma_semaphore, #tpu.memory_space<semaphore_mem>>)
    %dma_start3A_17 = arith.constant 120 : i32
    %dma_start3A_18 = tpu.memref_slice %arg13[%dma_start3A_17] : memref<600xi32, #tpu.memory_space<vmem>> -> memref<120xi32, #tpu.memory_space<vmem>>
    %dma_start3A_19 = arith.constant 0 : i32
    %dma_start3A_20 = arith.constant 0 : i32
    %dma_start3A_21 = tpu.memref_slice %arg5[%dma_start3A_19, %dma_start3A_20] : memref<100000x128xf32, #tpu.memory_space<hbm>> -> memref<100000x128xf32, #tpu.memory_space<hbm>>
    tpu.enqueue_indirect_dma source(%dma_start3A_21 : memref<100000x128xf32, #tpu.memory_space<hbm>>) target(%arg15 : memref<120x128xf32, #tpu.memory_space<vmem>>) offsets(%dma_start3A_18 : memref<120xi32, #tpu.memory_space<vmem>>) semaphore(%arg23 : memref<!tpu.dma_semaphore, #tpu.memory_space<semaphore_mem>>)
    %dma_start3A_22 = arith.constant 240 : i32
    %dma_start3A_23 = tpu.memref_slice %arg13[%dma_start3A_22] : memref<600xi32, #tpu.memory_space<vmem>> -> memref<120xi32, #tpu.memory_space<vmem>>
    %dma_start3A_24 = arith.constant 0 : i32
    %dma_start3A_25 = arith.constant 0 : i32
    %dma_start3A_26 = tpu.memref_slice %arg5[%dma_start3A_24, %dma_start3A_25] : memref<100000x128xf32, #tpu.memory_space<hbm>> -> memref<100000x128xf32, #tpu.memory_space<hbm>>
    tpu.enqueue_indirect_dma source(%dma_start3A_26 : memref<100000x128xf32, #tpu.memory_space<hbm>>) target(%arg16 : memref<120x128xf32, #tpu.memory_space<vmem>>) offsets(%dma_start3A_23 : memref<120xi32, #tpu.memory_space<vmem>>) semaphore(%arg24 : memref<!tpu.dma_semaphore, #tpu.memory_space<semaphore_mem>>)
    %dma_start3A_27 = arith.constant 360 : i32
    %dma_start3A_28 = tpu.memref_slice %arg13[%dma_start3A_27] : memref<600xi32, #tpu.memory_space<vmem>> -> memref<120xi32, #tpu.memory_space<vmem>>
    %dma_start3A_29 = arith.constant 0 : i32
    %dma_start3A_30 = arith.constant 0 : i32
    %dma_start3A_31 = tpu.memref_slice %arg5[%dma_start3A_29, %dma_start3A_30] : memref<100000x128xf32, #tpu.memory_space<hbm>> -> memref<100000x128xf32, #tpu.memory_space<hbm>>
    tpu.enqueue_indirect_dma source(%dma_start3A_31 : memref<100000x128xf32, #tpu.memory_space<hbm>>) target(%arg17 : memref<120x128xf32, #tpu.memory_space<vmem>>) offsets(%dma_start3A_28 : memref<120xi32, #tpu.memory_space<vmem>>) semaphore(%arg25 : memref<!tpu.dma_semaphore, #tpu.memory_space<semaphore_mem>>)
    %dma_wait3A = arith.constant 0 : i32
    %dma_wait3A_32 = tpu.memref_slice %arg13[%dma_wait3A] : memref<600xi32, #tpu.memory_space<vmem>> -> memref<120xi32, #tpu.memory_space<vmem>>
    %dma_wait3A_33 = arith.constant 0 : i32
    %dma_wait3A_34 = arith.constant 0 : i32
    %dma_wait3A_35 = tpu.memref_slice %arg5[%dma_wait3A_33, %dma_wait3A_34] : memref<100000x128xf32, #tpu.memory_space<hbm>> -> memref<100000x128xf32, #tpu.memory_space<hbm>>
    tpu.wait_indirect_dma semaphore(%arg22 : memref<!tpu.dma_semaphore, #tpu.memory_space<semaphore_mem>>) src(%dma_wait3A_35 : memref<100000x128xf32, #tpu.memory_space<hbm>>) dst(%arg14 : memref<120x128xf32, #tpu.memory_space<vmem>>)
    %dma_start3A_36 = arith.constant 0 : i32
    %dma_start3A_37 = arith.constant 0 : i32
    %dma_start3A_38 = tpu.memref_slice %arg8[%add3A, %dma_start3A_36, %dma_start3A_37] : memref<32x600x128xf32, #tpu.memory_space<hbm>> -> memref<1x120x128xf32, #tpu.memory_space<hbm>>
    %dma_start3A_39 = tpu.memref_squeeze %dma_start3A_38 : memref<1x120x128xf32, #tpu.memory_space<hbm>> -> memref<120x128xf32, #tpu.memory_space<hbm>>
    %dma_start3A_40 = arith.constant 0 : i32
    %dma_start3A_41 = arith.constant 0 : i32
    %dma_start3A_42 = tpu.memref_slice %arg8[%add3A, %dma_start3A_40, %dma_start3A_41] : memref<32x600x128xf32, #tpu.memory_space<hbm>> -> memref<1x120x128xf32, #tpu.memory_space<hbm>>
    %dma_start3A_43 = tpu.memref_squeeze %dma_start3A_42 : memref<1x120x128xf32, #tpu.memory_space<hbm>> -> memref<120x128xf32, #tpu.memory_space<hbm>>
    tpu.enqueue_dma source(%arg14 : memref<120x128xf32, #tpu.memory_space<vmem>>) target(%dma_start3A_43 : memref<120x128xf32, #tpu.memory_space<hbm>>) target_semaphore(%arg26 : memref<!tpu.dma_semaphore, #tpu.memory_space<semaphore_mem>>)
    %dma_wait3A_44 = arith.constant 0 : i32
    %dma_wait3A_45 = tpu.memref_slice %arg13[%dma_wait3A_44] : memref<600xi32, #tpu.memory_space<vmem>> -> memref<120xi32, #tpu.memory_space<vmem>>
    %dma_wait3A_46 = arith.constant 0 : i32
    %dma_wait3A_47 = arith.constant 0 : i32
    %dma_wait3A_48 = tpu.memref_slice %arg5[%dma_wait3A_46, %dma_wait3A_47] : memref<100000x128xf32, #tpu.memory_space<hbm>> -> memref<100000x128xf32, #tpu.memory_space<hbm>>
    tpu.wait_indirect_dma semaphore(%arg23 : memref<!tpu.dma_semaphore, #tpu.memory_space<semaphore_mem>>) src(%dma_wait3A_48 : memref<100000x128xf32, #tpu.memory_space<hbm>>) dst(%arg15 : memref<120x128xf32, #tpu.memory_space<vmem>>)
    %dma_start3A_49 = arith.constant 120 : i32
    %dma_start3A_50 = arith.constant 0 : i32
    %dma_start3A_51 = tpu.memref_slice %arg8[%add3A, %dma_start3A_49, %dma_start3A_50] : memref<32x600x128xf32, #tpu.memory_space<hbm>> -> memref<1x120x128xf32, #tpu.memory_space<hbm>>
    %dma_start3A_52 = tpu.memref_squeeze %dma_start3A_51 : memref<1x120x128xf32, #tpu.memory_space<hbm>> -> memref<120x128xf32, #tpu.memory_space<hbm>>
    %dma_start3A_53 = arith.constant 120 : i32
    %dma_start3A_54 = arith.constant 0 : i32
    %dma_start3A_55 = tpu.memref_slice %arg8[%add3A, %dma_start3A_53, %dma_start3A_54] : memref<32x600x128xf32, #tpu.memory_space<hbm>> -> memref<1x120x128xf32, #tpu.memory_space<hbm>>
    %dma_start3A_56 = tpu.memref_squeeze %dma_start3A_55 : memref<1x120x128xf32, #tpu.memory_space<hbm>> -> memref<120x128xf32, #tpu.memory_space<hbm>>
    tpu.enqueue_dma source(%arg15 : memref<120x128xf32, #tpu.memory_space<vmem>>) target(%dma_start3A_56 : memref<120x128xf32, #tpu.memory_space<hbm>>) target_semaphore(%arg27 : memref<!tpu.dma_semaphore, #tpu.memory_space<semaphore_mem>>)
    %dma_wait3A_57 = arith.constant 0 : i32
    %dma_wait3A_58 = tpu.memref_slice %arg13[%dma_wait3A_57] : memref<600xi32, #tpu.memory_space<vmem>> -> memref<120xi32, #tpu.memory_space<vmem>>
    %dma_wait3A_59 = arith.constant 0 : i32
    %dma_wait3A_60 = arith.constant 0 : i32
    %dma_wait3A_61 = tpu.memref_slice %arg5[%dma_wait3A_59, %dma_wait3A_60] : memref<100000x128xf32, #tpu.memory_space<hbm>> -> memref<100000x128xf32, #tpu.memory_space<hbm>>
    tpu.wait_indirect_dma semaphore(%arg24 : memref<!tpu.dma_semaphore, #tpu.memory_space<semaphore_mem>>) src(%dma_wait3A_61 : memref<100000x128xf32, #tpu.memory_space<hbm>>) dst(%arg16 : memref<120x128xf32, #tpu.memory_space<vmem>>)
    %dma_start3A_62 = arith.constant 240 : i32
    %dma_start3A_63 = arith.constant 0 : i32
    %dma_start3A_64 = tpu.memref_slice %arg8[%add3A, %dma_start3A_62, %dma_start3A_63] : memref<32x600x128xf32, #tpu.memory_space<hbm>> -> memref<1x120x128xf32, #tpu.memory_space<hbm>>
    %dma_start3A_65 = tpu.memref_squeeze %dma_start3A_64 : memref<1x120x128xf32, #tpu.memory_space<hbm>> -> memref<120x128xf32, #tpu.memory_space<hbm>>
    %dma_start3A_66 = arith.constant 240 : i32
    %dma_start3A_67 = arith.constant 0 : i32
    %dma_start3A_68 = tpu.memref_slice %arg8[%add3A, %dma_start3A_66, %dma_start3A_67] : memref<32x600x128xf32, #tpu.memory_space<hbm>> -> memref<1x120x128xf32, #tpu.memory_space<hbm>>
    %dma_start3A_69 = tpu.memref_squeeze %dma_start3A_68 : memref<1x120x128xf32, #tpu.memory_space<hbm>> -> memref<120x128xf32, #tpu.memory_space<hbm>>
    tpu.enqueue_dma source(%arg16 : memref<120x128xf32, #tpu.memory_space<vmem>>) target(%dma_start3A_69 : memref<120x128xf32, #tpu.memory_space<hbm>>) target_semaphore(%arg28 : memref<!tpu.dma_semaphore, #tpu.memory_space<semaphore_mem>>)
    %dma_wait3A_70 = arith.constant 0 : i32
    %dma_wait3A_71 = tpu.memref_slice %arg13[%dma_wait3A_70] : memref<600xi32, #tpu.memory_space<vmem>> -> memref<120xi32, #tpu.memory_space<vmem>>
    %dma_wait3A_72 = arith.constant 0 : i32
    %dma_wait3A_73 = arith.constant 0 : i32
    %dma_wait3A_74 = tpu.memref_slice %arg5[%dma_wait3A_72, %dma_wait3A_73] : memref<100000x128xf32, #tpu.memory_space<hbm>> -> memref<100000x128xf32, #tpu.memory_space<hbm>>
    tpu.wait_indirect_dma semaphore(%arg25 : memref<!tpu.dma_semaphore, #tpu.memory_space<semaphore_mem>>) src(%dma_wait3A_74 : memref<100000x128xf32, #tpu.memory_space<hbm>>) dst(%arg17 : memref<120x128xf32, #tpu.memory_space<vmem>>)
    %dma_start3A_75 = arith.constant 360 : i32
    %dma_start3A_76 = arith.constant 0 : i32
    %dma_start3A_77 = tpu.memref_slice %arg8[%add3A, %dma_start3A_75, %dma_start3A_76] : memref<32x600x128xf32, #tpu.memory_space<hbm>> -> memref<1x120x128xf32, #tpu.memory_space<hbm>>
    %dma_start3A_78 = tpu.memref_squeeze %dma_start3A_77 : memref<1x120x128xf32, #tpu.memory_space<hbm>> -> memref<120x128xf32, #tpu.memory_space<hbm>>
    %dma_start3A_79 = arith.constant 360 : i32
    %dma_start3A_80 = arith.constant 0 : i32
    %dma_start3A_81 = tpu.memref_slice %arg8[%add3A, %dma_start3A_79, %dma_start3A_80] : memref<32x600x128xf32, #tpu.memory_space<hbm>> -> memref<1x120x128xf32, #tpu.memory_space<hbm>>
    %dma_start3A_82 = tpu.memref_squeeze %dma_start3A_81 : memref<1x120x128xf32, #tpu.memory_space<hbm>> -> memref<120x128xf32, #tpu.memory_space<hbm>>
    tpu.enqueue_dma source(%arg17 : memref<120x128xf32, #tpu.memory_space<vmem>>) target(%dma_start3A_82 : memref<120x128xf32, #tpu.memory_space<hbm>>) target_semaphore(%arg29 : memref<!tpu.dma_semaphore, #tpu.memory_space<semaphore_mem>>)
    %dma_wait3A_83 = arith.constant 0 : i32
    %dma_wait3A_84 = arith.constant 0 : i32
    %dma_wait3A_85 = tpu.memref_slice %arg5[%dma_wait3A_83, %dma_wait3A_84] : memref<100000x128xf32, #tpu.memory_space<hbm>> -> memref<100000x128xf32, #tpu.memory_space<hbm>>
    tpu.wait_indirect_dma semaphore(%arg18 : memref<!tpu.dma_semaphore, #tpu.memory_space<semaphore_mem>>) src(%dma_wait3A_85 : memref<100000x128xf32, #tpu.memory_space<hbm>>) dst(%arg11 : memref<56x128xf32, #tpu.memory_space<vmem>>)
    %dma_start3A_86 = arith.constant 0 : i32
    %dma_start3A_87 = arith.constant 0 : i32
    %dma_start3A_88 = tpu.memref_slice %arg6[%add3A, %dma_start3A_86, %dma_start3A_87] : memref<32x56x128xf32, #tpu.memory_space<hbm>> -> memref<1x56x128xf32, #tpu.memory_space<hbm>>
    %dma_start3A_89 = tpu.memref_squeeze %dma_start3A_88 : memref<1x56x128xf32, #tpu.memory_space<hbm>> -> memref<56x128xf32, #tpu.memory_space<hbm>>
    %dma_start3A_90 = arith.constant 0 : i32
    %dma_start3A_91 = arith.constant 0 : i32
    %dma_start3A_92 = tpu.memref_slice %arg6[%add3A, %dma_start3A_90, %dma_start3A_91] : memref<32x56x128xf32, #tpu.memory_space<hbm>> -> memref<1x56x128xf32, #tpu.memory_space<hbm>>
    %dma_start3A_93 = tpu.memref_squeeze %dma_start3A_92 : memref<1x56x128xf32, #tpu.memory_space<hbm>> -> memref<56x128xf32, #tpu.memory_space<hbm>>
    tpu.enqueue_dma source(%arg11 : memref<56x128xf32, #tpu.memory_space<vmem>>) target(%dma_start3A_93 : memref<56x128xf32, #tpu.memory_space<hbm>>) target_semaphore(%arg20 : memref<!tpu.dma_semaphore, #tpu.memory_space<semaphore_mem>>)
    %dma_wait3A_94 = arith.constant 0 : i32
    %dma_wait3A_95 = arith.constant 0 : i32
    %dma_wait3A_96 = tpu.memref_slice %arg5[%dma_wait3A_94, %dma_wait3A_95] : memref<100000x128xf32, #tpu.memory_space<hbm>> -> memref<100000x128xf32, #tpu.memory_space<hbm>>
    tpu.wait_indirect_dma semaphore(%arg19 : memref<!tpu.dma_semaphore, #tpu.memory_space<semaphore_mem>>) src(%dma_wait3A_96 : memref<100000x128xf32, #tpu.memory_space<hbm>>) dst(%arg12 : memref<56x128xf32, #tpu.memory_space<vmem>>)
    %dma_start3A_97 = arith.constant 0 : i32
    %dma_start3A_98 = arith.constant 0 : i32
    %dma_start3A_99 = tpu.memref_slice %arg7[%add3A, %dma_start3A_97, %dma_start3A_98] : memref<32x56x128xf32, #tpu.memory_space<hbm>> -> memref<1x56x128xf32, #tpu.memory_space<hbm>>
    %dma_start3A_100 = tpu.memref_squeeze %dma_start3A_99 : memref<1x56x128xf32, #tpu.memory_space<hbm>> -> memref<56x128xf32, #tpu.memory_space<hbm>>
    %dma_start3A_101 = arith.constant 0 : i32
    %dma_start3A_102 = arith.constant 0 : i32
    %dma_start3A_103 = tpu.memref_slice %arg7[%add3A, %dma_start3A_101, %dma_start3A_102] : memref<32x56x128xf32, #tpu.memory_space<hbm>> -> memref<1x56x128xf32, #tpu.memory_space<hbm>>
    %dma_start3A_104 = tpu.memref_squeeze %dma_start3A_103 : memref<1x56x128xf32, #tpu.memory_space<hbm>> -> memref<56x128xf32, #tpu.memory_space<hbm>>
    tpu.enqueue_dma source(%arg12 : memref<56x128xf32, #tpu.memory_space<vmem>>) target(%dma_start3A_104 : memref<56x128xf32, #tpu.memory_space<hbm>>) target_semaphore(%arg21 : memref<!tpu.dma_semaphore, #tpu.memory_space<semaphore_mem>>)
    %dma_wait3A_105 = arith.constant 0 : i32
    %dma_wait3A_106 = arith.constant 0 : i32
    %dma_wait3A_107 = tpu.memref_slice %arg8[%add3A, %dma_wait3A_105, %dma_wait3A_106] : memref<32x600x128xf32, #tpu.memory_space<hbm>> -> memref<1x120x128xf32, #tpu.memory_space<hbm>>
    %dma_wait3A_108 = tpu.memref_squeeze %dma_wait3A_107 : memref<1x120x128xf32, #tpu.memory_space<hbm>> -> memref<120x128xf32, #tpu.memory_space<hbm>>
    %dma_wait3A_109 = arith.constant 0 : i32
    %dma_wait3A_110 = arith.constant 0 : i32
    %dma_wait3A_111 = tpu.memref_slice %arg8[%add3A, %dma_wait3A_109, %dma_wait3A_110] : memref<32x600x128xf32, #tpu.memory_space<hbm>> -> memref<1x120x128xf32, #tpu.memory_space<hbm>>
    %dma_wait3A_112 = tpu.memref_squeeze %dma_wait3A_111 : memref<1x120x128xf32, #tpu.memory_space<hbm>> -> memref<120x128xf32, #tpu.memory_space<hbm>>
    tpu.wait_dma2 semaphore(%arg26 : memref<!tpu.dma_semaphore, #tpu.memory_space<semaphore_mem>>) src(%arg14 : memref<120x128xf32, #tpu.memory_space<vmem>>) dst(%dma_wait3A_112 : memref<120x128xf32, #tpu.memory_space<hbm>>)
    %dma_start3A_113 = arith.constant 480 : i32
    %dma_start3A_114 = tpu.memref_slice %arg13[%dma_start3A_113] : memref<600xi32, #tpu.memory_space<vmem>> -> memref<120xi32, #tpu.memory_space<vmem>>
    %dma_start3A_115 = arith.constant 0 : i32
    %dma_start3A_116 = arith.constant 0 : i32
    %dma_start3A_117 = tpu.memref_slice %arg5[%dma_start3A_115, %dma_start3A_116] : memref<100000x128xf32, #tpu.memory_space<hbm>> -> memref<100000x128xf32, #tpu.memory_space<hbm>>
    tpu.enqueue_indirect_dma source(%dma_start3A_117 : memref<100000x128xf32, #tpu.memory_space<hbm>>) target(%arg14 : memref<120x128xf32, #tpu.memory_space<vmem>>) offsets(%dma_start3A_114 : memref<120xi32, #tpu.memory_space<vmem>>) semaphore(%arg22 : memref<!tpu.dma_semaphore, #tpu.memory_space<semaphore_mem>>)
    %dma_wait3A_118 = arith.constant 0 : i32
    %dma_wait3A_119 = tpu.memref_slice %arg13[%dma_wait3A_118] : memref<600xi32, #tpu.memory_space<vmem>> -> memref<120xi32, #tpu.memory_space<vmem>>
    %dma_wait3A_120 = arith.constant 0 : i32
    %dma_wait3A_121 = arith.constant 0 : i32
    %dma_wait3A_122 = tpu.memref_slice %arg5[%dma_wait3A_120, %dma_wait3A_121] : memref<100000x128xf32, #tpu.memory_space<hbm>> -> memref<100000x128xf32, #tpu.memory_space<hbm>>
    tpu.wait_indirect_dma semaphore(%arg22 : memref<!tpu.dma_semaphore, #tpu.memory_space<semaphore_mem>>) src(%dma_wait3A_122 : memref<100000x128xf32, #tpu.memory_space<hbm>>) dst(%arg14 : memref<120x128xf32, #tpu.memory_space<vmem>>)
    %dma_start3A_123 = arith.constant 480 : i32
    %dma_start3A_124 = arith.constant 0 : i32
    %dma_start3A_125 = tpu.memref_slice %arg8[%add3A, %dma_start3A_123, %dma_start3A_124] : memref<32x600x128xf32, #tpu.memory_space<hbm>> -> memref<1x120x128xf32, #tpu.memory_space<hbm>>
    %dma_start3A_126 = tpu.memref_squeeze %dma_start3A_125 : memref<1x120x128xf32, #tpu.memory_space<hbm>> -> memref<120x128xf32, #tpu.memory_space<hbm>>
    %dma_start3A_127 = arith.constant 480 : i32
    %dma_start3A_128 = arith.constant 0 : i32
    %dma_start3A_129 = tpu.memref_slice %arg8[%add3A, %dma_start3A_127, %dma_start3A_128] : memref<32x600x128xf32, #tpu.memory_space<hbm>> -> memref<1x120x128xf32, #tpu.memory_space<hbm>>
    %dma_start3A_130 = tpu.memref_squeeze %dma_start3A_129 : memref<1x120x128xf32, #tpu.memory_space<hbm>> -> memref<120x128xf32, #tpu.memory_space<hbm>>
    tpu.enqueue_dma source(%arg14 : memref<120x128xf32, #tpu.memory_space<vmem>>) target(%dma_start3A_130 : memref<120x128xf32, #tpu.memory_space<hbm>>) target_semaphore(%arg26 : memref<!tpu.dma_semaphore, #tpu.memory_space<semaphore_mem>>)
    %dma_wait3A_131 = arith.constant 0 : i32
    %dma_wait3A_132 = arith.constant 0 : i32
    %dma_wait3A_133 = tpu.memref_slice %arg8[%add3A, %dma_wait3A_131, %dma_wait3A_132] : memref<32x600x128xf32, #tpu.memory_space<hbm>> -> memref<1x120x128xf32, #tpu.memory_space<hbm>>
    %dma_wait3A_134 = tpu.memref_squeeze %dma_wait3A_133 : memref<1x120x128xf32, #tpu.memory_space<hbm>> -> memref<120x128xf32, #tpu.memory_space<hbm>>
    %dma_wait3A_135 = arith.constant 0 : i32
    %dma_wait3A_136 = arith.constant 0 : i32
    %dma_wait3A_137 = tpu.memref_slice %arg8[%add3A, %dma_wait3A_135, %dma_wait3A_136] : memref<32x600x128xf32, #tpu.memory_space<hbm>> -> memref<1x120x128xf32, #tpu.memory_space<hbm>>
    %dma_wait3A_138 = tpu.memref_squeeze %dma_wait3A_137 : memref<1x120x128xf32, #tpu.memory_space<hbm>> -> memref<120x128xf32, #tpu.memory_space<hbm>>
    tpu.wait_dma2 semaphore(%arg26 : memref<!tpu.dma_semaphore, #tpu.memory_space<semaphore_mem>>) src(%arg14 : memref<120x128xf32, #tpu.memory_space<vmem>>) dst(%dma_wait3A_138 : memref<120x128xf32, #tpu.memory_space<hbm>>)
    %dma_wait3A_139 = arith.constant 0 : i32
    %dma_wait3A_140 = arith.constant 0 : i32
    %dma_wait3A_141 = tpu.memref_slice %arg8[%add3A, %dma_wait3A_139, %dma_wait3A_140] : memref<32x600x128xf32, #tpu.memory_space<hbm>> -> memref<1x120x128xf32, #tpu.memory_space<hbm>>
    %dma_wait3A_142 = tpu.memref_squeeze %dma_wait3A_141 : memref<1x120x128xf32, #tpu.memory_space<hbm>> -> memref<120x128xf32, #tpu.memory_space<hbm>>
    %dma_wait3A_143 = arith.constant 0 : i32
    %dma_wait3A_144 = arith.constant 0 : i32
    %dma_wait3A_145 = tpu.memref_slice %arg8[%add3A, %dma_wait3A_143, %dma_wait3A_144] : memref<32x600x128xf32, #tpu.memory_space<hbm>> -> memref<1x120x128xf32, #tpu.memory_space<hbm>>
    %dma_wait3A_146 = tpu.memref_squeeze %dma_wait3A_145 : memref<1x120x128xf32, #tpu.memory_space<hbm>> -> memref<120x128xf32, #tpu.memory_space<hbm>>
    tpu.wait_dma2 semaphore(%arg27 : memref<!tpu.dma_semaphore, #tpu.memory_space<semaphore_mem>>) src(%arg15 : memref<120x128xf32, #tpu.memory_space<vmem>>) dst(%dma_wait3A_146 : memref<120x128xf32, #tpu.memory_space<hbm>>)
    %dma_wait3A_147 = arith.constant 0 : i32
    %dma_wait3A_148 = arith.constant 0 : i32
    %dma_wait3A_149 = tpu.memref_slice %arg8[%add3A, %dma_wait3A_147, %dma_wait3A_148] : memref<32x600x128xf32, #tpu.memory_space<hbm>> -> memref<1x120x128xf32, #tpu.memory_space<hbm>>
    %dma_wait3A_150 = tpu.memref_squeeze %dma_wait3A_149 : memref<1x120x128xf32, #tpu.memory_space<hbm>> -> memref<120x128xf32, #tpu.memory_space<hbm>>
    %dma_wait3A_151 = arith.constant 0 : i32
    %dma_wait3A_152 = arith.constant 0 : i32
    %dma_wait3A_153 = tpu.memref_slice %arg8[%add3A, %dma_wait3A_151, %dma_wait3A_152] : memref<32x600x128xf32, #tpu.memory_space<hbm>> -> memref<1x120x128xf32, #tpu.memory_space<hbm>>
    %dma_wait3A_154 = tpu.memref_squeeze %dma_wait3A_153 : memref<1x120x128xf32, #tpu.memory_space<hbm>> -> memref<120x128xf32, #tpu.memory_space<hbm>>
    tpu.wait_dma2 semaphore(%arg28 : memref<!tpu.dma_semaphore, #tpu.memory_space<semaphore_mem>>) src(%arg16 : memref<120x128xf32, #tpu.memory_space<vmem>>) dst(%dma_wait3A_154 : memref<120x128xf32, #tpu.memory_space<hbm>>)
    %dma_wait3A_155 = arith.constant 0 : i32
    %dma_wait3A_156 = arith.constant 0 : i32
    %dma_wait3A_157 = tpu.memref_slice %arg8[%add3A, %dma_wait3A_155, %dma_wait3A_156] : memref<32x600x128xf32, #tpu.memory_space<hbm>> -> memref<1x120x128xf32, #tpu.memory_space<hbm>>
    %dma_wait3A_158 = tpu.memref_squeeze %dma_wait3A_157 : memref<1x120x128xf32, #tpu.memory_space<hbm>> -> memref<120x128xf32, #tpu.memory_space<hbm>>
    %dma_wait3A_159 = arith.constant 0 : i32
    %dma_wait3A_160 = arith.constant 0 : i32
    %dma_wait3A_161 = tpu.memref_slice %arg8[%add3A, %dma_wait3A_159, %dma_wait3A_160] : memref<32x600x128xf32, #tpu.memory_space<hbm>> -> memref<1x120x128xf32, #tpu.memory_space<hbm>>
    %dma_wait3A_162 = tpu.memref_squeeze %dma_wait3A_161 : memref<1x120x128xf32, #tpu.memory_space<hbm>> -> memref<120x128xf32, #tpu.memory_space<hbm>>
    tpu.wait_dma2 semaphore(%arg29 : memref<!tpu.dma_semaphore, #tpu.memory_space<semaphore_mem>>) src(%arg17 : memref<120x128xf32, #tpu.memory_space<vmem>>) dst(%dma_wait3A_162 : memref<120x128xf32, #tpu.memory_space<hbm>>)
    %dma_wait3A_163 = arith.constant 0 : i32
    %dma_wait3A_164 = arith.constant 0 : i32
    %dma_wait3A_165 = tpu.memref_slice %arg6[%add3A, %dma_wait3A_163, %dma_wait3A_164] : memref<32x56x128xf32, #tpu.memory_space<hbm>> -> memref<1x56x128xf32, #tpu.memory_space<hbm>>
    %dma_wait3A_166 = tpu.memref_squeeze %dma_wait3A_165 : memref<1x56x128xf32, #tpu.memory_space<hbm>> -> memref<56x128xf32, #tpu.memory_space<hbm>>
    %dma_wait3A_167 = arith.constant 0 : i32
    %dma_wait3A_168 = arith.constant 0 : i32
    %dma_wait3A_169 = tpu.memref_slice %arg6[%add3A, %dma_wait3A_167, %dma_wait3A_168] : memref<32x56x128xf32, #tpu.memory_space<hbm>> -> memref<1x56x128xf32, #tpu.memory_space<hbm>>
    %dma_wait3A_170 = tpu.memref_squeeze %dma_wait3A_169 : memref<1x56x128xf32, #tpu.memory_space<hbm>> -> memref<56x128xf32, #tpu.memory_space<hbm>>
    tpu.wait_dma2 semaphore(%arg20 : memref<!tpu.dma_semaphore, #tpu.memory_space<semaphore_mem>>) src(%arg11 : memref<56x128xf32, #tpu.memory_space<vmem>>) dst(%dma_wait3A_170 : memref<56x128xf32, #tpu.memory_space<hbm>>)
    %dma_wait3A_171 = arith.constant 0 : i32
    %dma_wait3A_172 = arith.constant 0 : i32
    %dma_wait3A_173 = tpu.memref_slice %arg7[%add3A, %dma_wait3A_171, %dma_wait3A_172] : memref<32x56x128xf32, #tpu.memory_space<hbm>> -> memref<1x56x128xf32, #tpu.memory_space<hbm>>
    %dma_wait3A_174 = tpu.memref_squeeze %dma_wait3A_173 : memref<1x56x128xf32, #tpu.memory_space<hbm>> -> memref<56x128xf32, #tpu.memory_space<hbm>>
    %dma_wait3A_175 = arith.constant 0 : i32
    %dma_wait3A_176 = arith.constant 0 : i32
    %dma_wait3A_177 = tpu.memref_slice %arg7[%add3A, %dma_wait3A_175, %dma_wait3A_176] : memref<32x56x128xf32, #tpu.memory_space<hbm>> -> memref<1x56x128xf32, #tpu.memory_space<hbm>>
    %dma_wait3A_178 = tpu.memref_squeeze %dma_wait3A_177 : memref<1x56x128xf32, #tpu.memory_space<hbm>> -> memref<56x128xf32, #tpu.memory_space<hbm>>
    tpu.wait_dma2 semaphore(%arg21 : memref<!tpu.dma_semaphore, #tpu.memory_space<semaphore_mem>>) src(%arg12 : memref<56x128xf32, #tpu.memory_space<vmem>>) dst(%dma_wait3A_178 : memref<56x128xf32, #tpu.memory_space<hbm>>)
    return
  }
}

#map = affine_map<(d0, d1) -> (0)>
#map1 = affine_map<(d0, d1) -> (0, 0)>
#map2 = affine_map<(d0, d1) -> (0, 0, 0)>
module attributes {stable_mosaic.version = 14 : i64} {
  func.func @_sc_adj1(%arg0: i32, %arg1: i32, %arg2: memref<1792xi32, #tpu.memory_space<hbm>>, %arg3: memref<100000x32xi32, #tpu.memory_space<hbm>>, %arg4: memref<32x56x32xi32, #tpu.memory_space<hbm>>, %arg5: memref<56xi32, #tpu.memory_space<vmem>>, %arg6: memref<56x32xi32, #tpu.memory_space<vmem>>, %arg7: memref<!tpu.dma_semaphore, #tpu.memory_space<semaphore_mem>>) attributes {dimension_semantics = [#tpu.dimension_semantics<core_parallel>, #tpu.dimension_semantics<subcore_parallel>], iteration_bounds = array<i64: 2, 16>, scalar_prefetch = 0 : i64, scratch_operands = 3 : i64, tpu.core_type = #tpu.core_type<sc_vector_subcore>, window_params = [{transform_indices = #map}, {transform_indices = #map1}, {transform_indices = #map2}]} {
    %mul3A = arith.constant 2 : i32
    %mul3A_0 = arith.muli %arg1, %mul3A : i32
    %add3A = arith.addi %mul3A_0, %arg0 : i32
    %mul3A_1 = arith.constant 56 : i32
    %mul3A_2 = arith.muli %add3A, %mul3A_1 : i32
    "tpu.region"() ({
      %run_scoped3A = tpu.sem_alloc : memref<!tpu.dma_semaphore, #tpu.memory_space<semaphore_mem>>
      %dma_start3A_7 = tpu.memref_slice %arg2[%mul3A_2] : memref<1792xi32, #tpu.memory_space<hbm>> -> memref<56xi32, #tpu.memory_space<hbm>>
      %dma_start3A_8 = tpu.memref_slice %arg2[%mul3A_2] : memref<1792xi32, #tpu.memory_space<hbm>> -> memref<56xi32, #tpu.memory_space<hbm>>
      tpu.enqueue_dma source(%dma_start3A_8 : memref<56xi32, #tpu.memory_space<hbm>>) target(%arg5 : memref<56xi32, #tpu.memory_space<vmem>>) target_semaphore(%run_scoped3A : memref<!tpu.dma_semaphore, #tpu.memory_space<semaphore_mem>>)
      %dma_wait3A_9 = tpu.memref_slice %arg2[%mul3A_2] : memref<1792xi32, #tpu.memory_space<hbm>> -> memref<56xi32, #tpu.memory_space<hbm>>
      %dma_wait3A_10 = tpu.memref_slice %arg2[%mul3A_2] : memref<1792xi32, #tpu.memory_space<hbm>> -> memref<56xi32, #tpu.memory_space<hbm>>
      tpu.wait_dma2 semaphore(%run_scoped3A : memref<!tpu.dma_semaphore, #tpu.memory_space<semaphore_mem>>) src(%dma_wait3A_10 : memref<56xi32, #tpu.memory_space<hbm>>) dst(%arg5 : memref<56xi32, #tpu.memory_space<vmem>>)
      tpu.yield
    }) : () -> ()
    %dma_start3A = arith.constant 0 : i32
    %dma_start3A_3 = arith.constant 0 : i32
    %dma_start3A_4 = tpu.memref_slice %arg3[%dma_start3A, %dma_start3A_3] : memref<100000x32xi32, #tpu.memory_space<hbm>> -> memref<100000x32xi32, #tpu.memory_space<hbm>>
    tpu.enqueue_indirect_dma source(%dma_start3A_4 : memref<100000x32xi32, #tpu.memory_space<hbm>>) target(%arg6 : memref<56x32xi32, #tpu.memory_space<vmem>>) offsets(%arg5 : memref<56xi32, #tpu.memory_space<vmem>>) semaphore(%arg7 : memref<!tpu.dma_semaphore, #tpu.memory_space<semaphore_mem>>)
    %dma_wait3A = arith.constant 0 : i32
    %dma_wait3A_5 = arith.constant 0 : i32
    %dma_wait3A_6 = tpu.memref_slice %arg3[%dma_wait3A, %dma_wait3A_5] : memref<100000x32xi32, #tpu.memory_space<hbm>> -> memref<100000x32xi32, #tpu.memory_space<hbm>>
    tpu.wait_indirect_dma semaphore(%arg7 : memref<!tpu.dma_semaphore, #tpu.memory_space<semaphore_mem>>) src(%dma_wait3A_6 : memref<100000x32xi32, #tpu.memory_space<hbm>>) dst(%arg6 : memref<56x32xi32, #tpu.memory_space<vmem>>)
    "tpu.region"() ({
      %run_scoped3A = tpu.sem_alloc : memref<!tpu.dma_semaphore, #tpu.memory_space<semaphore_mem>>
      %dma_start3A_7 = arith.constant 0 : i32
      %dma_start3A_8 = arith.constant 0 : i32
      %dma_start3A_9 = tpu.memref_slice %arg4[%add3A, %dma_start3A_7, %dma_start3A_8] : memref<32x56x32xi32, #tpu.memory_space<hbm>> -> memref<1x56x32xi32, #tpu.memory_space<hbm>>
      %dma_start3A_10 = tpu.memref_squeeze %dma_start3A_9 : memref<1x56x32xi32, #tpu.memory_space<hbm>> -> memref<56x32xi32, #tpu.memory_space<hbm>>
      %dma_start3A_11 = arith.constant 0 : i32
      %dma_start3A_12 = arith.constant 0 : i32
      %dma_start3A_13 = tpu.memref_slice %arg4[%add3A, %dma_start3A_11, %dma_start3A_12] : memref<32x56x32xi32, #tpu.memory_space<hbm>> -> memref<1x56x32xi32, #tpu.memory_space<hbm>>
      %dma_start3A_14 = tpu.memref_squeeze %dma_start3A_13 : memref<1x56x32xi32, #tpu.memory_space<hbm>> -> memref<56x32xi32, #tpu.memory_space<hbm>>
      tpu.enqueue_dma source(%arg6 : memref<56x32xi32, #tpu.memory_space<vmem>>) target(%dma_start3A_14 : memref<56x32xi32, #tpu.memory_space<hbm>>) target_semaphore(%run_scoped3A : memref<!tpu.dma_semaphore, #tpu.memory_space<semaphore_mem>>)
      %dma_wait3A_15 = arith.constant 0 : i32
      %dma_wait3A_16 = arith.constant 0 : i32
      %dma_wait3A_17 = tpu.memref_slice %arg4[%add3A, %dma_wait3A_15, %dma_wait3A_16] : memref<32x56x32xi32, #tpu.memory_space<hbm>> -> memref<1x56x32xi32, #tpu.memory_space<hbm>>
      %dma_wait3A_18 = tpu.memref_squeeze %dma_wait3A_17 : memref<1x56x32xi32, #tpu.memory_space<hbm>> -> memref<56x32xi32, #tpu.memory_space<hbm>>
      %dma_wait3A_19 = arith.constant 0 : i32
      %dma_wait3A_20 = arith.constant 0 : i32
      %dma_wait3A_21 = tpu.memref_slice %arg4[%add3A, %dma_wait3A_19, %dma_wait3A_20] : memref<32x56x32xi32, #tpu.memory_space<hbm>> -> memref<1x56x32xi32, #tpu.memory_space<hbm>>
      %dma_wait3A_22 = tpu.memref_squeeze %dma_wait3A_21 : memref<1x56x32xi32, #tpu.memory_space<hbm>> -> memref<56x32xi32, #tpu.memory_space<hbm>>
      tpu.wait_dma2 semaphore(%run_scoped3A : memref<!tpu.dma_semaphore, #tpu.memory_space<semaphore_mem>>) src(%arg6 : memref<56x32xi32, #tpu.memory_space<vmem>>) dst(%dma_wait3A_22 : memref<56x32xi32, #tpu.memory_space<hbm>>)
      tpu.yield
    }) : () -> ()
    return
  }
}

#map = affine_map<(d0, d1) -> (0)>
#map1 = affine_map<(d0, d1) -> (0, 0)>
#map2 = affine_map<(d0, d1) -> (0, 0, 0)>
module attributes {stable_mosaic.version = 14 : i64} {
  func.func @_sc_adj2(%arg0: i32, %arg1: i32, %arg2: memref<19200xi32, #tpu.memory_space<hbm>>, %arg3: memref<100000x32xi32, #tpu.memory_space<hbm>>, %arg4: memref<32x600x32xi32, #tpu.memory_space<hbm>>, %arg5: memref<120xi32, #tpu.memory_space<vmem>>, %arg6: memref<120x32xi32, #tpu.memory_space<vmem>>, %arg7: memref<!tpu.dma_semaphore, #tpu.memory_space<semaphore_mem>>) attributes {dimension_semantics = [#tpu.dimension_semantics<core_parallel>, #tpu.dimension_semantics<subcore_parallel>], iteration_bounds = array<i64: 2, 16>, scalar_prefetch = 0 : i64, scratch_operands = 3 : i64, tpu.core_type = #tpu.core_type<sc_vector_subcore>, window_params = [{transform_indices = #map}, {transform_indices = #map1}, {transform_indices = #map2}]} {
    %mul3A = arith.constant 2 : i32
    %mul3A_0 = arith.muli %arg1, %mul3A : i32
    %add3A = arith.addi %mul3A_0, %arg0 : i32
    %mul3A_1 = arith.constant 600 : i32
    %mul3A_2 = arith.muli %add3A, %mul3A_1 : i32
    %add3A_3 = arith.constant 0 : i32
    %add3A_4 = arith.addi %mul3A_2, %add3A_3 : i32
    "tpu.region"() ({
      %run_scoped3A = tpu.sem_alloc : memref<!tpu.dma_semaphore, #tpu.memory_space<semaphore_mem>>
      %dma_start3A_49 = tpu.memref_slice %arg2[%add3A_4] : memref<19200xi32, #tpu.memory_space<hbm>> -> memref<120xi32, #tpu.memory_space<hbm>>
      %dma_start3A_50 = tpu.memref_slice %arg2[%add3A_4] : memref<19200xi32, #tpu.memory_space<hbm>> -> memref<120xi32, #tpu.memory_space<hbm>>
      tpu.enqueue_dma source(%dma_start3A_50 : memref<120xi32, #tpu.memory_space<hbm>>) target(%arg5 : memref<120xi32, #tpu.memory_space<vmem>>) target_semaphore(%run_scoped3A : memref<!tpu.dma_semaphore, #tpu.memory_space<semaphore_mem>>)
      %dma_wait3A_51 = tpu.memref_slice %arg2[%add3A_4] : memref<19200xi32, #tpu.memory_space<hbm>> -> memref<120xi32, #tpu.memory_space<hbm>>
      %dma_wait3A_52 = tpu.memref_slice %arg2[%add3A_4] : memref<19200xi32, #tpu.memory_space<hbm>> -> memref<120xi32, #tpu.memory_space<hbm>>
      tpu.wait_dma2 semaphore(%run_scoped3A : memref<!tpu.dma_semaphore, #tpu.memory_space<semaphore_mem>>) src(%dma_wait3A_52 : memref<120xi32, #tpu.memory_space<hbm>>) dst(%arg5 : memref<120xi32, #tpu.memory_space<vmem>>)
      tpu.yield
    }) : () -> ()
    %dma_start3A = arith.constant 0 : i32
    %dma_start3A_5 = arith.constant 0 : i32
    %dma_start3A_6 = tpu.memref_slice %arg3[%dma_start3A, %dma_start3A_5] : memref<100000x32xi32, #tpu.memory_space<hbm>> -> memref<100000x32xi32, #tpu.memory_space<hbm>>
    tpu.enqueue_indirect_dma source(%dma_start3A_6 : memref<100000x32xi32, #tpu.memory_space<hbm>>) target(%arg6 : memref<120x32xi32, #tpu.memory_space<vmem>>) offsets(%arg5 : memref<120xi32, #tpu.memory_space<vmem>>) semaphore(%arg7 : memref<!tpu.dma_semaphore, #tpu.memory_space<semaphore_mem>>)
    %dma_wait3A = arith.constant 0 : i32
    %dma_wait3A_7 = arith.constant 0 : i32
    %dma_wait3A_8 = tpu.memref_slice %arg3[%dma_wait3A, %dma_wait3A_7] : memref<100000x32xi32, #tpu.memory_space<hbm>> -> memref<100000x32xi32, #tpu.memory_space<hbm>>
    tpu.wait_indirect_dma semaphore(%arg7 : memref<!tpu.dma_semaphore, #tpu.memory_space<semaphore_mem>>) src(%dma_wait3A_8 : memref<100000x32xi32, #tpu.memory_space<hbm>>) dst(%arg6 : memref<120x32xi32, #tpu.memory_space<vmem>>)
    "tpu.region"() ({
      %run_scoped3A = tpu.sem_alloc : memref<!tpu.dma_semaphore, #tpu.memory_space<semaphore_mem>>
      %dma_start3A_49 = arith.constant 0 : i32
      %dma_start3A_50 = arith.constant 0 : i32
      %dma_start3A_51 = tpu.memref_slice %arg4[%add3A, %dma_start3A_49, %dma_start3A_50] : memref<32x600x32xi32, #tpu.memory_space<hbm>> -> memref<1x120x32xi32, #tpu.memory_space<hbm>>
      %dma_start3A_52 = tpu.memref_squeeze %dma_start3A_51 : memref<1x120x32xi32, #tpu.memory_space<hbm>> -> memref<120x32xi32, #tpu.memory_space<hbm>>
      %dma_start3A_53 = arith.constant 0 : i32
      %dma_start3A_54 = arith.constant 0 : i32
      %dma_start3A_55 = tpu.memref_slice %arg4[%add3A, %dma_start3A_53, %dma_start3A_54] : memref<32x600x32xi32, #tpu.memory_space<hbm>> -> memref<1x120x32xi32, #tpu.memory_space<hbm>>
      %dma_start3A_56 = tpu.memref_squeeze %dma_start3A_55 : memref<1x120x32xi32, #tpu.memory_space<hbm>> -> memref<120x32xi32, #tpu.memory_space<hbm>>
      tpu.enqueue_dma source(%arg6 : memref<120x32xi32, #tpu.memory_space<vmem>>) target(%dma_start3A_56 : memref<120x32xi32, #tpu.memory_space<hbm>>) target_semaphore(%run_scoped3A : memref<!tpu.dma_semaphore, #tpu.memory_space<semaphore_mem>>)
      %dma_wait3A_57 = arith.constant 0 : i32
      %dma_wait3A_58 = arith.constant 0 : i32
      %dma_wait3A_59 = tpu.memref_slice %arg4[%add3A, %dma_wait3A_57, %dma_wait3A_58] : memref<32x600x32xi32, #tpu.memory_space<hbm>> -> memref<1x120x32xi32, #tpu.memory_space<hbm>>
      %dma_wait3A_60 = tpu.memref_squeeze %dma_wait3A_59 : memref<1x120x32xi32, #tpu.memory_space<hbm>> -> memref<120x32xi32, #tpu.memory_space<hbm>>
      %dma_wait3A_61 = arith.constant 0 : i32
      %dma_wait3A_62 = arith.constant 0 : i32
      %dma_wait3A_63 = tpu.memref_slice %arg4[%add3A, %dma_wait3A_61, %dma_wait3A_62] : memref<32x600x32xi32, #tpu.memory_space<hbm>> -> memref<1x120x32xi32, #tpu.memory_space<hbm>>
      %dma_wait3A_64 = tpu.memref_squeeze %dma_wait3A_63 : memref<1x120x32xi32, #tpu.memory_space<hbm>> -> memref<120x32xi32, #tpu.memory_space<hbm>>
      tpu.wait_dma2 semaphore(%run_scoped3A : memref<!tpu.dma_semaphore, #tpu.memory_space<semaphore_mem>>) src(%arg6 : memref<120x32xi32, #tpu.memory_space<vmem>>) dst(%dma_wait3A_64 : memref<120x32xi32, #tpu.memory_space<hbm>>)
      tpu.yield
    }) : () -> ()
    %mul3A_9 = arith.constant 600 : i32
    %mul3A_10 = arith.muli %add3A, %mul3A_9 : i32
    %add3A_11 = arith.constant 120 : i32
    %add3A_12 = arith.addi %mul3A_10, %add3A_11 : i32
    "tpu.region"() ({
      %run_scoped3A = tpu.sem_alloc : memref<!tpu.dma_semaphore, #tpu.memory_space<semaphore_mem>>
      %dma_start3A_49 = tpu.memref_slice %arg2[%add3A_12] : memref<19200xi32, #tpu.memory_space<hbm>> -> memref<120xi32, #tpu.memory_space<hbm>>
      %dma_start3A_50 = tpu.memref_slice %arg2[%add3A_12] : memref<19200xi32, #tpu.memory_space<hbm>> -> memref<120xi32, #tpu.memory_space<hbm>>
      tpu.enqueue_dma source(%dma_start3A_50 : memref<120xi32, #tpu.memory_space<hbm>>) target(%arg5 : memref<120xi32, #tpu.memory_space<vmem>>) target_semaphore(%run_scoped3A : memref<!tpu.dma_semaphore, #tpu.memory_space<semaphore_mem>>)
      %dma_wait3A_51 = tpu.memref_slice %arg2[%add3A_12] : memref<19200xi32, #tpu.memory_space<hbm>> -> memref<120xi32, #tpu.memory_space<hbm>>
      %dma_wait3A_52 = tpu.memref_slice %arg2[%add3A_12] : memref<19200xi32, #tpu.memory_space<hbm>> -> memref<120xi32, #tpu.memory_space<hbm>>
      tpu.wait_dma2 semaphore(%run_scoped3A : memref<!tpu.dma_semaphore, #tpu.memory_space<semaphore_mem>>) src(%dma_wait3A_52 : memref<120xi32, #tpu.memory_space<hbm>>) dst(%arg5 : memref<120xi32, #tpu.memory_space<vmem>>)
      tpu.yield
    }) : () -> ()
    %dma_start3A_13 = arith.constant 0 : i32
    %dma_start3A_14 = arith.constant 0 : i32
    %dma_start3A_15 = tpu.memref_slice %arg3[%dma_start3A_13, %dma_start3A_14] : memref<100000x32xi32, #tpu.memory_space<hbm>> -> memref<100000x32xi32, #tpu.memory_space<hbm>>
    tpu.enqueue_indirect_dma source(%dma_start3A_15 : memref<100000x32xi32, #tpu.memory_space<hbm>>) target(%arg6 : memref<120x32xi32, #tpu.memory_space<vmem>>) offsets(%arg5 : memref<120xi32, #tpu.memory_space<vmem>>) semaphore(%arg7 : memref<!tpu.dma_semaphore, #tpu.memory_space<semaphore_mem>>)
    %dma_wait3A_16 = arith.constant 0 : i32
    %dma_wait3A_17 = arith.constant 0 : i32
    %dma_wait3A_18 = tpu.memref_slice %arg3[%dma_wait3A_16, %dma_wait3A_17] : memref<100000x32xi32, #tpu.memory_space<hbm>> -> memref<100000x32xi32, #tpu.memory_space<hbm>>
    tpu.wait_indirect_dma semaphore(%arg7 : memref<!tpu.dma_semaphore, #tpu.memory_space<semaphore_mem>>) src(%dma_wait3A_18 : memref<100000x32xi32, #tpu.memory_space<hbm>>) dst(%arg6 : memref<120x32xi32, #tpu.memory_space<vmem>>)
    "tpu.region"() ({
      %run_scoped3A = tpu.sem_alloc : memref<!tpu.dma_semaphore, #tpu.memory_space<semaphore_mem>>
      %dma_start3A_49 = arith.constant 120 : i32
      %dma_start3A_50 = arith.constant 0 : i32
      %dma_start3A_51 = tpu.memref_slice %arg4[%add3A, %dma_start3A_49, %dma_start3A_50] : memref<32x600x32xi32, #tpu.memory_space<hbm>> -> memref<1x120x32xi32, #tpu.memory_space<hbm>>
      %dma_start3A_52 = tpu.memref_squeeze %dma_start3A_51 : memref<1x120x32xi32, #tpu.memory_space<hbm>> -> memref<120x32xi32, #tpu.memory_space<hbm>>
      %dma_start3A_53 = arith.constant 120 : i32
      %dma_start3A_54 = arith.constant 0 : i32
      %dma_start3A_55 = tpu.memref_slice %arg4[%add3A, %dma_start3A_53, %dma_start3A_54] : memref<32x600x32xi32, #tpu.memory_space<hbm>> -> memref<1x120x32xi32, #tpu.memory_space<hbm>>
      %dma_start3A_56 = tpu.memref_squeeze %dma_start3A_55 : memref<1x120x32xi32, #tpu.memory_space<hbm>> -> memref<120x32xi32, #tpu.memory_space<hbm>>
      tpu.enqueue_dma source(%arg6 : memref<120x32xi32, #tpu.memory_space<vmem>>) target(%dma_start3A_56 : memref<120x32xi32, #tpu.memory_space<hbm>>) target_semaphore(%run_scoped3A : memref<!tpu.dma_semaphore, #tpu.memory_space<semaphore_mem>>)
      %dma_wait3A_57 = arith.constant 120 : i32
      %dma_wait3A_58 = arith.constant 0 : i32
      %dma_wait3A_59 = tpu.memref_slice %arg4[%add3A, %dma_wait3A_57, %dma_wait3A_58] : memref<32x600x32xi32, #tpu.memory_space<hbm>> -> memref<1x120x32xi32, #tpu.memory_space<hbm>>
      %dma_wait3A_60 = tpu.memref_squeeze %dma_wait3A_59 : memref<1x120x32xi32, #tpu.memory_space<hbm>> -> memref<120x32xi32, #tpu.memory_space<hbm>>
      %dma_wait3A_61 = arith.constant 120 : i32
      %dma_wait3A_62 = arith.constant 0 : i32
      %dma_wait3A_63 = tpu.memref_slice %arg4[%add3A, %dma_wait3A_61, %dma_wait3A_62] : memref<32x600x32xi32, #tpu.memory_space<hbm>> -> memref<1x120x32xi32, #tpu.memory_space<hbm>>
      %dma_wait3A_64 = tpu.memref_squeeze %dma_wait3A_63 : memref<1x120x32xi32, #tpu.memory_space<hbm>> -> memref<120x32xi32, #tpu.memory_space<hbm>>
      tpu.wait_dma2 semaphore(%run_scoped3A : memref<!tpu.dma_semaphore, #tpu.memory_space<semaphore_mem>>) src(%arg6 : memref<120x32xi32, #tpu.memory_space<vmem>>) dst(%dma_wait3A_64 : memref<120x32xi32, #tpu.memory_space<hbm>>)
      tpu.yield
    }) : () -> ()
    %mul3A_19 = arith.constant 600 : i32
    %mul3A_20 = arith.muli %add3A, %mul3A_19 : i32
    %add3A_21 = arith.constant 240 : i32
    %add3A_22 = arith.addi %mul3A_20, %add3A_21 : i32
    "tpu.region"() ({
      %run_scoped3A = tpu.sem_alloc : memref<!tpu.dma_semaphore, #tpu.memory_space<semaphore_mem>>
      %dma_start3A_49 = tpu.memref_slice %arg2[%add3A_22] : memref<19200xi32, #tpu.memory_space<hbm>> -> memref<120xi32, #tpu.memory_space<hbm>>
      %dma_start3A_50 = tpu.memref_slice %arg2[%add3A_22] : memref<19200xi32, #tpu.memory_space<hbm>> -> memref<120xi32, #tpu.memory_space<hbm>>
      tpu.enqueue_dma source(%dma_start3A_50 : memref<120xi32, #tpu.memory_space<hbm>>) target(%arg5 : memref<120xi32, #tpu.memory_space<vmem>>) target_semaphore(%run_scoped3A : memref<!tpu.dma_semaphore, #tpu.memory_space<semaphore_mem>>)
      %dma_wait3A_51 = tpu.memref_slice %arg2[%add3A_22] : memref<19200xi32, #tpu.memory_space<hbm>> -> memref<120xi32, #tpu.memory_space<hbm>>
      %dma_wait3A_52 = tpu.memref_slice %arg2[%add3A_22] : memref<19200xi32, #tpu.memory_space<hbm>> -> memref<120xi32, #tpu.memory_space<hbm>>
      tpu.wait_dma2 semaphore(%run_scoped3A : memref<!tpu.dma_semaphore, #tpu.memory_space<semaphore_mem>>) src(%dma_wait3A_52 : memref<120xi32, #tpu.memory_space<hbm>>) dst(%arg5 : memref<120xi32, #tpu.memory_space<vmem>>)
      tpu.yield
    }) : () -> ()
    %dma_start3A_23 = arith.constant 0 : i32
    %dma_start3A_24 = arith.constant 0 : i32
    %dma_start3A_25 = tpu.memref_slice %arg3[%dma_start3A_23, %dma_start3A_24] : memref<100000x32xi32, #tpu.memory_space<hbm>> -> memref<100000x32xi32, #tpu.memory_space<hbm>>
    tpu.enqueue_indirect_dma source(%dma_start3A_25 : memref<100000x32xi32, #tpu.memory_space<hbm>>) target(%arg6 : memref<120x32xi32, #tpu.memory_space<vmem>>) offsets(%arg5 : memref<120xi32, #tpu.memory_space<vmem>>) semaphore(%arg7 : memref<!tpu.dma_semaphore, #tpu.memory_space<semaphore_mem>>)
    %dma_wait3A_26 = arith.constant 0 : i32
    %dma_wait3A_27 = arith.constant 0 : i32
    %dma_wait3A_28 = tpu.memref_slice %arg3[%dma_wait3A_26, %dma_wait3A_27] : memref<100000x32xi32, #tpu.memory_space<hbm>> -> memref<100000x32xi32, #tpu.memory_space<hbm>>
    tpu.wait_indirect_dma semaphore(%arg7 : memref<!tpu.dma_semaphore, #tpu.memory_space<semaphore_mem>>) src(%dma_wait3A_28 : memref<100000x32xi32, #tpu.memory_space<hbm>>) dst(%arg6 : memref<120x32xi32, #tpu.memory_space<vmem>>)
    "tpu.region"() ({
      %run_scoped3A = tpu.sem_alloc : memref<!tpu.dma_semaphore, #tpu.memory_space<semaphore_mem>>
      %dma_start3A_49 = arith.constant 240 : i32
      %dma_start3A_50 = arith.constant 0 : i32
      %dma_start3A_51 = tpu.memref_slice %arg4[%add3A, %dma_start3A_49, %dma_start3A_50] : memref<32x600x32xi32, #tpu.memory_space<hbm>> -> memref<1x120x32xi32, #tpu.memory_space<hbm>>
      %dma_start3A_52 = tpu.memref_squeeze %dma_start3A_51 : memref<1x120x32xi32, #tpu.memory_space<hbm>> -> memref<120x32xi32, #tpu.memory_space<hbm>>
      %dma_start3A_53 = arith.constant 240 : i32
      %dma_start3A_54 = arith.constant 0 : i32
      %dma_start3A_55 = tpu.memref_slice %arg4[%add3A, %dma_start3A_53, %dma_start3A_54] : memref<32x600x32xi32, #tpu.memory_space<hbm>> -> memref<1x120x32xi32, #tpu.memory_space<hbm>>
      %dma_start3A_56 = tpu.memref_squeeze %dma_start3A_55 : memref<1x120x32xi32, #tpu.memory_space<hbm>> -> memref<120x32xi32, #tpu.memory_space<hbm>>
      tpu.enqueue_dma source(%arg6 : memref<120x32xi32, #tpu.memory_space<vmem>>) target(%dma_start3A_56 : memref<120x32xi32, #tpu.memory_space<hbm>>) target_semaphore(%run_scoped3A : memref<!tpu.dma_semaphore, #tpu.memory_space<semaphore_mem>>)
      %dma_wait3A_57 = arith.constant 240 : i32
      %dma_wait3A_58 = arith.constant 0 : i32
      %dma_wait3A_59 = tpu.memref_slice %arg4[%add3A, %dma_wait3A_57, %dma_wait3A_58] : memref<32x600x32xi32, #tpu.memory_space<hbm>> -> memref<1x120x32xi32, #tpu.memory_space<hbm>>
      %dma_wait3A_60 = tpu.memref_squeeze %dma_wait3A_59 : memref<1x120x32xi32, #tpu.memory_space<hbm>> -> memref<120x32xi32, #tpu.memory_space<hbm>>
      %dma_wait3A_61 = arith.constant 240 : i32
      %dma_wait3A_62 = arith.constant 0 : i32
      %dma_wait3A_63 = tpu.memref_slice %arg4[%add3A, %dma_wait3A_61, %dma_wait3A_62] : memref<32x600x32xi32, #tpu.memory_space<hbm>> -> memref<1x120x32xi32, #tpu.memory_space<hbm>>
      %dma_wait3A_64 = tpu.memref_squeeze %dma_wait3A_63 : memref<1x120x32xi32, #tpu.memory_space<hbm>> -> memref<120x32xi32, #tpu.memory_space<hbm>>
      tpu.wait_dma2 semaphore(%run_scoped3A : memref<!tpu.dma_semaphore, #tpu.memory_space<semaphore_mem>>) src(%arg6 : memref<120x32xi32, #tpu.memory_space<vmem>>) dst(%dma_wait3A_64 : memref<120x32xi32, #tpu.memory_space<hbm>>)
      tpu.yield
    }) : () -> ()
    %mul3A_29 = arith.constant 600 : i32
    %mul3A_30 = arith.muli %add3A, %mul3A_29 : i32
    %add3A_31 = arith.constant 360 : i32
    %add3A_32 = arith.addi %mul3A_30, %add3A_31 : i32
    "tpu.region"() ({
      %run_scoped3A = tpu.sem_alloc : memref<!tpu.dma_semaphore, #tpu.memory_space<semaphore_mem>>
      %dma_start3A_49 = tpu.memref_slice %arg2[%add3A_32] : memref<19200xi32, #tpu.memory_space<hbm>> -> memref<120xi32, #tpu.memory_space<hbm>>
      %dma_start3A_50 = tpu.memref_slice %arg2[%add3A_32] : memref<19200xi32, #tpu.memory_space<hbm>> -> memref<120xi32, #tpu.memory_space<hbm>>
      tpu.enqueue_dma source(%dma_start3A_50 : memref<120xi32, #tpu.memory_space<hbm>>) target(%arg5 : memref<120xi32, #tpu.memory_space<vmem>>) target_semaphore(%run_scoped3A : memref<!tpu.dma_semaphore, #tpu.memory_space<semaphore_mem>>)
      %dma_wait3A_51 = tpu.memref_slice %arg2[%add3A_32] : memref<19200xi32, #tpu.memory_space<hbm>> -> memref<120xi32, #tpu.memory_space<hbm>>
      %dma_wait3A_52 = tpu.memref_slice %arg2[%add3A_32] : memref<19200xi32, #tpu.memory_space<hbm>> -> memref<120xi32, #tpu.memory_space<hbm>>
      tpu.wait_dma2 semaphore(%run_scoped3A : memref<!tpu.dma_semaphore, #tpu.memory_space<semaphore_mem>>) src(%dma_wait3A_52 : memref<120xi32, #tpu.memory_space<hbm>>) dst(%arg5 : memref<120xi32, #tpu.memory_space<vmem>>)
      tpu.yield
    }) : () -> ()
    %dma_start3A_33 = arith.constant 0 : i32
    %dma_start3A_34 = arith.constant 0 : i32
    %dma_start3A_35 = tpu.memref_slice %arg3[%dma_start3A_33, %dma_start3A_34] : memref<100000x32xi32, #tpu.memory_space<hbm>> -> memref<100000x32xi32, #tpu.memory_space<hbm>>
    tpu.enqueue_indirect_dma source(%dma_start3A_35 : memref<100000x32xi32, #tpu.memory_space<hbm>>) target(%arg6 : memref<120x32xi32, #tpu.memory_space<vmem>>) offsets(%arg5 : memref<120xi32, #tpu.memory_space<vmem>>) semaphore(%arg7 : memref<!tpu.dma_semaphore, #tpu.memory_space<semaphore_mem>>)
    %dma_wait3A_36 = arith.constant 0 : i32
    %dma_wait3A_37 = arith.constant 0 : i32
    %dma_wait3A_38 = tpu.memref_slice %arg3[%dma_wait3A_36, %dma_wait3A_37] : memref<100000x32xi32, #tpu.memory_space<hbm>> -> memref<100000x32xi32, #tpu.memory_space<hbm>>
    tpu.wait_indirect_dma semaphore(%arg7 : memref<!tpu.dma_semaphore, #tpu.memory_space<semaphore_mem>>) src(%dma_wait3A_38 : memref<100000x32xi32, #tpu.memory_space<hbm>>) dst(%arg6 : memref<120x32xi32, #tpu.memory_space<vmem>>)
    "tpu.region"() ({
      %run_scoped3A = tpu.sem_alloc : memref<!tpu.dma_semaphore, #tpu.memory_space<semaphore_mem>>
      %dma_start3A_49 = arith.constant 360 : i32
      %dma_start3A_50 = arith.constant 0 : i32
      %dma_start3A_51 = tpu.memref_slice %arg4[%add3A, %dma_start3A_49, %dma_start3A_50] : memref<32x600x32xi32, #tpu.memory_space<hbm>> -> memref<1x120x32xi32, #tpu.memory_space<hbm>>
      %dma_start3A_52 = tpu.memref_squeeze %dma_start3A_51 : memref<1x120x32xi32, #tpu.memory_space<hbm>> -> memref<120x32xi32, #tpu.memory_space<hbm>>
      %dma_start3A_53 = arith.constant 360 : i32
      %dma_start3A_54 = arith.constant 0 : i32
      %dma_start3A_55 = tpu.memref_slice %arg4[%add3A, %dma_start3A_53, %dma_start3A_54] : memref<32x600x32xi32, #tpu.memory_space<hbm>> -> memref<1x120x32xi32, #tpu.memory_space<hbm>>
      %dma_start3A_56 = tpu.memref_squeeze %dma_start3A_55 : memref<1x120x32xi32, #tpu.memory_space<hbm>> -> memref<120x32xi32, #tpu.memory_space<hbm>>
      tpu.enqueue_dma source(%arg6 : memref<120x32xi32, #tpu.memory_space<vmem>>) target(%dma_start3A_56 : memref<120x32xi32, #tpu.memory_space<hbm>>) target_semaphore(%run_scoped3A : memref<!tpu.dma_semaphore, #tpu.memory_space<semaphore_mem>>)
      %dma_wait3A_57 = arith.constant 360 : i32
      %dma_wait3A_58 = arith.constant 0 : i32
      %dma_wait3A_59 = tpu.memref_slice %arg4[%add3A, %dma_wait3A_57, %dma_wait3A_58] : memref<32x600x32xi32, #tpu.memory_space<hbm>> -> memref<1x120x32xi32, #tpu.memory_space<hbm>>
      %dma_wait3A_60 = tpu.memref_squeeze %dma_wait3A_59 : memref<1x120x32xi32, #tpu.memory_space<hbm>> -> memref<120x32xi32, #tpu.memory_space<hbm>>
      %dma_wait3A_61 = arith.constant 360 : i32
      %dma_wait3A_62 = arith.constant 0 : i32
      %dma_wait3A_63 = tpu.memref_slice %arg4[%add3A, %dma_wait3A_61, %dma_wait3A_62] : memref<32x600x32xi32, #tpu.memory_space<hbm>> -> memref<1x120x32xi32, #tpu.memory_space<hbm>>
      %dma_wait3A_64 = tpu.memref_squeeze %dma_wait3A_63 : memref<1x120x32xi32, #tpu.memory_space<hbm>> -> memref<120x32xi32, #tpu.memory_space<hbm>>
      tpu.wait_dma2 semaphore(%run_scoped3A : memref<!tpu.dma_semaphore, #tpu.memory_space<semaphore_mem>>) src(%arg6 : memref<120x32xi32, #tpu.memory_space<vmem>>) dst(%dma_wait3A_64 : memref<120x32xi32, #tpu.memory_space<hbm>>)
      tpu.yield
    }) : () -> ()
    %mul3A_39 = arith.constant 600 : i32
    %mul3A_40 = arith.muli %add3A, %mul3A_39 : i32
    %add3A_41 = arith.constant 480 : i32
    %add3A_42 = arith.addi %mul3A_40, %add3A_41 : i32
    "tpu.region"() ({
      %run_scoped3A = tpu.sem_alloc : memref<!tpu.dma_semaphore, #tpu.memory_space<semaphore_mem>>
      %dma_start3A_49 = tpu.memref_slice %arg2[%add3A_42] : memref<19200xi32, #tpu.memory_space<hbm>> -> memref<120xi32, #tpu.memory_space<hbm>>
      %dma_start3A_50 = tpu.memref_slice %arg2[%add3A_42] : memref<19200xi32, #tpu.memory_space<hbm>> -> memref<120xi32, #tpu.memory_space<hbm>>
      tpu.enqueue_dma source(%dma_start3A_50 : memref<120xi32, #tpu.memory_space<hbm>>) target(%arg5 : memref<120xi32, #tpu.memory_space<vmem>>) target_semaphore(%run_scoped3A : memref<!tpu.dma_semaphore, #tpu.memory_space<semaphore_mem>>)
      %dma_wait3A_51 = tpu.memref_slice %arg2[%add3A_42] : memref<19200xi32, #tpu.memory_space<hbm>> -> memref<120xi32, #tpu.memory_space<hbm>>
      %dma_wait3A_52 = tpu.memref_slice %arg2[%add3A_42] : memref<19200xi32, #tpu.memory_space<hbm>> -> memref<120xi32, #tpu.memory_space<hbm>>
      tpu.wait_dma2 semaphore(%run_scoped3A : memref<!tpu.dma_semaphore, #tpu.memory_space<semaphore_mem>>) src(%dma_wait3A_52 : memref<120xi32, #tpu.memory_space<hbm>>) dst(%arg5 : memref<120xi32, #tpu.memory_space<vmem>>)
      tpu.yield
    }) : () -> ()
    %dma_start3A_43 = arith.constant 0 : i32
    %dma_start3A_44 = arith.constant 0 : i32
    %dma_start3A_45 = tpu.memref_slice %arg3[%dma_start3A_43, %dma_start3A_44] : memref<100000x32xi32, #tpu.memory_space<hbm>> -> memref<100000x32xi32, #tpu.memory_space<hbm>>
    tpu.enqueue_indirect_dma source(%dma_start3A_45 : memref<100000x32xi32, #tpu.memory_space<hbm>>) target(%arg6 : memref<120x32xi32, #tpu.memory_space<vmem>>) offsets(%arg5 : memref<120xi32, #tpu.memory_space<vmem>>) semaphore(%arg7 : memref<!tpu.dma_semaphore, #tpu.memory_space<semaphore_mem>>)
    %dma_wait3A_46 = arith.constant 0 : i32
    %dma_wait3A_47 = arith.constant 0 : i32
    %dma_wait3A_48 = tpu.memref_slice %arg3[%dma_wait3A_46, %dma_wait3A_47] : memref<100000x32xi32, #tpu.memory_space<hbm>> -> memref<100000x32xi32, #tpu.memory_space<hbm>>
    tpu.wait_indirect_dma semaphore(%arg7 : memref<!tpu.dma_semaphore, #tpu.memory_space<semaphore_mem>>) src(%dma_wait3A_48 : memref<100000x32xi32, #tpu.memory_space<hbm>>) dst(%arg6 : memref<120x32xi32, #tpu.memory_space<vmem>>)
    "tpu.region"() ({
      %run_scoped3A = tpu.sem_alloc : memref<!tpu.dma_semaphore, #tpu.memory_space<semaphore_mem>>
      %dma_start3A_49 = arith.constant 480 : i32
      %dma_start3A_50 = arith.constant 0 : i32
      %dma_start3A_51 = tpu.memref_slice %arg4[%add3A, %dma_start3A_49, %dma_start3A_50] : memref<32x600x32xi32, #tpu.memory_space<hbm>> -> memref<1x120x32xi32, #tpu.memory_space<hbm>>
      %dma_start3A_52 = tpu.memref_squeeze %dma_start3A_51 : memref<1x120x32xi32, #tpu.memory_space<hbm>> -> memref<120x32xi32, #tpu.memory_space<hbm>>
      %dma_start3A_53 = arith.constant 480 : i32
      %dma_start3A_54 = arith.constant 0 : i32
      %dma_start3A_55 = tpu.memref_slice %arg4[%add3A, %dma_start3A_53, %dma_start3A_54] : memref<32x600x32xi32, #tpu.memory_space<hbm>> -> memref<1x120x32xi32, #tpu.memory_space<hbm>>
      %dma_start3A_56 = tpu.memref_squeeze %dma_start3A_55 : memref<1x120x32xi32, #tpu.memory_space<hbm>> -> memref<120x32xi32, #tpu.memory_space<hbm>>
      tpu.enqueue_dma source(%arg6 : memref<120x32xi32, #tpu.memory_space<vmem>>) target(%dma_start3A_56 : memref<120x32xi32, #tpu.memory_space<hbm>>) target_semaphore(%run_scoped3A : memref<!tpu.dma_semaphore, #tpu.memory_space<semaphore_mem>>)
      %dma_wait3A_57 = arith.constant 480 : i32
      %dma_wait3A_58 = arith.constant 0 : i32
      %dma_wait3A_59 = tpu.memref_slice %arg4[%add3A, %dma_wait3A_57, %dma_wait3A_58] : memref<32x600x32xi32, #tpu.memory_space<hbm>> -> memref<1x120x32xi32, #tpu.memory_space<hbm>>
      %dma_wait3A_60 = tpu.memref_squeeze %dma_wait3A_59 : memref<1x120x32xi32, #tpu.memory_space<hbm>> -> memref<120x32xi32, #tpu.memory_space<hbm>>
      %dma_wait3A_61 = arith.constant 480 : i32
      %dma_wait3A_62 = arith.constant 0 : i32
      %dma_wait3A_63 = tpu.memref_slice %arg4[%add3A, %dma_wait3A_61, %dma_wait3A_62] : memref<32x600x32xi32, #tpu.memory_space<hbm>> -> memref<1x120x32xi32, #tpu.memory_space<hbm>>
      %dma_wait3A_64 = tpu.memref_squeeze %dma_wait3A_63 : memref<1x120x32xi32, #tpu.memory_space<hbm>> -> memref<120x32xi32, #tpu.memory_space<hbm>>
      tpu.wait_dma2 semaphore(%run_scoped3A : memref<!tpu.dma_semaphore, #tpu.memory_space<semaphore_mem>>) src(%arg6 : memref<120x32xi32, #tpu.memory_space<vmem>>) dst(%dma_wait3A_64 : memref<120x32xi32, #tpu.memory_space<hbm>>)
      tpu.yield
    }) : () -> ()
    return
  }
}

module attributes {stable_mosaic.version = 14 : i64} {
  func.func @_tc_body(%arg0: i32, %arg1: memref<1x56x128xf32, #tpu.memory_space<vmem>>, %arg2: memref<1x50x50xi32, #tpu.memory_space<vmem>>, %arg3: memref<1x50x1xf32, #tpu.memory_space<vmem>>, %arg4: memref<1x56x128xf32, #tpu.memory_space<vmem>>, %arg5: memref<1x600x128xf32, #tpu.memory_space<vmem>>, %arg6: memref<1x50x12xf32, #tpu.memory_space<vmem>>, %arg7: memref<1x7200x128xf32, #tpu.memory_space<vmem>>, %arg8: memref<1x7200x1xf32, #tpu.memory_space<vmem>>, %arg9: memref<128x4xf32, #tpu.memory_space<vmem>>, %arg10: memref<2x128x128xf32, #tpu.memory_space<vmem>>, %arg11: memref<2x1x128xf32, #tpu.memory_space<vmem>>, %arg12: memref<2x128x1xf32, #tpu.memory_space<vmem>>, %arg13: memref<2x128x128xf32, #tpu.memory_space<vmem>>, %arg14: memref<2x128x128xf32, #tpu.memory_space<vmem>>, %arg15: memref<1x50x128xf32, #tpu.memory_space<vmem>>) attributes {dimension_semantics = [#tpu.dimension_semantics<arbitrary>], iteration_bounds = array<i64: 32>, scalar_prefetch = 0 : i64, scratch_operands = 0 : i64, tpu.core_type = #tpu.core_type<tc>, window_params = [{transform_indices = @transform_0, window_bounds = array<i64: 1, 56, 128>}, {transform_indices = @transform_1, window_bounds = array<i64: 1, 50, 50>}, {transform_indices = @transform_2, window_bounds = array<i64: 1, 50, 1>}, {transform_indices = @transform_3, window_bounds = array<i64: 1, 56, 128>}, {transform_indices = @transform_4, window_bounds = array<i64: 1, 600, 128>}, {transform_indices = @transform_5, window_bounds = array<i64: 1, 50, 12>}, {transform_indices = @transform_6, window_bounds = array<i64: 1, 7200, 128>}, {transform_indices = @transform_7, window_bounds = array<i64: 1, 7200, 1>}, {pipeline_mode = #tpu.pipeline_mode<synchronous>, transform_indices = @transform_8, window_bounds = array<i64: 128, 4>}, {pipeline_mode = #tpu.pipeline_mode<synchronous>, transform_indices = @transform_9, window_bounds = array<i64: 2, 128, 128>}, {pipeline_mode = #tpu.pipeline_mode<synchronous>, transform_indices = @transform_10, window_bounds = array<i64: 2, 1, 128>}, {pipeline_mode = #tpu.pipeline_mode<synchronous>, transform_indices = @transform_11, window_bounds = array<i64: 2, 128, 1>}, {pipeline_mode = #tpu.pipeline_mode<synchronous>, transform_indices = @transform_12, window_bounds = array<i64: 2, 128, 128>}, {pipeline_mode = #tpu.pipeline_mode<synchronous>, transform_indices = @transform_13, window_bounds = array<i64: 2, 128, 128>}, {transform_indices = @transform_14, window_bounds = array<i64: 1, 50, 128>}]} {
    %get3A = arith.constant 0 : index
    %get3A_0 = arith.constant 0 : index
    %get3A_1 = arith.constant 0 : index
    %get3A_2 = vector.load %arg1[%get3A, %get3A_0, %get3A_1] : memref<1x56x128xf32, #tpu.memory_space<vmem>>, vector<1x56x128xf32>
    %get3A_3 = vector.shape_cast %get3A_2 : vector<1x56x128xf32> to vector<56x128xf32>
    %slice3A = vector.extract_strided_slice %get3A_3 {offsets = [0, 0], sizes = [50, 128], strides = [1, 1]} : vector<56x128xf32> to vector<50x128xf32>
    %get3A_4 = arith.constant 0 : index
    %get3A_5 = arith.constant 0 : index
    %get3A_6 = arith.constant 0 : index
    %get3A_7 = vector.load %arg3[%get3A_4, %get3A_5, %get3A_6] : memref<1x50x1xf32, #tpu.memory_space<vmem>>, vector<1x50x1xf32>
    %get3A_8 = vector.shape_cast %get3A_7 : vector<1x50x1xf32> to vector<50x1xf32>
    %get3A_9 = arith.constant 0 : index
    %get3A_10 = arith.constant 0 : index
    %get3A_11 = arith.constant 0 : index
    %get3A_12 = vector.load %arg4[%get3A_9, %get3A_10, %get3A_11] : memref<1x56x128xf32, #tpu.memory_space<vmem>>, vector<1x56x128xf32>
    %get3A_13 = vector.shape_cast %get3A_12 : vector<1x56x128xf32> to vector<56x128xf32>
    %slice3A_14 = vector.extract_strided_slice %get3A_13 {offsets = [0, 0], sizes = [50, 128], strides = [1, 1]} : vector<56x128xf32> to vector<50x128xf32>
    %reduce_sum3A = vector.shape_cast %get3A_8 : vector<50x1xf32> to vector<1x50x1xf32>
    %reduce_sum3A_15 = arith.constant dense<0.000000e+00> : vector<1xf32>
    %reduce_sum3A_16 = vector.multi_reduction <add>, %reduce_sum3A, %reduce_sum3A_15 [1, 2] : vector<1x50x1xf32> to vector<1xf32>
    %reduce_sum3A_17 = vector.shape_cast %reduce_sum3A_16 : vector<1xf32> to vector<1x1x1xf32>
    %reduce_sum3A_18 = vector.extract %reduce_sum3A_17[0, 0, 0] : f32 from vector<1x1x1xf32>
    %mul3A = vector.broadcast %get3A_8 : vector<50x1xf32> to vector<50x128xf32>
    %mul3A_19 = arith.mulf %slice3A_14, %mul3A : vector<50x128xf32>
    %reduce_sum3A_20 = arith.constant dense<0.000000e+00> : vector<128xf32>
    %reduce_sum3A_21 = vector.multi_reduction <add>, %mul3A_19, %reduce_sum3A_20 [0] : vector<50x128xf32> to vector<128xf32>
    %broadcast_in_dim3A = vector.shape_cast %reduce_sum3A_21 : vector<128xf32> to vector<1x128xf32>
    %div3A = vector.broadcast %reduce_sum3A_18 : f32 to vector<1x128xf32>
    %div3A_22 = arith.divf %broadcast_in_dim3A, %div3A : vector<1x128xf32>
    %get3A_23 = arith.constant 0 : index
    %get3A_24 = arith.constant 0 : index
    %get3A_25 = vector.load %arg9[%get3A_23, %get3A_24] : memref<128x4xf32, #tpu.memory_space<vmem>>, vector<128x4xf32>
    %get3A_26 = arith.constant 0 : index
    %get3A_27 = arith.constant 0 : index
    %get3A_28 = arith.constant 0 : index
    %get3A_29 = vector.load %arg2[%get3A_26, %get3A_27, %get3A_28] : memref<1x50x50xi32, #tpu.memory_space<vmem>>, vector<1x50x50xi32>
    %get3A_30 = vector.shape_cast %get3A_29 : vector<1x50x50xi32> to vector<50x50xi32>
    %broadcast_in_dim3A_31 = arith.constant -9.000000e+15 : f32
    %broadcast_in_dim3A_32 = vector.broadcast %broadcast_in_dim3A_31 : f32 to vector<50x50xf32>
    %slice3A_33 = vector.extract_strided_slice %get3A_25 {offsets = [0, 0], sizes = [128, 1], strides = [1, 1]} : vector<128x4xf32> to vector<128x1xf32>
    %squeeze3A = vector.shape_cast %slice3A_33 : vector<128x1xf32> to vector<128xf32>
    %broadcast_in_dim3A_34 = vector.shape_cast %squeeze3A : vector<128xf32> to vector<1x128xf32>
    %mul3A_35 = vector.broadcast %broadcast_in_dim3A_34 : vector<1x128xf32> to vector<50x128xf32>
    %mul3A_36 = arith.mulf %slice3A, %mul3A_35 : vector<50x128xf32>
    %dot_general3A = arith.constant dense<0.000000e+00> : vector<50x50xf32>
    %dot_general3A_37 = tpu.matmul %mul3A_36, %slice3A, %dot_general3A {dimension_numbers = #tpu.dot_dimension_numbers<[1], [1], [0], [0], [0, 0, 1, 0], [], []>, transpose_lhs_hint = false} : vector<50x128xf32>, vector<50x128xf32>, vector<50x50xf32> -> vector<50x50xf32>
    %ge3A = arith.constant 0.000000e+00 : f32
    %ge3A_38 = vector.broadcast %ge3A : f32 to vector<50x50xf32>
    %ge3A_39 = arith.cmpf oge, %dot_general3A_37, %ge3A_38 : vector<50x50xf32>
    %mul3A_40 = arith.constant 2.000000e-01 : f32
    %mul3A_41 = vector.broadcast %mul3A_40 : f32 to vector<50x50xf32>
    %mul3A_42 = arith.mulf %mul3A_41, %dot_general3A_37 : vector<50x50xf32>
    %select_n3A = arith.select %ge3A_39, %dot_general3A_37, %mul3A_42 : vector<50x50xi1>, vector<50x50xf32>
    %eq3A = arith.constant 1 : i32
    %eq3A_43 = vector.broadcast %eq3A : i32 to vector<50x50xi32>
    %eq3A_44 = arith.cmpi eq, %get3A_30, %eq3A_43 : vector<50x50xi32>
    %select_n3A_45 = arith.select %eq3A_44, %select_n3A, %broadcast_in_dim3A_32 : vector<50x50xi1>, vector<50x50xf32>
    %slice3A_46 = vector.extract_strided_slice %get3A_25 {offsets = [0, 1], sizes = [128, 1], strides = [1, 1]} : vector<128x4xf32> to vector<128x1xf32>
    %squeeze3A_47 = vector.shape_cast %slice3A_46 : vector<128x1xf32> to vector<128xf32>
    %broadcast_in_dim3A_48 = vector.shape_cast %squeeze3A_47 : vector<128xf32> to vector<1x128xf32>
    %mul3A_49 = vector.broadcast %broadcast_in_dim3A_48 : vector<1x128xf32> to vector<50x128xf32>
    %mul3A_50 = arith.mulf %slice3A, %mul3A_49 : vector<50x128xf32>
    %dot_general3A_51 = arith.constant dense<0.000000e+00> : vector<50x50xf32>
    %dot_general3A_52 = tpu.matmul %mul3A_50, %slice3A, %dot_general3A_51 {dimension_numbers = #tpu.dot_dimension_numbers<[1], [1], [0], [0], [0, 0, 1, 0], [], []>, transpose_lhs_hint = false} : vector<50x128xf32>, vector<50x128xf32>, vector<50x50xf32> -> vector<50x50xf32>
    %ge3A_53 = arith.constant 0.000000e+00 : f32
    %ge3A_54 = vector.broadcast %ge3A_53 : f32 to vector<50x50xf32>
    %ge3A_55 = arith.cmpf oge, %dot_general3A_52, %ge3A_54 : vector<50x50xf32>
    %mul3A_56 = arith.constant 2.000000e-01 : f32
    %mul3A_57 = vector.broadcast %mul3A_56 : f32 to vector<50x50xf32>
    %mul3A_58 = arith.mulf %mul3A_57, %dot_general3A_52 : vector<50x50xf32>
    %select_n3A_59 = arith.select %ge3A_55, %dot_general3A_52, %mul3A_58 : vector<50x50xi1>, vector<50x50xf32>
    %eq3A_60 = arith.constant 2 : i32
    %eq3A_61 = vector.broadcast %eq3A_60 : i32 to vector<50x50xi32>
    %eq3A_62 = arith.cmpi eq, %get3A_30, %eq3A_61 : vector<50x50xi32>
    %select_n3A_63 = arith.select %eq3A_62, %select_n3A_59, %select_n3A_45 : vector<50x50xi1>, vector<50x50xf32>
    %slice3A_64 = vector.extract_strided_slice %get3A_25 {offsets = [0, 2], sizes = [128, 1], strides = [1, 1]} : vector<128x4xf32> to vector<128x1xf32>
    %squeeze3A_65 = vector.shape_cast %slice3A_64 : vector<128x1xf32> to vector<128xf32>
    %broadcast_in_dim3A_66 = vector.shape_cast %squeeze3A_65 : vector<128xf32> to vector<1x128xf32>
    %mul3A_67 = vector.broadcast %broadcast_in_dim3A_66 : vector<1x128xf32> to vector<50x128xf32>
    %mul3A_68 = arith.mulf %slice3A, %mul3A_67 : vector<50x128xf32>
    %dot_general3A_69 = arith.constant dense<0.000000e+00> : vector<50x50xf32>
    %dot_general3A_70 = tpu.matmul %mul3A_68, %slice3A, %dot_general3A_69 {dimension_numbers = #tpu.dot_dimension_numbers<[1], [1], [0], [0], [0, 0, 1, 0], [], []>, transpose_lhs_hint = false} : vector<50x128xf32>, vector<50x128xf32>, vector<50x50xf32> -> vector<50x50xf32>
    %ge3A_71 = arith.constant 0.000000e+00 : f32
    %ge3A_72 = vector.broadcast %ge3A_71 : f32 to vector<50x50xf32>
    %ge3A_73 = arith.cmpf oge, %dot_general3A_70, %ge3A_72 : vector<50x50xf32>
    %mul3A_74 = arith.constant 2.000000e-01 : f32
    %mul3A_75 = vector.broadcast %mul3A_74 : f32 to vector<50x50xf32>
    %mul3A_76 = arith.mulf %mul3A_75, %dot_general3A_70 : vector<50x50xf32>
    %select_n3A_77 = arith.select %ge3A_73, %dot_general3A_70, %mul3A_76 : vector<50x50xi1>, vector<50x50xf32>
    %eq3A_78 = arith.constant 3 : i32
    %eq3A_79 = vector.broadcast %eq3A_78 : i32 to vector<50x50xi32>
    %eq3A_80 = arith.cmpi eq, %get3A_30, %eq3A_79 : vector<50x50xi32>
    %select_n3A_81 = arith.select %eq3A_80, %select_n3A_77, %select_n3A_63 : vector<50x50xi1>, vector<50x50xf32>
    %slice3A_82 = vector.extract_strided_slice %get3A_25 {offsets = [0, 3], sizes = [128, 1], strides = [1, 1]} : vector<128x4xf32> to vector<128x1xf32>
    %squeeze3A_83 = vector.shape_cast %slice3A_82 : vector<128x1xf32> to vector<128xf32>
    %broadcast_in_dim3A_84 = vector.shape_cast %squeeze3A_83 : vector<128xf32> to vector<1x128xf32>
    %mul3A_85 = vector.broadcast %broadcast_in_dim3A_84 : vector<1x128xf32> to vector<50x128xf32>
    %mul3A_86 = arith.mulf %slice3A, %mul3A_85 : vector<50x128xf32>
    %dot_general3A_87 = arith.constant dense<0.000000e+00> : vector<50x50xf32>
    %dot_general3A_88 = tpu.matmul %mul3A_86, %slice3A, %dot_general3A_87 {dimension_numbers = #tpu.dot_dimension_numbers<[1], [1], [0], [0], [0, 0, 1, 0], [], []>, transpose_lhs_hint = false} : vector<50x128xf32>, vector<50x128xf32>, vector<50x50xf32> -> vector<50x50xf32>
    %ge3A_89 = arith.constant 0.000000e+00 : f32
    %ge3A_90 = vector.broadcast %ge3A_89 : f32 to vector<50x50xf32>
    %ge3A_91 = arith.cmpf oge, %dot_general3A_88, %ge3A_90 : vector<50x50xf32>
    %mul3A_92 = arith.constant 2.000000e-01 : f32
    %mul3A_93 = vector.broadcast %mul3A_92 : f32 to vector<50x50xf32>
    %mul3A_94 = arith.mulf %mul3A_93, %dot_general3A_88 : vector<50x50xf32>
    %select_n3A_95 = arith.select %ge3A_91, %dot_general3A_88, %mul3A_94 : vector<50x50xi1>, vector<50x50xf32>
    %eq3A_96 = arith.constant 4 : i32
    %eq3A_97 = vector.broadcast %eq3A_96 : i32 to vector<50x50xi32>
    %eq3A_98 = arith.cmpi eq, %get3A_30, %eq3A_97 : vector<50x50xi32>
    %select_n3A_99 = arith.select %eq3A_98, %select_n3A_95, %select_n3A_81 : vector<50x50xi1>, vector<50x50xf32>
    %reduce_max3A = arith.constant dense<0xFF800000> : vector<50xf32>
    %reduce_max3A_100 = vector.multi_reduction <maximumf>, %select_n3A_99, %reduce_max3A [1] : vector<50x50xf32> to vector<50xf32>
    %broadcast_in_dim3A_101 = vector.shape_cast %reduce_max3A_100 : vector<50xf32> to vector<50x1xf32>
    %sub3A = vector.broadcast %broadcast_in_dim3A_101 : vector<50x1xf32> to vector<50x50xf32>
    %sub3A_102 = arith.subf %select_n3A_99, %sub3A : vector<50x50xf32>
    %exp3A = math.exp %sub3A_102 : vector<50x50xf32>
    %reduce_sum3A_103 = arith.constant dense<0.000000e+00> : vector<50xf32>
    %reduce_sum3A_104 = vector.multi_reduction <add>, %exp3A, %reduce_sum3A_103 [1] : vector<50x50xf32> to vector<50xf32>
    %broadcast_in_dim3A_105 = vector.shape_cast %reduce_sum3A_104 : vector<50xf32> to vector<50x1xf32>
    %div3A_106 = vector.broadcast %broadcast_in_dim3A_105 : vector<50x1xf32> to vector<50x50xf32>
    %div3A_107 = arith.divf %exp3A, %div3A_106 : vector<50x50xf32>
    %dot_general3A_108 = arith.constant dense<0.000000e+00> : vector<50x128xf32>
    %dot_general3A_109 = tpu.matmul %div3A_107, %slice3A, %dot_general3A_108 {dimension_numbers = #tpu.dot_dimension_numbers<[1], [0], [0], [1], [0, 0, 1, 1], [], []>, transpose_lhs_hint = false} : vector<50x50xf32>, vector<50x128xf32>, vector<50x128xf32> -> vector<50x128xf32>
    %get3A_110 = arith.constant 0 : index
    %get3A_111 = arith.constant 0 : index
    %get3A_112 = arith.constant 0 : index
    %get3A_113 = vector.load %arg5[%get3A_110, %get3A_111, %get3A_112] : memref<1x600x128xf32, #tpu.memory_space<vmem>>, vector<1x600x128xf32>
    %get3A_114 = vector.shape_cast %get3A_113 : vector<1x600x128xf32> to vector<600x128xf32>
    %get3A_115 = arith.constant 0 : index
    %get3A_116 = arith.constant 0 : index
    %get3A_117 = arith.constant 0 : index
    %get3A_118 = vector.load %arg6[%get3A_115, %get3A_116, %get3A_117] : memref<1x50x12xf32, #tpu.memory_space<vmem>>, vector<1x50x12xf32>
    %get3A_119 = vector.shape_cast %get3A_118 : vector<1x50x12xf32> to vector<50x12xf32>
    %reshape3A = vector.shape_cast %get3A_114 : vector<600x128xf32> to vector<50x12x128xf32>
    %squeeze3A_120 = vector.shape_cast %div3A_22 : vector<1x128xf32> to vector<128xf32>
    %get3A_121 = arith.constant 0 : index
    %get3A_122 = arith.constant 0 : index
    %get3A_123 = arith.constant 0 : index
    %get3A_124 = vector.load %arg10[%get3A_121, %get3A_122, %get3A_123] : memref<2x128x128xf32, #tpu.memory_space<vmem>>, vector<1x128x128xf32>
    %get3A_125 = vector.shape_cast %get3A_124 : vector<1x128x128xf32> to vector<128x128xf32>
    %get3A_126 = arith.constant 0 : index
    %get3A_127 = arith.constant 0 : index
    %get3A_128 = arith.constant 0 : index
    %get3A_129 = vector.load %arg11[%get3A_126, %get3A_127, %get3A_128] : memref<2x1x128xf32, #tpu.memory_space<vmem>>, vector<1x1x128xf32>
    %get3A_130 = vector.shape_cast %get3A_129 : vector<1x1x128xf32> to vector<1x128xf32>
    %get3A_131 = arith.constant 0 : index
    %get3A_132 = arith.constant 0 : index
    %get3A_133 = arith.constant 0 : index
    %get3A_134 = vector.load %arg12[%get3A_131, %get3A_132, %get3A_133] : memref<2x128x1xf32, #tpu.memory_space<vmem>>, vector<1x128x1xf32>
    %get3A_135 = vector.shape_cast %get3A_134 : vector<1x128x1xf32> to vector<128x1xf32>
    %get3A_136 = arith.constant 0 : index
    %get3A_137 = arith.constant 0 : index
    %get3A_138 = arith.constant 0 : index
    %get3A_139 = vector.load %arg13[%get3A_136, %get3A_137, %get3A_138] : memref<2x128x128xf32, #tpu.memory_space<vmem>>, vector<1x128x128xf32>
    %get3A_140 = vector.shape_cast %get3A_139 : vector<1x128x128xf32> to vector<128x128xf32>
    %get3A_141 = arith.constant 0 : index
    %get3A_142 = arith.constant 0 : index
    %get3A_143 = arith.constant 0 : index
    %get3A_144 = vector.load %arg14[%get3A_141, %get3A_142, %get3A_143] : memref<2x128x128xf32, #tpu.memory_space<vmem>>, vector<1x128x128xf32>
    %get3A_145 = vector.shape_cast %get3A_144 : vector<1x128x128xf32> to vector<128x128xf32>
    %broadcast_in_dim3A_146 = vector.shape_cast %squeeze3A_120 : vector<128xf32> to vector<1x128xf32>
    %broadcast_in_dim3A_147 = vector.shape_cast %broadcast_in_dim3A_146 : vector<1x128xf32> to vector<1x1x128xf32>
    %mul3A_148 = vector.broadcast %broadcast_in_dim3A_147 : vector<1x1x128xf32> to vector<50x12x128xf32>
    %mul3A_149 = arith.mulf %reshape3A, %mul3A_148 : vector<50x12x128xf32>
    %dot_general3A_150 = arith.constant dense<0.000000e+00> : vector<50x12x128xf32>
    %dot_general3A_151 = tpu.matmul %mul3A_149, %get3A_125, %dot_general3A_150 {dimension_numbers = #tpu.dot_dimension_numbers<[2], [0], [0, 1], [1], [0, 0, 0, 1, 1, 1], [], []>, transpose_lhs_hint = false} : vector<50x12x128xf32>, vector<128x128xf32>, vector<50x12x128xf32> -> vector<50x12x128xf32>
    %broadcast_in_dim3A_152 = vector.shape_cast %get3A_119 : vector<50x12xf32> to vector<50x12x1xf32>
    %broadcast_in_dim3A_153 = vector.shape_cast %get3A_130 : vector<1x128xf32> to vector<1x1x128xf32>
    %mul3A_154 = vector.broadcast %broadcast_in_dim3A_152 : vector<50x12x1xf32> to vector<50x12x128xf32>
    %mul3A_155 = vector.broadcast %broadcast_in_dim3A_153 : vector<1x1x128xf32> to vector<50x12x128xf32>
    %mul3A_156 = arith.mulf %mul3A_154, %mul3A_155 : vector<50x12x128xf32>
    %add3A = arith.addf %dot_general3A_151, %mul3A_156 : vector<50x12x128xf32>
    %ge3A_157 = arith.constant 0.000000e+00 : f32
    %ge3A_158 = vector.broadcast %ge3A_157 : f32 to vector<50x12x128xf32>
    %ge3A_159 = arith.cmpf oge, %add3A, %ge3A_158 : vector<50x12x128xf32>
    %mul3A_160 = arith.constant 2.000000e-01 : f32
    %mul3A_161 = vector.broadcast %mul3A_160 : f32 to vector<50x12x128xf32>
    %mul3A_162 = arith.mulf %mul3A_161, %add3A : vector<50x12x128xf32>
    %select_n3A_163 = arith.select %ge3A_159, %add3A, %mul3A_162 : vector<50x12x128xi1>, vector<50x12x128xf32>
    %dot_general3A_164 = arith.constant dense<0.000000e+00> : vector<50x12x1xf32>
    %dot_general3A_165 = tpu.matmul %select_n3A_163, %get3A_135, %dot_general3A_164 {dimension_numbers = #tpu.dot_dimension_numbers<[2], [0], [0, 1], [1], [0, 0, 0, 1, 1, 1], [], []>, transpose_lhs_hint = false} : vector<50x12x128xf32>, vector<128x1xf32>, vector<50x12x1xf32> -> vector<50x12x1xf32>
    %squeeze3A_166 = vector.shape_cast %dot_general3A_165 : vector<50x12x1xf32> to vector<50x12xf32>
    %exp3A_167 = math.exp %squeeze3A_166 : vector<50x12xf32>
    %reduce_sum3A_168 = arith.constant dense<0.000000e+00> : vector<50xf32>
    %reduce_sum3A_169 = vector.multi_reduction <add>, %exp3A_167, %reduce_sum3A_168 [1] : vector<50x12xf32> to vector<50xf32>
    %broadcast_in_dim3A_170 = vector.shape_cast %reduce_sum3A_169 : vector<50xf32> to vector<50x1xf32>
    %broadcast_in_dim3A_171 = vector.shape_cast %exp3A_167 : vector<50x12xf32> to vector<50x12x1xf32>
    %mul3A_172 = vector.broadcast %broadcast_in_dim3A_171 : vector<50x12x1xf32> to vector<50x12x128xf32>
    %mul3A_173 = arith.mulf %mul3A_172, %reshape3A : vector<50x12x128xf32>
    %reduce_sum3A_174 = arith.constant dense<0.000000e+00> : vector<50x128xf32>
    %reduce_sum3A_175 = vector.multi_reduction <add>, %mul3A_173, %reduce_sum3A_174 [1] : vector<50x12x128xf32> to vector<50x128xf32>
    %div3A_176 = vector.broadcast %broadcast_in_dim3A_170 : vector<50x1xf32> to vector<50x128xf32>
    %div3A_177 = arith.divf %reduce_sum3A_175, %div3A_176 : vector<50x128xf32>
    %dot_general3A_178 = arith.constant dense<0.000000e+00> : vector<50x128xf32>
    %dot_general3A_179 = tpu.matmul %slice3A, %get3A_140, %dot_general3A_178 {dimension_numbers = #tpu.dot_dimension_numbers<[1], [0], [0], [1], [0, 0, 1, 1], [], []>, transpose_lhs_hint = false} : vector<50x128xf32>, vector<128x128xf32>, vector<50x128xf32> -> vector<50x128xf32>
    %dot_general3A_180 = arith.constant dense<0.000000e+00> : vector<50x128xf32>
    %dot_general3A_181 = tpu.matmul %div3A_177, %get3A_145, %dot_general3A_180 {dimension_numbers = #tpu.dot_dimension_numbers<[1], [0], [0], [1], [0, 0, 1, 1], [], []>, transpose_lhs_hint = false} : vector<50x128xf32>, vector<128x128xf32>, vector<50x128xf32> -> vector<50x128xf32>
    %add3A_182 = arith.addf %dot_general3A_179, %dot_general3A_181 : vector<50x128xf32>
    %max3A = arith.constant 0.000000e+00 : f32
    %max3A_183 = vector.broadcast %max3A : f32 to vector<50x128xf32>
    %max3A_184 = arith.maximumf %add3A_182, %max3A_183 : vector<50x128xf32>
    %get3A_185 = arith.constant 0 : index
    %get3A_186 = arith.constant 0 : index
    %get3A_187 = arith.constant 0 : index
    %get3A_188 = vector.load %arg7[%get3A_185, %get3A_186, %get3A_187] : memref<1x7200x128xf32, #tpu.memory_space<vmem>>, vector<1x7200x128xf32>
    %get3A_189 = vector.shape_cast %get3A_188 : vector<1x7200x128xf32> to vector<7200x128xf32>
    %get3A_190 = arith.constant 0 : index
    %get3A_191 = arith.constant 0 : index
    %get3A_192 = arith.constant 0 : index
    %get3A_193 = vector.load %arg8[%get3A_190, %get3A_191, %get3A_192] : memref<1x7200x1xf32, #tpu.memory_space<vmem>>, vector<1x7200x1xf32>
    %get3A_194 = vector.shape_cast %get3A_193 : vector<1x7200x1xf32> to vector<7200x1xf32>
    %get3A_195 = arith.constant 0 : index
    %get3A_196 = arith.constant 0 : index
    %get3A_197 = arith.constant 0 : index
    %get3A_198 = vector.load %arg10[%get3A_195, %get3A_196, %get3A_197] : memref<2x128x128xf32, #tpu.memory_space<vmem>>, vector<1x128x128xf32>
    %get3A_199 = vector.shape_cast %get3A_198 : vector<1x128x128xf32> to vector<128x128xf32>
    %get3A_200 = arith.constant 0 : index
    %get3A_201 = arith.constant 0 : index
    %get3A_202 = arith.constant 0 : index
    %get3A_203 = vector.load %arg11[%get3A_200, %get3A_201, %get3A_202] : memref<2x1x128xf32, #tpu.memory_space<vmem>>, vector<1x1x128xf32>
    %get3A_204 = vector.shape_cast %get3A_203 : vector<1x1x128xf32> to vector<1x128xf32>
    %get3A_205 = arith.constant 0 : index
    %get3A_206 = arith.constant 0 : index
    %get3A_207 = arith.constant 0 : index
    %get3A_208 = vector.load %arg12[%get3A_205, %get3A_206, %get3A_207] : memref<2x128x1xf32, #tpu.memory_space<vmem>>, vector<1x128x1xf32>
    %get3A_209 = vector.shape_cast %get3A_208 : vector<1x128x1xf32> to vector<128x1xf32>
    %get3A_210 = arith.constant 0 : index
    %get3A_211 = arith.constant 0 : index
    %get3A_212 = arith.constant 0 : index
    %get3A_213 = vector.load %arg13[%get3A_210, %get3A_211, %get3A_212] : memref<2x128x128xf32, #tpu.memory_space<vmem>>, vector<1x128x128xf32>
    %get3A_214 = vector.shape_cast %get3A_213 : vector<1x128x128xf32> to vector<128x128xf32>
    %get3A_215 = arith.constant 0 : index
    %get3A_216 = arith.constant 0 : index
    %get3A_217 = arith.constant 0 : index
    %get3A_218 = vector.load %arg14[%get3A_215, %get3A_216, %get3A_217] : memref<2x128x128xf32, #tpu.memory_space<vmem>>, vector<1x128x128xf32>
    %get3A_219 = vector.shape_cast %get3A_218 : vector<1x128x128xf32> to vector<128x128xf32>
    %mul3A_220 = vector.broadcast %div3A_22 : vector<1x128xf32> to vector<7200x128xf32>
    %mul3A_221 = arith.mulf %get3A_189, %mul3A_220 : vector<7200x128xf32>
    %dot_general3A_222 = arith.constant dense<0.000000e+00> : vector<7200x128xf32>
    %dot_general3A_223 = tpu.matmul %mul3A_221, %get3A_199, %dot_general3A_222 {dimension_numbers = #tpu.dot_dimension_numbers<[1], [0], [0], [1], [0, 0, 1, 1], [], []>, transpose_lhs_hint = false} : vector<7200x128xf32>, vector<128x128xf32>, vector<7200x128xf32> -> vector<7200x128xf32>
    %dot_general3A_224 = arith.constant dense<0.000000e+00> : vector<7200x128xf32>
    %dot_general3A_225 = tpu.matmul %get3A_194, %get3A_204, %dot_general3A_224 {dimension_numbers = #tpu.dot_dimension_numbers<[1], [0], [0], [1], [0, 0, 1, 1], [], []>, transpose_lhs_hint = false} : vector<7200x1xf32>, vector<1x128xf32>, vector<7200x128xf32> -> vector<7200x128xf32>
    %add3A_226 = arith.addf %dot_general3A_223, %dot_general3A_225 : vector<7200x128xf32>
    %ge3A_227 = arith.constant 0.000000e+00 : f32
    %ge3A_228 = vector.broadcast %ge3A_227 : f32 to vector<7200x128xf32>
    %ge3A_229 = arith.cmpf oge, %add3A_226, %ge3A_228 : vector<7200x128xf32>
    %mul3A_230 = arith.constant 2.000000e-01 : f32
    %mul3A_231 = vector.broadcast %mul3A_230 : f32 to vector<7200x128xf32>
    %mul3A_232 = arith.mulf %mul3A_231, %add3A_226 : vector<7200x128xf32>
    %select_n3A_233 = arith.select %ge3A_229, %add3A_226, %mul3A_232 : vector<7200x128xi1>, vector<7200x128xf32>
    %dot_general3A_234 = arith.constant dense<0.000000e+00> : vector<7200x1xf32>
    %dot_general3A_235 = tpu.matmul %select_n3A_233, %get3A_209, %dot_general3A_234 {dimension_numbers = #tpu.dot_dimension_numbers<[1], [0], [0], [1], [0, 0, 1, 1], [], []>, transpose_lhs_hint = false} : vector<7200x128xf32>, vector<128x1xf32>, vector<7200x1xf32> -> vector<7200x1xf32>
    %exp3A_236 = math.exp %dot_general3A_235 : vector<7200x1xf32>
    %mul3A_237 = vector.broadcast %exp3A_236 : vector<7200x1xf32> to vector<7200x128xf32>
    %mul3A_238 = arith.mulf %mul3A_237, %get3A_189 : vector<7200x128xf32>
    %slice3A_239 = vector.extract_strided_slice %mul3A_238 {offsets = [0, 0], sizes = [600, 128], strides = [1, 1]} : vector<7200x128xf32> to vector<600x128xf32>
    %slice3A_240 = vector.extract_strided_slice %exp3A_236 {offsets = [0, 0], sizes = [600, 1], strides = [1, 1]} : vector<7200x1xf32> to vector<600x1xf32>
    %slice3A_241 = vector.extract_strided_slice %mul3A_238 {offsets = [600, 0], sizes = [600, 128], strides = [1, 1]} : vector<7200x128xf32> to vector<600x128xf32>
    %add3A_242 = arith.addf %slice3A_239, %slice3A_241 : vector<600x128xf32>
    %slice3A_243 = vector.extract_strided_slice %exp3A_236 {offsets = [600, 0], sizes = [600, 1], strides = [1, 1]} : vector<7200x1xf32> to vector<600x1xf32>
    %add3A_244 = arith.addf %slice3A_240, %slice3A_243 : vector<600x1xf32>
    %slice3A_245 = vector.extract_strided_slice %mul3A_238 {offsets = [1200, 0], sizes = [600, 128], strides = [1, 1]} : vector<7200x128xf32> to vector<600x128xf32>
    %add3A_246 = arith.addf %add3A_242, %slice3A_245 : vector<600x128xf32>
    %slice3A_247 = vector.extract_strided_slice %exp3A_236 {offsets = [1200, 0], sizes = [600, 1], strides = [1, 1]} : vector<7200x1xf32> to vector<600x1xf32>
    %add3A_248 = arith.addf %add3A_244, %slice3A_247 : vector<600x1xf32>
    %slice3A_249 = vector.extract_strided_slice %mul3A_238 {offsets = [1800, 0], sizes = [600, 128], strides = [1, 1]} : vector<7200x128xf32> to vector<600x128xf32>
    %add3A_250 = arith.addf %add3A_246, %slice3A_249 : vector<600x128xf32>
    %slice3A_251 = vector.extract_strided_slice %exp3A_236 {offsets = [1800, 0], sizes = [600, 1], strides = [1, 1]} : vector<7200x1xf32> to vector<600x1xf32>
    %add3A_252 = arith.addf %add3A_248, %slice3A_251 : vector<600x1xf32>
    %slice3A_253 = vector.extract_strided_slice %mul3A_238 {offsets = [2400, 0], sizes = [600, 128], strides = [1, 1]} : vector<7200x128xf32> to vector<600x128xf32>
    %add3A_254 = arith.addf %add3A_250, %slice3A_253 : vector<600x128xf32>
    %slice3A_255 = vector.extract_strided_slice %exp3A_236 {offsets = [2400, 0], sizes = [600, 1], strides = [1, 1]} : vector<7200x1xf32> to vector<600x1xf32>
    %add3A_256 = arith.addf %add3A_252, %slice3A_255 : vector<600x1xf32>
    %slice3A_257 = vector.extract_strided_slice %mul3A_238 {offsets = [3000, 0], sizes = [600, 128], strides = [1, 1]} : vector<7200x128xf32> to vector<600x128xf32>
    %add3A_258 = arith.addf %add3A_254, %slice3A_257 : vector<600x128xf32>
    %slice3A_259 = vector.extract_strided_slice %exp3A_236 {offsets = [3000, 0], sizes = [600, 1], strides = [1, 1]} : vector<7200x1xf32> to vector<600x1xf32>
    %add3A_260 = arith.addf %add3A_256, %slice3A_259 : vector<600x1xf32>
    %slice3A_261 = vector.extract_strided_slice %mul3A_238 {offsets = [3600, 0], sizes = [600, 128], strides = [1, 1]} : vector<7200x128xf32> to vector<600x128xf32>
    %add3A_262 = arith.addf %add3A_258, %slice3A_261 : vector<600x128xf32>
    %slice3A_263 = vector.extract_strided_slice %exp3A_236 {offsets = [3600, 0], sizes = [600, 1], strides = [1, 1]} : vector<7200x1xf32> to vector<600x1xf32>
    %add3A_264 = arith.addf %add3A_260, %slice3A_263 : vector<600x1xf32>
    %slice3A_265 = vector.extract_strided_slice %mul3A_238 {offsets = [4200, 0], sizes = [600, 128], strides = [1, 1]} : vector<7200x128xf32> to vector<600x128xf32>
    %add3A_266 = arith.addf %add3A_262, %slice3A_265 : vector<600x128xf32>
    %slice3A_267 = vector.extract_strided_slice %exp3A_236 {offsets = [4200, 0], sizes = [600, 1], strides = [1, 1]} : vector<7200x1xf32> to vector<600x1xf32>
    %add3A_268 = arith.addf %add3A_264, %slice3A_267 : vector<600x1xf32>
    %slice3A_269 = vector.extract_strided_slice %mul3A_238 {offsets = [4800, 0], sizes = [600, 128], strides = [1, 1]} : vector<7200x128xf32> to vector<600x128xf32>
    %add3A_270 = arith.addf %add3A_266, %slice3A_269 : vector<600x128xf32>
    %slice3A_271 = vector.extract_strided_slice %exp3A_236 {offsets = [4800, 0], sizes = [600, 1], strides = [1, 1]} : vector<7200x1xf32> to vector<600x1xf32>
    %add3A_272 = arith.addf %add3A_268, %slice3A_271 : vector<600x1xf32>
    %slice3A_273 = vector.extract_strided_slice %mul3A_238 {offsets = [5400, 0], sizes = [600, 128], strides = [1, 1]} : vector<7200x128xf32> to vector<600x128xf32>
    %add3A_274 = arith.addf %add3A_270, %slice3A_273 : vector<600x128xf32>
    %slice3A_275 = vector.extract_strided_slice %exp3A_236 {offsets = [5400, 0], sizes = [600, 1], strides = [1, 1]} : vector<7200x1xf32> to vector<600x1xf32>
    %add3A_276 = arith.addf %add3A_272, %slice3A_275 : vector<600x1xf32>
    %slice3A_277 = vector.extract_strided_slice %mul3A_238 {offsets = [6000, 0], sizes = [600, 128], strides = [1, 1]} : vector<7200x128xf32> to vector<600x128xf32>
    %add3A_278 = arith.addf %add3A_274, %slice3A_277 : vector<600x128xf32>
    %slice3A_279 = vector.extract_strided_slice %exp3A_236 {offsets = [6000, 0], sizes = [600, 1], strides = [1, 1]} : vector<7200x1xf32> to vector<600x1xf32>
    %add3A_280 = arith.addf %add3A_276, %slice3A_279 : vector<600x1xf32>
    %slice3A_281 = vector.extract_strided_slice %mul3A_238 {offsets = [6600, 0], sizes = [600, 128], strides = [1, 1]} : vector<7200x128xf32> to vector<600x128xf32>
    %add3A_282 = arith.addf %add3A_278, %slice3A_281 : vector<600x128xf32>
    %slice3A_283 = vector.extract_strided_slice %exp3A_236 {offsets = [6600, 0], sizes = [600, 1], strides = [1, 1]} : vector<7200x1xf32> to vector<600x1xf32>
    %add3A_284 = arith.addf %add3A_280, %slice3A_283 : vector<600x1xf32>
    %div3A_285 = vector.broadcast %add3A_284 : vector<600x1xf32> to vector<600x128xf32>
    %div3A_286 = arith.divf %add3A_282, %div3A_285 : vector<600x128xf32>
    %dot_general3A_287 = arith.constant dense<0.000000e+00> : vector<600x128xf32>
    %dot_general3A_288 = tpu.matmul %get3A_114, %get3A_214, %dot_general3A_287 {dimension_numbers = #tpu.dot_dimension_numbers<[1], [0], [0], [1], [0, 0, 1, 1], [], []>, transpose_lhs_hint = false} : vector<600x128xf32>, vector<128x128xf32>, vector<600x128xf32> -> vector<600x128xf32>
    %dot_general3A_289 = arith.constant dense<0.000000e+00> : vector<600x128xf32>
    %dot_general3A_290 = tpu.matmul %div3A_286, %get3A_219, %dot_general3A_289 {dimension_numbers = #tpu.dot_dimension_numbers<[1], [0], [0], [1], [0, 0, 1, 1], [], []>, transpose_lhs_hint = false} : vector<600x128xf32>, vector<128x128xf32>, vector<600x128xf32> -> vector<600x128xf32>
    %add3A_291 = arith.addf %dot_general3A_288, %dot_general3A_290 : vector<600x128xf32>
    %max3A_292 = arith.constant 0.000000e+00 : f32
    %max3A_293 = vector.broadcast %max3A_292 : f32 to vector<600x128xf32>
    %max3A_294 = arith.maximumf %add3A_291, %max3A_293 : vector<600x128xf32>
    %reshape3A_295 = vector.shape_cast %max3A_294 : vector<600x128xf32> to vector<50x12x128xf32>
    %squeeze3A_296 = vector.shape_cast %div3A_22 : vector<1x128xf32> to vector<128xf32>
    %get3A_297 = arith.constant 1 : index
    %get3A_298 = arith.constant 0 : index
    %get3A_299 = arith.constant 0 : index
    %get3A_300 = vector.load %arg10[%get3A_297, %get3A_298, %get3A_299] : memref<2x128x128xf32, #tpu.memory_space<vmem>>, vector<1x128x128xf32>
    %get3A_301 = vector.shape_cast %get3A_300 : vector<1x128x128xf32> to vector<128x128xf32>
    %get3A_302 = arith.constant 1 : index
    %get3A_303 = arith.constant 0 : index
    %get3A_304 = arith.constant 0 : index
    %get3A_305 = vector.load %arg11[%get3A_302, %get3A_303, %get3A_304] : memref<2x1x128xf32, #tpu.memory_space<vmem>>, vector<1x1x128xf32>
    %get3A_306 = vector.shape_cast %get3A_305 : vector<1x1x128xf32> to vector<1x128xf32>
    %get3A_307 = arith.constant 1 : index
    %get3A_308 = arith.constant 0 : index
    %get3A_309 = arith.constant 0 : index
    %get3A_310 = vector.load %arg12[%get3A_307, %get3A_308, %get3A_309] : memref<2x128x1xf32, #tpu.memory_space<vmem>>, vector<1x128x1xf32>
    %get3A_311 = vector.shape_cast %get3A_310 : vector<1x128x1xf32> to vector<128x1xf32>
    %get3A_312 = arith.constant 1 : index
    %get3A_313 = arith.constant 0 : index
    %get3A_314 = arith.constant 0 : index
    %get3A_315 = vector.load %arg13[%get3A_312, %get3A_313, %get3A_314] : memref<2x128x128xf32, #tpu.memory_space<vmem>>, vector<1x128x128xf32>
    %get3A_316 = vector.shape_cast %get3A_315 : vector<1x128x128xf32> to vector<128x128xf32>
    %get3A_317 = arith.constant 1 : index
    %get3A_318 = arith.constant 0 : index
    %get3A_319 = arith.constant 0 : index
    %get3A_320 = vector.load %arg14[%get3A_317, %get3A_318, %get3A_319] : memref<2x128x128xf32, #tpu.memory_space<vmem>>, vector<1x128x128xf32>
    %get3A_321 = vector.shape_cast %get3A_320 : vector<1x128x128xf32> to vector<128x128xf32>
    %broadcast_in_dim3A_322 = vector.shape_cast %squeeze3A_296 : vector<128xf32> to vector<1x128xf32>
    %broadcast_in_dim3A_323 = vector.shape_cast %broadcast_in_dim3A_322 : vector<1x128xf32> to vector<1x1x128xf32>
    %mul3A_324 = vector.broadcast %broadcast_in_dim3A_323 : vector<1x1x128xf32> to vector<50x12x128xf32>
    %mul3A_325 = arith.mulf %reshape3A_295, %mul3A_324 : vector<50x12x128xf32>
    %dot_general3A_326 = arith.constant dense<0.000000e+00> : vector<50x12x128xf32>
    %dot_general3A_327 = tpu.matmul %mul3A_325, %get3A_301, %dot_general3A_326 {dimension_numbers = #tpu.dot_dimension_numbers<[2], [0], [0, 1], [1], [0, 0, 0, 1, 1, 1], [], []>, transpose_lhs_hint = false} : vector<50x12x128xf32>, vector<128x128xf32>, vector<50x12x128xf32> -> vector<50x12x128xf32>
    %broadcast_in_dim3A_328 = vector.shape_cast %get3A_119 : vector<50x12xf32> to vector<50x12x1xf32>
    %broadcast_in_dim3A_329 = vector.shape_cast %get3A_306 : vector<1x128xf32> to vector<1x1x128xf32>
    %mul3A_330 = vector.broadcast %broadcast_in_dim3A_328 : vector<50x12x1xf32> to vector<50x12x128xf32>
    %mul3A_331 = vector.broadcast %broadcast_in_dim3A_329 : vector<1x1x128xf32> to vector<50x12x128xf32>
    %mul3A_332 = arith.mulf %mul3A_330, %mul3A_331 : vector<50x12x128xf32>
    %add3A_333 = arith.addf %dot_general3A_327, %mul3A_332 : vector<50x12x128xf32>
    %ge3A_334 = arith.constant 0.000000e+00 : f32
    %ge3A_335 = vector.broadcast %ge3A_334 : f32 to vector<50x12x128xf32>
    %ge3A_336 = arith.cmpf oge, %add3A_333, %ge3A_335 : vector<50x12x128xf32>
    %mul3A_337 = arith.constant 2.000000e-01 : f32
    %mul3A_338 = vector.broadcast %mul3A_337 : f32 to vector<50x12x128xf32>
    %mul3A_339 = arith.mulf %mul3A_338, %add3A_333 : vector<50x12x128xf32>
    %select_n3A_340 = arith.select %ge3A_336, %add3A_333, %mul3A_339 : vector<50x12x128xi1>, vector<50x12x128xf32>
    %dot_general3A_341 = arith.constant dense<0.000000e+00> : vector<50x12x1xf32>
    %dot_general3A_342 = tpu.matmul %select_n3A_340, %get3A_311, %dot_general3A_341 {dimension_numbers = #tpu.dot_dimension_numbers<[2], [0], [0, 1], [1], [0, 0, 0, 1, 1, 1], [], []>, transpose_lhs_hint = false} : vector<50x12x128xf32>, vector<128x1xf32>, vector<50x12x1xf32> -> vector<50x12x1xf32>
    %squeeze3A_343 = vector.shape_cast %dot_general3A_342 : vector<50x12x1xf32> to vector<50x12xf32>
    %exp3A_344 = math.exp %squeeze3A_343 : vector<50x12xf32>
    %reduce_sum3A_345 = arith.constant dense<0.000000e+00> : vector<50xf32>
    %reduce_sum3A_346 = vector.multi_reduction <add>, %exp3A_344, %reduce_sum3A_345 [1] : vector<50x12xf32> to vector<50xf32>
    %broadcast_in_dim3A_347 = vector.shape_cast %reduce_sum3A_346 : vector<50xf32> to vector<50x1xf32>
    %broadcast_in_dim3A_348 = vector.shape_cast %exp3A_344 : vector<50x12xf32> to vector<50x12x1xf32>
    %mul3A_349 = vector.broadcast %broadcast_in_dim3A_348 : vector<50x12x1xf32> to vector<50x12x128xf32>
    %mul3A_350 = arith.mulf %mul3A_349, %reshape3A_295 : vector<50x12x128xf32>
    %reduce_sum3A_351 = arith.constant dense<0.000000e+00> : vector<50x128xf32>
    %reduce_sum3A_352 = vector.multi_reduction <add>, %mul3A_350, %reduce_sum3A_351 [1] : vector<50x12x128xf32> to vector<50x128xf32>
    %div3A_353 = vector.broadcast %broadcast_in_dim3A_347 : vector<50x1xf32> to vector<50x128xf32>
    %div3A_354 = arith.divf %reduce_sum3A_352, %div3A_353 : vector<50x128xf32>
    %dot_general3A_355 = arith.constant dense<0.000000e+00> : vector<50x128xf32>
    %dot_general3A_356 = tpu.matmul %max3A_184, %get3A_316, %dot_general3A_355 {dimension_numbers = #tpu.dot_dimension_numbers<[1], [0], [0], [1], [0, 0, 1, 1], [], []>, transpose_lhs_hint = false} : vector<50x128xf32>, vector<128x128xf32>, vector<50x128xf32> -> vector<50x128xf32>
    %dot_general3A_357 = arith.constant dense<0.000000e+00> : vector<50x128xf32>
    %dot_general3A_358 = tpu.matmul %div3A_354, %get3A_321, %dot_general3A_357 {dimension_numbers = #tpu.dot_dimension_numbers<[1], [0], [0], [1], [0, 0, 1, 1], [], []>, transpose_lhs_hint = false} : vector<50x128xf32>, vector<128x128xf32>, vector<50x128xf32> -> vector<50x128xf32>
    %add3A_359 = arith.addf %dot_general3A_356, %dot_general3A_358 : vector<50x128xf32>
    %max3A_360 = arith.constant 0.000000e+00 : f32
    %max3A_361 = vector.broadcast %max3A_360 : f32 to vector<50x128xf32>
    %max3A_362 = arith.maximumf %add3A_359, %max3A_361 : vector<50x128xf32>
    %add3A_363 = arith.addf %dot_general3A_109, %max3A_362 : vector<50x128xf32>
    %swap3A = arith.constant 0 : index
    %swap3A_364 = arith.constant 0 : index
    %swap3A_365 = arith.constant 0 : index
    %swap3A_366 = vector.load %arg15[%swap3A, %swap3A_364, %swap3A_365] : memref<1x50x128xf32, #tpu.memory_space<vmem>>, vector<1x50x128xf32>
    %swap3A_367 = vector.shape_cast %swap3A_366 : vector<1x50x128xf32> to vector<50x128xf32>
    %swap3A_368 = vector.shape_cast %add3A_363 : vector<50x128xf32> to vector<1x50x128xf32>
    tpu.vector_store %arg15[%swap3A, %swap3A_364, %swap3A_365], %swap3A_368 {strides = array<i32>} : memref<1x50x128xf32, #tpu.memory_space<vmem>>, vector<1x50x128xf32>,
    return
  }
  func.func @transform_0(%arg0: i32) -> (i32, i32, i32) {
    %c0_i32 = arith.constant 0 : i32
    %c0_i32_0 = arith.constant 0 : i32
    %c0_i32_1 = arith.constant 0 : i32
    return %arg0, %c0_i32, %c0_i32_0 : i32, i32, i32
  }
  func.func @transform_1(%arg0: i32) -> (i32, i32, i32) {
    %c0_i32 = arith.constant 0 : i32
    %c0_i32_0 = arith.constant 0 : i32
    %c0_i32_1 = arith.constant 0 : i32
    return %arg0, %c0_i32, %c0_i32_0 : i32, i32, i32
  }
  func.func @transform_2(%arg0: i32) -> (i32, i32, i32) {
    %c0_i32 = arith.constant 0 : i32
    %c0_i32_0 = arith.constant 0 : i32
    %c0_i32_1 = arith.constant 0 : i32
    return %arg0, %c0_i32, %c0_i32_0 : i32, i32, i32
  }
  func.func @transform_3(%arg0: i32) -> (i32, i32, i32) {
    %c0_i32 = arith.constant 0 : i32
    %c0_i32_0 = arith.constant 0 : i32
    %c0_i32_1 = arith.constant 0 : i32
    return %arg0, %c0_i32, %c0_i32_0 : i32, i32, i32
  }
  func.func @transform_4(%arg0: i32) -> (i32, i32, i32) {
    %c0_i32 = arith.constant 0 : i32
    %c0_i32_0 = arith.constant 0 : i32
    %c0_i32_1 = arith.constant 0 : i32
    return %arg0, %c0_i32, %c0_i32_0 : i32, i32, i32
  }
  func.func @transform_5(%arg0: i32) -> (i32, i32, i32) {
    %c0_i32 = arith.constant 0 : i32
    %c0_i32_0 = arith.constant 0 : i32
    %c0_i32_1 = arith.constant 0 : i32
    return %arg0, %c0_i32, %c0_i32_0 : i32, i32, i32
  }
  func.func @transform_6(%arg0: i32) -> (i32, i32, i32) {
    %c0_i32 = arith.constant 0 : i32
    %c0_i32_0 = arith.constant 0 : i32
    %c0_i32_1 = arith.constant 0 : i32
    return %arg0, %c0_i32, %c0_i32_0 : i32, i32, i32
  }
  func.func @transform_7(%arg0: i32) -> (i32, i32, i32) {
    %c0_i32 = arith.constant 0 : i32
    %c0_i32_0 = arith.constant 0 : i32
    %c0_i32_1 = arith.constant 0 : i32
    return %arg0, %c0_i32, %c0_i32_0 : i32, i32, i32
  }
  func.func @transform_8(%arg0: i32) -> (i32, i32) {
    %c0_i32 = arith.constant 0 : i32
    %c0_i32_0 = arith.constant 0 : i32
    %c0_i32_1 = arith.constant 0 : i32
    return %c0_i32, %c0_i32_0 : i32, i32
  }
  func.func @transform_9(%arg0: i32) -> (i32, i32, i32) {
    %c0_i32 = arith.constant 0 : i32
    %c0_i32_0 = arith.constant 0 : i32
    %c0_i32_1 = arith.constant 0 : i32
    %c0_i32_2 = arith.constant 0 : i32
    return %c0_i32, %c0_i32_0, %c0_i32_1 : i32, i32, i32
  }
  func.func @transform_10(%arg0: i32) -> (i32, i32, i32) {
    %c0_i32 = arith.constant 0 : i32
    %c0_i32_0 = arith.constant 0 : i32
    %c0_i32_1 = arith.constant 0 : i32
    %c0_i32_2 = arith.constant 0 : i32
    return %c0_i32, %c0_i32_0, %c0_i32_1 : i32, i32, i32
  }
  func.func @transform_11(%arg0: i32) -> (i32, i32, i32) {
    %c0_i32 = arith.constant 0 : i32
    %c0_i32_0 = arith.constant 0 : i32
    %c0_i32_1 = arith.constant 0 : i32
    %c0_i32_2 = arith.constant 0 : i32
    return %c0_i32, %c0_i32_0, %c0_i32_1 : i32, i32, i32
  }
  func.func @transform_12(%arg0: i32) -> (i32, i32, i32) {
    %c0_i32 = arith.constant 0 : i32
    %c0_i32_0 = arith.constant 0 : i32
    %c0_i32_1 = arith.constant 0 : i32
    %c0_i32_2 = arith.constant 0 : i32
    return %c0_i32, %c0_i32_0, %c0_i32_1 : i32, i32, i32
  }
  func.func @transform_13(%arg0: i32) -> (i32, i32, i32) {
    %c0_i32 = arith.constant 0 : i32
    %c0_i32_0 = arith.constant 0 : i32
    %c0_i32_1 = arith.constant 0 : i32
    %c0_i32_2 = arith.constant 0 : i32
    return %c0_i32, %c0_i32_0, %c0_i32_1 : i32, i32, i32
  }
  func.func @transform_14(%arg0: i32) -> (i32, i32, i32) {
    %c0_i32 = arith.constant 0 : i32
    %c0_i32_0 = arith.constant 0 : i32
    %c0_i32_1 = arith.constant 0 : i32
    return %arg0, %c0_i32, %c0_i32_0 : i32, i32, i32
  }
}

</mosaic_0001>

<sc_bundles>
// kernel: kernel.10.cloned.1.call-start
scs
__scs_entry_jumppad:
0x0: {  	(pc) =	sbr.rel $0x88, $3  }
0x1: {  	(tag) =	ssettag $0x0;
	lr =	simm.s32 $0x1  }
0x2: {  	[smem:$0x3F93] =	sst lr;
	_ =	strace $0xD0000000  }
0x3: {  	_ = 	snop  }
0x4: {  	_ = 	snop  }
0x5: {  	_ = 	snop  }
0x6: {  	_ = 	snop  }
0x7: {  	_ = 	snop  }
__scs_overlays_trampoline_lowered:
0x8: {  	[smem:$0x3FA2] =	sst s0  }
0x9: {  	[smem:$0x3FA3] =	sst s1  }
0xa: {  	[smem:$0x3FA4] =	sst s2  }
0xb: {  	[smem:$0x3FA5] =	sst s3  }
0xc: {  	[smem:$0x3FA6] =	sst s4  }
0xd: {  	[smem:$0x3FA7] =	sst s5  }
0xe: {  	[smem:$0x3FA8] =	sst s6  }
0xf: {  	[smem:$0x3FA9] =	sst s7  }
0x10: {  	[smem:$0x3FAA] =	sst s8  }
0x11: {  	[smem:$0x3FAB] =	sst s9;
	s0 =	simm.s32 @!p0 $0x0  }
0x12: {  	s1 =	sld [smem:$0x3F91];
	s0 =	simm.s32 @p0 $0x1  }
0x13: {  	[smem:$0x3FAC] =	sst s0;
	s0 =	simm.s32 @!p1 $0x0  }
0x14: {  	s2 =	sld [smem:$0x3F90];
	s0 =	simm.s32 @p1 $0x1  }
0x15: {  	[smem:$0x3FAD] =	sst s0;
	s0 =	simm.s32 @!p2 $0x0  }
0x16: {  	s3 =	sld [smem:$0x3FDB];
	s0 =	simm.s32 @p2 $0x1  }
0x17: {  	s4 =	simm.s32 $0x1BF5;
	[smem:$0x3FAF] =	sst s0  }
0x18: {  	s0 =	sld [smem:$0x3F92];
	_ =	swait.ge [sflag:s4], $0x0  }
0x19: {  	s7 =	sld [smem:$0x3F93]  }
0x1a: {  	s8 =	sadd.s32 $0xFFFFE003, lr  }
0x1b: {  	s9 =	sadd.s32 $0xFFFFFEF7, lr;
	s5 =	simm.s32 $0xFFFFFFFF;
	p2 =	slt.u32 s8, $0xFFFFF086  }
0x1c: {  	p1 =	slt.u32 s9, $0xF7A;
	s5 =	simm.s32 @!p2 $0x0  }
0x1d: {  	s5 =	simm.s32 @p1 $0x1;
	p0 =	seq.s32 s7, s2  }
0x1e: {  	s7 =	smul.u32 @!p0 $0xF7A, s2;
	p2 =	seq.s32 @!p0 s5, $0x0  }
0x1f: {  	s9 =	smul.u32 $0xF7A, s1;
	s8 =	simm.s32 @!p0 $0x1BF5;
	p2 =	por !p2, p0  }
0x20: {  	[sflag:s8] =	ssyncset.s32 @!p0 $0xFFFFF086;
	s6 =	sadd.s32 @!p0 s3, s7;
	s7 =	simm.s32 @!p0 $0x108  }
0x21: {  	s3 =	sadd.s32 s3, s9;
	s6 =	sadd.s32 @!p0 $0x88, s6;
	s7 =	simm.s32 @p2 $0x1082  }
0x22: {  	[simem:s7], [sflag:s8] =	dma.local @!p0 [hbm:s6], $0xF7A  }
0x23: {  	s9 =	sor.u32 $0xD0000000, s2;
	s6 =	simm.s32 $0x108;
	_ =	swait.ge @!p0 [sflag:s8], $0x0  }
0x24: {  	s3 =	sadd.s32 $0x88, s3;
	s6 =	simm.s32 @!p1 $0x1082;
	[sflag:s4] =	ssyncset.s32 $0xFFFFF086  }
0x25: {  	[simem:s6], [sflag:s4] =	dma.local [hbm:s3], $0xF7A  }
0x26: {  	[smem:$0x3F93] =	sst s1;
	(tag) =	ssettag s2;
	_ =	strace s9  }
0x27: {  	s1 =	sld [smem:$0x3FA3]  }
0x28: {  	s2 =	sld [smem:$0x3FA4]  }
0x29: {  	s4 =	sld [smem:$0x3FA6]  }
0x2a: {  	p0 =	seq.s32 s5, $0x0;
	s5 =	sld [smem:$0x3FA7]  }
0x2b: {  	s6 =	sld [smem:$0x3FA8]  }
0x2c: {  	s7 =	sld [smem:$0x3FA9]  }
0x2d: {  	s3 =	simm.s32 $0x108;
	s8 =	sld [smem:$0x3FAA]  }
0x2e: {  	s3 =	simm.s32 @!p0 $0x1082;
	s9 =	sld [smem:$0x3FAB]  }
0x2f: {  	lr =	sadd.s32 s0, s3;
	s0 =	sld [smem:$0x3FA2]  }
0x30: {  	s3 =	sld [smem:$0x3FA5]  }
0x31: {  	[smem:$0x3FAE] =	sst s10  }
0x32: {  	s10 =	sld [smem:$0x3FAC];
	_ =	sdelay $0x3  }
0x33: {  	p0 =	seq.s32 s10, $0x1;
	s10 =	sld [smem:$0x3FAE];
	_ =	sdelay $0x3  }
0x34: {  	[smem:$0x3FAE] =	sst s10  }
0x35: {  	s10 =	sld [smem:$0x3FAD];
	_ =	sdelay $0x3  }
0x36: {  	p1 =	seq.s32 s10, $0x1;
	s10 =	sld [smem:$0x3FAE];
	_ =	sdelay $0x3  }
0x37: {  	[smem:$0x3FAE] =	sst s10  }
0x38: {  	s10 =	sld [smem:$0x3FAF]  }
0x39: {  	_ = 	snop;
	(pc) =	sbr.ind lr, $3  }
0x3a: {  	_ = 	snop  }
0x3b: {  	_ = 	snop  }
0x3c: {  	p2 =	seq.s32 s10, $0x1;
	s10 =	sld [smem:$0x3FAE]  }
0x3d: {  	_ =	shalt  }
0x3e: {  	_ =	shalt  }
0x3f: {  	_ =	shalt  }
0x40: {  	_ =	shalt  }
0x41: {  	_ =	shalt  }
0x42: {  	_ =	shalt  }
0x43: {  	_ =	shalt  }
0x44: {  	_ =	shalt  }
0x45: {  	_ =	shalt  }
0x46: {  	_ =	shalt  }
0x47: {  	_ =	shalt  }
0x48: {  	_ =	shalt  }
0x49: {  	_ =	shalt  }
0x4a: {  	_ =	shalt  }
0x4b: {  	_ =	shalt  }
0x4c: {  	_ =	shalt  }
0x4d: {  	_ =	shalt  }
0x4e: {  	_ =	shalt  }
0x4f: {  	_ =	shalt  }
0x50: {  	_ =	shalt  }
0x51: {  	_ =	shalt  }
0x52: {  	_ =	shalt  }
0x53: {  	_ =	shalt  }
0x54: {  	_ =	shalt  }
0x55: {  	_ =	shalt  }
0x56: {  	_ =	shalt  }
0x57: {  	_ =	shalt  }
0x58: {  	_ =	shalt  }
0x59: {  	_ =	shalt  }
0x5a: {  	_ =	shalt  }
0x5b: {  	_ =	shalt  }
0x5c: {  	_ =	shalt  }
0x5d: {  	_ =	shalt  }
0x5e: {  	_ =	shalt  }
0x5f: {  	_ =	shalt  }
0x60: {  	_ =	shalt  }
0x61: {  	_ =	shalt  }
0x62: {  	_ =	shalt  }
0x63: {  	_ =	shalt  }
0x64: {  	_ =	shalt  }
0x65: {  	_ =	shalt  }
0x66: {  	_ =	shalt  }
0x67: {  	_ =	shalt  }
0x68: {  	_ =	shalt  }
0x69: {  	_ =	shalt  }
0x6a: {  	_ =	shalt  }
0x6b: {  	_ =	shalt  }
0x6c: {  	_ =	shalt  }
0x6d: {  	_ =	shalt  }
0x6e: {  	_ =	shalt  }
0x6f: {  	_ =	shalt  }
0x70: {  	_ =	shalt  }
0x71: {  	_ =	shalt  }
0x72: {  	_ =	shalt  }
0x73: {  	_ =	shalt  }
0x74: {  	_ =	shalt  }
0x75: {  	_ =	shalt  }
0x76: {  	_ =	shalt  }
0x77: {  	_ =	shalt  }
0x78: {  	_ =	shalt  }
0x79: {  	_ =	shalt  }
0x7a: {  	_ =	shalt  }
0x7b: {  	_ =	shalt  }
0x7c: {  	_ =	shalt  }
0x7d: {  	_ =	shalt  }
0x7e: {  	_ =	shalt  }
0x7f: {  	_ =	shalt  }
0x80: {  	_ =	shalt  }
0x81: {  	_ =	shalt  }
0x82: {  	_ =	shalt  }
0x83: {  	_ =	shalt  }
0x84: {  	_ =	shalt  }
0x85: {  	_ =	shalt  }
0x86: {  	_ =	shalt  }
0x87: {  	_ =	shalt  }
.Lfunc_end0:
.L_simem_size_0:
called_computation.1_lowered:
.L_overlay_start_0:
0x88: {  	s2 =	sld [smem:$0x3FD9]  }
0x89: {  	s3 =	sld [smem:$0x3FFE];
	_ =	sdelay $0x1  }
0x8a: {  	s1 =	srdreg.scid  }
0x8b: {  	s0 =	sand.u32 $0x1, s1  }
0x8c: {  	s17 =	sshll.u32 s0, $0xA;
	s2 =	sadd.s32 s3, s2  }
0x8d: {  	s2 =	sadd.s32 s2, s17  }
0x8e: {  	[smem:$0x3FBA] =	sst s2  }
0x8f: {  	_ = 	snop  }
0x90: {  	s2 =	sld [smem:$0x3FD0];
	(tm) =	ssettm $0x1  }
0x91: {  	s18 =	sld [smem:$0x3FFB];
	_ =	sdelay $0x3  }
0x92: {  	_ =	strace s18  }
0x93: {  	s3 =	sld [smem:$0x3FFC];
	_ =	sdelay $0x3  }
0x94: {  	_ =	strace s3  }
0x95: {  	s3 =	sld [smem:$0x3FFD];
	_ =	sdelay $0x3  }
0x96: {  	_ =	strace s3  }
0x97: {  	_ =	strace $0x8FFFFFFF  }
0x98: {  	s19 =	sld [smem:$0x3FDB];
	_ =	sdelay $0x1  }
0x99: {  	s4 =	simm.s32 $_scs_section_size  }
0x9a: {  	s5 =	simm.s32 $_size__tile_overlayer_lowered;
	s6 =	simm.s32 $_tile_overlayer_lowered  }
0x9b: {  	s22 =	simm.s32 $0x1BFF;
	s21 =	sshll.u32 s6, $0x1;
	s3 =	sadd.s32 s4, s19  }
0x9c: {  	s7 =	simm.s32 $0x0;
	s20 =	sshll.u32 s5, $0x1;
	s5 =	sadd.s32 s21, s3  }
0x9d: {  	[timem:s7], [sflag:s22] =	dma.local [hbm:s5], s20  }
0x9e: {  	_ =	swait.ge [sflag:s22], s20  }
0x9f: {  	s4 =	ssub.s32 $0x0, s20;
	[sflag:s22] =	ssyncset.done $0x0  }
0xa0: {  	[sflag:s22] =	ssyncadd.s32 s4;
	_ =	sdelay $0x1  }
0xa1: {  	s23 =	simm.s32 $0x1B8B  }
0xa2: {  	_ =	swait.ge [sflag:s23], $0x1  }
0xa3: {  	[sflag:s23] =	ssyncset.done $0x0  }
0xa4: {  	s25 =	simm.s32 $0x1B8E;
	s24 =	sld [smem:$0x3FFE];
	[sflag:s23] =	ssyncadd.s32 $0xFFFFFFFF  }
0xa5: {  	s26 =	simm.s32 $execute0_lowered;
	[smem:$0x3FD2] =	sst s25  }
0xa6: {  	s5 =	sshll.u32 s26, $0x1;
	_ =	strace $0x80000049;
	[dreg:$0x1] =	wrdreg $0xFFFFFFFF  }
0xa7: {  	s28 =	simm.s32 $_size_execute0_lowered;
	s3 =	sadd.s32 s3, s5;
	[dreg:$0x0] =	wrdreg $0x0  }
0xa8: {  	s5 =	sshll.u32 s28, $0x1;
	[dreg:$0x2] =	wrdreg s3  }
0xa9: {  	[dreg:$0x3] =	wrdreg s5  }
0xaa: {  	[dreg:$0x4] =	wrdreg $0xC0  }
0xab: {  	_ =	task [dreg:s7], $0x5FFFF  }
0xac: {  	[dreg:$0x1] =	wrdreg $0xFFFFFFFF  }
0xad: {  	[dreg:$0x0] =	wrdreg $0x60  }
0xae: {  	[dreg:$0x2] =	wrdreg s2  }
0xaf: {  	[dreg:$0x3] =	wrdreg s24  }
0xb0: {  	[dreg:$0x4] =	wrdreg $0xA  }
0xb1: {  	_ =	task.clear_ibuf [dreg:s7], $0x5FFFF;
	_ =	strace $0x90000049  }
0xb2: {  	s29 =	simm.s32 $0xA;
	_ =	strace $0x8000004B  }
0xb3: {  	_ =	swait.ge [sflag:s29], $0x1  }
0xb4: {  	[sflag:s29] =	ssyncadd.s32 $0xFFFFFFFF  }
0xb5: {  	_ =	strace $0x9000004B  }
0xb6: {  	_ =	sfence  }
0xb7: {  	s30 =	sld [smem:$0x0];
	_ =	sdelay $0x2  }
0xb8: {  	s31 =	sshll.u32 s1, $0xD;
	s1 =	sshrl.u32 s1, $0x2  }
0xb9: {  	s3 =	sand.u32 $0x4000, s31;
	s1 =	sadd.s32 s1, s30  }
0xba: {  	s0 =	sor.u32 s3, s0;
	s1 =	sshll.u32 s1, $0x11  }
0xbb: {  	s0 =	sor.u32 s1, s0  }
0xbc: {  	s0 =	sadd.s32 $0x8F2B, s0  }
0xbd: {  	[sflag:s0] =	ssyncadd.remote.s32 $0x1  }
0xbe: {  	_ =	sfence.sel $0xFFFF  }
0xbf: {  	[dreg:$0x0] =	wrdreg $0xFFFFFFFF;
	(pc) =	sbr.abs _section_cstart, $3  }
0xc0: {  	[dreg:$0x1] =	wrdreg $0xFFFFFFFF  }
0xc1: {  	_ =	task.clear_ibuf [dreg:s7], $0x2FFFF;
	_ =	strace $0x9FFFFFFF  }
0xc2: {  	(tm) =	ssettm $0x7FFFFFFF  }
0xc3: {  	_ =	shalt  }
tec
execute0_lowered:
.L_overlay_start_1:
0x0: {  	(tag) =	ssettag $0x1  }
0x1: {  	s1 =	srdreg.scid;
	s0 =	stileid.u32  }
0x2: {  	s16 =	sand.u32 $0x1, s1;
	s29 =	sshll.u32 s0, $0x1  }
0x3: {  	s13 =	rddreg [dreg:$0x0];
	s6 =	sor.u32 s16, s29  }
0x4: {  	s8 =	rddreg [dreg:$0x1];
	s14 =	smul.u32 $0x258, s6  }
0x5: {  	s2 =	simm.s32 $0x0;
	s1 =	rddreg [dreg:$0x2]  }
0x6: {  	[smem:$0x7FF] =	sst s2;
	s3 =	sshrl.u32 s14, $0x3  }
0x7: {  	_ =	strace $0x8000004A;
	s4 =	sadd.s32 s13, s3;
	s3 =	simm.s32 $0x2  }
0x8: {  	[tilespmem:s2], [sflag:$0x2] =	stream.linear.gather [hbm4b:s4+s2], $0x78, $0x38;
	[tilespmem:$0xF78] =	vst v63  }
0x9: {  	_ =	swait.ge [sflag:s3], $0x78  }
0xa: {  	s7 =	simm.s32 $0x1;
	s5 =	sadd.s32 $0x18AE00, s8;
	[sflag:s3] =	ssyncset.done $0x0  }
0xb: {  	s9 =	smul.u32 $0x4B00, s6;
	s6 =	simm.s32 $0x78;
	[sflag:s3] =	ssyncadd.s32 $0xFFFFFF88  }
0xc: {  	[tilespmem:s6], [sflag:$0x1] =	stream.indirect.gather [hbm4b:s5+s6], $0x20, s2, s6, $0xb8;
	[tilespmem:$0xF78] =	vst v63  }
0xd: {  	s9 =	sshrl.u32 s9, $0x3;
	_ =	swait.ge [sflag:s7], $0xF00  }
0xe: {  	s17 =	sadd.s32 s9, s8;
	[sflag:s7] =	ssyncset.done $0x0  }
0xf: {  	s8 =	sadd.s32 $0xB600, s17;
	[sflag:s7] =	ssyncadd.s32 $0xFFFFF100  }
0x10: {  	[hbm4b:s8+s2] =	stream.linear.scatter [tilespmem:s6], [sflag:$0x2], $0xF00, $0x38;
	[tilespmem:$0xF78] =	vst v63  }
0x11: {  	s30 =	sadd.s32 $0x78, s14;
	_ =	swait.ge [sflag:s3], $0xF00  }
0x12: {  	s9 =	sshrl.u32 s30, $0x3;
	[sflag:s3] =	ssyncset.done $0x0  }
0x13: {  	s9 =	sadd.s32 s13, s9;
	[sflag:s3] =	ssyncadd.s32 $0xFFFFF100  }
0x14: {  	[tilespmem:s2], [sflag:$0x2] =	stream.linear.gather [hbm4b:s9+s2], $0x78, $0x38;
	[tilespmem:$0xF78] =	vst v63  }
0x15: {  	_ =	swait.ge [sflag:s3], $0x78  }
0x16: {  	[sflag:s3] =	ssyncset.done $0x0  }
0x17: {  	[sflag:s3] =	ssyncadd.s32 $0xFFFFFF88  }
0x18: {  	[tilespmem:s6], [sflag:$0x1] =	stream.indirect.gather [hbm4b:s5+s6], $0x20, s2, s6, $0xb8;
	[tilespmem:$0xF78] =	vst v63  }
0x19: {  	_ =	swait.ge [sflag:s7], $0xF00  }
0x1a: {  	[sflag:s7] =	ssyncset.done $0x0  }
0x1b: {  	s10 =	sadd.s32 $0xB7E0, s17;
	[sflag:s7] =	ssyncadd.s32 $0xFFFFF100  }
0x1c: {  	[hbm4b:s10+s2] =	stream.linear.scatter [tilespmem:s6], [sflag:$0x2], $0xF00, $0x38;
	[tilespmem:$0xF78] =	vst v63  }
0x1d: {  	_ =	swait.ge [sflag:s3], $0xF00  }
0x1e: {  	[sflag:s3] =	ssyncset.done $0x0  }
0x1f: {  	s11 =	sadd.s32 $0x1E, s4;
	[sflag:s3] =	ssyncadd.s32 $0xFFFFF100  }
0x20: {  	[tilespmem:s2], [sflag:$0x2] =	stream.linear.gather [hbm4b:s11+s2], $0x78, $0x38;
	[tilespmem:$0xF78] =	vst v63  }
0x21: {  	_ =	swait.ge [sflag:s3], $0x78  }
0x22: {  	[sflag:s3] =	ssyncset.done $0x0  }
0x23: {  	[sflag:s3] =	ssyncadd.s32 $0xFFFFFF88  }
0x24: {  	[tilespmem:s6], [sflag:$0x1] =	stream.indirect.gather [hbm4b:s5+s6], $0x20, s2, s6, $0xb8;
	[tilespmem:$0xF78] =	vst v63  }
0x25: {  	_ =	swait.ge [sflag:s7], $0xF00  }
0x26: {  	[sflag:s7] =	ssyncset.done $0x0  }
0x27: {  	s12 =	sadd.s32 $0xB9C0, s17;
	[sflag:s7] =	ssyncadd.s32 $0xFFFFF100  }
0x28: {  	[hbm4b:s12+s2] =	stream.linear.scatter [tilespmem:s6], [sflag:$0x2], $0xF00, $0x38;
	[tilespmem:$0xF78] =	vst v63  }
0x29: {  	s14 =	sadd.s32 $0x168, s14;
	_ =	swait.ge [sflag:s3], $0xF00  }
0x2a: {  	s14 =	sshrl.u32 s14, $0x3;
	[sflag:s3] =	ssyncset.done $0x0  }
0x2b: {  	s13 =	sadd.s32 s13, s14;
	[sflag:s3] =	ssyncadd.s32 $0xFFFFF100  }
0x2c: {  	[tilespmem:s2], [sflag:$0x2] =	stream.linear.gather [hbm4b:s13+s2], $0x78, $0x38;
	[tilespmem:$0xF78] =	vst v63  }
0x2d: {  	_ =	swait.ge [sflag:s3], $0x78  }
0x2e: {  	[sflag:s3] =	ssyncset.done $0x0  }
0x2f: {  	[sflag:s3] =	ssyncadd.s32 $0xFFFFFF88  }
0x30: {  	[tilespmem:s6], [sflag:$0x1] =	stream.indirect.gather [hbm4b:s5+s6], $0x20, s2, s6, $0xb8;
	[tilespmem:$0xF78] =	vst v63  }
0x31: {  	_ =	swait.ge [sflag:s7], $0xF00  }
0x32: {  	[sflag:s7] =	ssyncset.done $0x0  }
0x33: {  	s14 =	sadd.s32 $0xBBA0, s17;
	[sflag:s7] =	ssyncadd.s32 $0xFFFFF100  }
0x34: {  	[hbm4b:s14+s2] =	stream.linear.scatter [tilespmem:s6], [sflag:$0x2], $0xF00, $0x38;
	[tilespmem:$0xF78] =	vst v63  }
0x35: {  	_ =	swait.ge [sflag:s3], $0xF00  }
0x36: {  	[sflag:s3] =	ssyncset.done $0x0  }
0x37: {  	s16 =	ssub.s32 $0x2, s16;
	s15 =	sadd.s32 $0x3C, s4;
	[sflag:s3] =	ssyncadd.s32 $0xFFFFF100  }
0x38: {  	[tilespmem:s2], [sflag:$0x2] =	stream.linear.gather [hbm4b:s15+s2], $0x78, $0x38;
	[tilespmem:$0xF78] =	vst v63  }
0x39: {  	s18 =	sshrl.u32 s16, $0x1;
	_ =	swait.ge [sflag:s3], $0x78  }
0x3a: {  	s18 =	ssub.s32 s16, s18;
	[sflag:s3] =	ssyncset.done $0x0  }
0x3b: {  	s31 =	smax.u32 s18, $0x1;
	[sflag:s3] =	ssyncadd.s32 $0xFFFFFF88  }
0x3c: {  	[tilespmem:s6], [sflag:$0x1] =	stream.indirect.gather [hbm4b:s5+s6], $0x20, s2, s6, $0xb8;
	[tilespmem:$0xF78] =	vst v63  }
0x3d: {  	p0 =	sne.s32 s31, $0x1;
	_ =	swait.ge [sflag:s7], $0xF00  }
.Ltmp0:
0x3e: {  	[sflag:s7] =	ssyncset.done $0x0;
	(pc) =	sbr.rel @!p0 .LBB2_2-.Ltmp0, $4  }
0x3f: {  	s16 =	sadd.s32 $0xBD80, s17;
	[sflag:s7] =	ssyncadd.s32 $0xFFFFF100  }
0x40: {  	[hbm4b:s16+s2] =	stream.linear.scatter [tilespmem:s6], [sflag:$0x2], $0xF00, $0x38;
	[tilespmem:$0xF78] =	vst v63  }
0x41: {  	_ =	swait.ge [sflag:s3], $0xF00  }
0x42: {  	s17 =	sadd.s32 $0xFFFFFFFF, s31;
	[sflag:s3] =	ssyncset.done $0x0  }
.LBB2_1:
0x43: {  	p0 =	sne.s32 s17, $0x1;
	s17 =	sadd.s32 $0xFFFFFFFF, s17;
	[sflag:s3] =	ssyncadd.s32 $0xFFFFF100  }
0x44: {  	[tilespmem:s2], [sflag:$0x2] =	stream.linear.gather [hbm4b:s4+s2], $0x78, $0x38;
	[tilespmem:$0xF78] =	vst v63  }
0x45: {  	_ =	swait.ge [sflag:s3], $0x78  }
0x46: {  	[sflag:s3] =	ssyncset.done $0x0  }
0x47: {  	[sflag:s3] =	ssyncadd.s32 $0xFFFFFF88  }
0x48: {  	[tilespmem:s6], [sflag:$0x1] =	stream.indirect.gather [hbm4b:s5+s6], $0x20, s2, s6, $0xb8;
	[tilespmem:$0xF78] =	vst v63  }
0x49: {  	_ =	swait.ge [sflag:s7], $0xF00  }
0x4a: {  	[sflag:s7] =	ssyncset.done $0x0  }
0x4b: {  	[sflag:s7] =	ssyncadd.s32 $0xFFFFF100  }
0x4c: {  	[hbm4b:s8+s2] =	stream.linear.scatter [tilespmem:s6], [sflag:$0x2], $0xF00, $0x38;
	[tilespmem:$0xF78] =	vst v63  }
0x4d: {  	_ =	swait.ge [sflag:s3], $0xF00  }
0x4e: {  	[sflag:s3] =	ssyncset.done $0x0  }
0x4f: {  	[sflag:s3] =	ssyncadd.s32 $0xFFFFF100  }
0x50: {  	[tilespmem:s2], [sflag:$0x2] =	stream.linear.gather [hbm4b:s9+s2], $0x78, $0x38;
	[tilespmem:$0xF78] =	vst v63  }
0x51: {  	_ =	swait.ge [sflag:s3], $0x78  }
0x52: {  	[sflag:s3] =	ssyncset.done $0x0  }
0x53: {  	[sflag:s3] =	ssyncadd.s32 $0xFFFFFF88  }
0x54: {  	[tilespmem:s6], [sflag:$0x1] =	stream.indirect.gather [hbm4b:s5+s6], $0x20, s2, s6, $0xb8;
	[tilespmem:$0xF78] =	vst v63  }
0x55: {  	_ =	swait.ge [sflag:s7], $0xF00  }
0x56: {  	[sflag:s7] =	ssyncset.done $0x0  }
0x57: {  	[sflag:s7] =	ssyncadd.s32 $0xFFFFF100  }
0x58: {  	[hbm4b:s10+s2] =	stream.linear.scatter [tilespmem:s6], [sflag:$0x2], $0xF00, $0x38;
	[tilespmem:$0xF78] =	vst v63  }
0x59: {  	_ =	swait.ge [sflag:s3], $0xF00  }
0x5a: {  	[sflag:s3] =	ssyncset.done $0x0  }
0x5b: {  	[sflag:s3] =	ssyncadd.s32 $0xFFFFF100  }
0x5c: {  	[tilespmem:s2], [sflag:$0x2] =	stream.linear.gather [hbm4b:s11+s2], $0x78, $0x38;
	[tilespmem:$0xF78] =	vst v63  }
0x5d: {  	_ =	swait.ge [sflag:s3], $0x78  }
0x5e: {  	[sflag:s3] =	ssyncset.done $0x0  }
0x5f: {  	[sflag:s3] =	ssyncadd.s32 $0xFFFFFF88  }
0x60: {  	[tilespmem:s6], [sflag:$0x1] =	stream.indirect.gather [hbm4b:s5+s6], $0x20, s2, s6, $0xb8;
	[tilespmem:$0xF78] =	vst v63  }
0x61: {  	_ =	swait.ge [sflag:s7], $0xF00  }
0x62: {  	[sflag:s7] =	ssyncset.done $0x0  }
0x63: {  	[sflag:s7] =	ssyncadd.s32 $0xFFFFF100  }
0x64: {  	[hbm4b:s12+s2] =	stream.linear.scatter [tilespmem:s6], [sflag:$0x2], $0xF00, $0x38;
	[tilespmem:$0xF78] =	vst v63  }
0x65: {  	_ =	swait.ge [sflag:s3], $0xF00  }
0x66: {  	[sflag:s3] =	ssyncset.done $0x0  }
0x67: {  	[sflag:s3] =	ssyncadd.s32 $0xFFFFF100  }
0x68: {  	[tilespmem:s2], [sflag:$0x2] =	stream.linear.gather [hbm4b:s13+s2], $0x78, $0x38;
	[tilespmem:$0xF78] =	vst v63  }
0x69: {  	_ =	swait.ge [sflag:s3], $0x78  }
0x6a: {  	[sflag:s3] =	ssyncset.done $0x0  }
0x6b: {  	[sflag:s3] =	ssyncadd.s32 $0xFFFFFF88  }
0x6c: {  	[tilespmem:s6], [sflag:$0x1] =	stream.indirect.gather [hbm4b:s5+s6], $0x20, s2, s6, $0xb8;
	[tilespmem:$0xF78] =	vst v63  }
0x6d: {  	_ =	swait.ge [sflag:s7], $0xF00  }
0x6e: {  	[sflag:s7] =	ssyncset.done $0x0  }
0x6f: {  	[sflag:s7] =	ssyncadd.s32 $0xFFFFF100  }
0x70: {  	[hbm4b:s14+s2] =	stream.linear.scatter [tilespmem:s6], [sflag:$0x2], $0xF00, $0x38;
	[tilespmem:$0xF78] =	vst v63  }
0x71: {  	_ =	swait.ge [sflag:s3], $0xF00  }
0x72: {  	[sflag:s3] =	ssyncset.done $0x0  }
0x73: {  	[sflag:s3] =	ssyncadd.s32 $0xFFFFF100  }
0x74: {  	[tilespmem:s2], [sflag:$0x2] =	stream.linear.gather [hbm4b:s15+s2], $0x78, $0x38;
	[tilespmem:$0xF78] =	vst v63  }
0x75: {  	_ =	swait.ge [sflag:s3], $0x78  }
0x76: {  	[sflag:s3] =	ssyncset.done $0x0  }
0x77: {  	[sflag:s3] =	ssyncadd.s32 $0xFFFFFF88  }
0x78: {  	[tilespmem:s6], [sflag:$0x1] =	stream.indirect.gather [hbm4b:s5+s6], $0x20, s2, s6, $0xb8;
	[tilespmem:$0xF78] =	vst v63  }
0x79: {  	_ =	swait.ge [sflag:s7], $0xF00  }
.Ltmp1:
0x7a: {  	[sflag:s7] =	ssyncset.done $0x0;
	(pc) =	sbr.rel @p0 .LBB2_1-.Ltmp1, $4  }
0x7b: {  	[sflag:s7] =	ssyncadd.s32 $0xFFFFF100  }
0x7c: {  	[hbm4b:s16+s2] =	stream.linear.scatter [tilespmem:s6], [sflag:$0x2], $0xF00, $0x38;
	[tilespmem:$0xF78] =	vst v63  }
0x7d: {  	_ =	swait.ge [sflag:s3], $0xF00  }
0x7e: {  	[sflag:s3] =	ssyncset.done $0x0  }
.LBB2_2:
0x7f: {  	[sflag:s3] =	ssyncadd.s32 $0xFFFFF100  }
0x80: {  	_ =	sfence.sel $0x180000  }
0x81: {  	[bflag:$0x0] =	sbarrier.arrive $0xFFFF  }
0x82: {  	p0 =	sne.s32 s0, $0x0;
	_ =	strace $0x9000004A  }
0x83: {  	s0 =	sadd.s32 @!p0 $0x100000, s1;
	[bflag:$0x2] =	sbarrier.arrive $0xFFFF  }
0x84: {  	[sflag:s0] =	ssyncadd.tile.s32 @!p0 $0x1;
	_ =	shalt  }
.Lfunc_end2:
_tile_overlayer_lowered:
.L_overlay_start_2:
0x85: {  	(tag) =	ssettag $0x2  }
0x86: {  	s0 =	rddreg [dreg:$0x0];
	s2 =	stileid.u32  }
0x87: {  	s1 =	rddreg [dreg:$0x1];
	p0 =	sne.s32 s2, $0x0  }
0x88: {  	s3 =	rddreg [dreg:$0x2];
	[bflag:$0x3] =	sbarrier.arrive $0xFFFF;
	s2 =	simm.s32 @!p0 $0x1C02  }
0x89: {  	[timem:s3], [sflag:s2] =	dma.local @!p0 [hbm:s0], s1  }
0x8a: {  	s0 =	simm.s32 @!p0 $0x2  }
0x8b: {  	_ =	swait.ge @!p0 [sflag:s0], s1  }
0x8c: {  	s1 =	ssub.s32 @!p0 $0x0, s1;
	[sflag:s0] =	ssyncset.done @!p0 $0x0  }
0x8d: {  	[sflag:s0] =	ssyncadd.s32 @!p0 s1  }
0x8e: {  	[bflag:$0x3] =	sbarrier.arrive $0xFFFF  }
0x8f: {  	_ =	shalt  }

// kernel: kernel.13.cloned.1.call-start
scs
__scs_entry_jumppad:
0x0: {  	(pc) =	sbr.rel $0x88, $3  }
0x1: {  	(tag) =	ssettag $0x0;
	lr =	simm.s32 $0x1  }
0x2: {  	[smem:$0x3F93] =	sst lr;
	_ =	strace $0xD0000000  }
0x3: {  	_ = 	snop  }
0x4: {  	_ = 	snop  }
0x5: {  	_ = 	snop  }
0x6: {  	_ = 	snop  }
0x7: {  	_ = 	snop  }
__scs_overlays_trampoline_lowered:
0x8: {  	[smem:$0x3FA2] =	sst s0  }
0x9: {  	[smem:$0x3FA3] =	sst s1  }
0xa: {  	[smem:$0x3FA4] =	sst s2  }
0xb: {  	[smem:$0x3FA5] =	sst s3  }
0xc: {  	[smem:$0x3FA6] =	sst s4  }
0xd: {  	[smem:$0x3FA7] =	sst s5  }
0xe: {  	[smem:$0x3FA8] =	sst s6  }
0xf: {  	[smem:$0x3FA9] =	sst s7  }
0x10: {  	[smem:$0x3FAA] =	sst s8  }
0x11: {  	[smem:$0x3FAB] =	sst s9;
	s0 =	simm.s32 @!p0 $0x0  }
0x12: {  	s1 =	sld [smem:$0x3F91];
	s0 =	simm.s32 @p0 $0x1  }
0x13: {  	[smem:$0x3FAC] =	sst s0;
	s0 =	simm.s32 @!p1 $0x0  }
0x14: {  	s2 =	sld [smem:$0x3F90];
	s0 =	simm.s32 @p1 $0x1  }
0x15: {  	[smem:$0x3FAD] =	sst s0;
	s0 =	simm.s32 @!p2 $0x0  }
0x16: {  	s3 =	sld [smem:$0x3FDB];
	s0 =	simm.s32 @p2 $0x1  }
0x17: {  	s4 =	simm.s32 $0x1BF5;
	[smem:$0x3FAF] =	sst s0  }
0x18: {  	s0 =	sld [smem:$0x3F92];
	_ =	swait.ge [sflag:s4], $0x0  }
0x19: {  	s7 =	sld [smem:$0x3F93]  }
0x1a: {  	s8 =	sadd.s32 $0xFFFFE003, lr  }
0x1b: {  	s9 =	sadd.s32 $0xFFFFFEF7, lr;
	s5 =	simm.s32 $0xFFFFFFFF;
	p2 =	slt.u32 s8, $0xFFFFF086  }
0x1c: {  	p1 =	slt.u32 s9, $0xF7A;
	s5 =	simm.s32 @!p2 $0x0  }
0x1d: {  	s5 =	simm.s32 @p1 $0x1;
	p0 =	seq.s32 s7, s2  }
0x1e: {  	s7 =	smul.u32 @!p0 $0xF7A, s2;
	p2 =	seq.s32 @!p0 s5, $0x0  }
0x1f: {  	s9 =	smul.u32 $0xF7A, s1;
	s8 =	simm.s32 @!p0 $0x1BF5;
	p2 =	por !p2, p0  }
0x20: {  	[sflag:s8] =	ssyncset.s32 @!p0 $0xFFFFF086;
	s6 =	sadd.s32 @!p0 s3, s7;
	s7 =	simm.s32 @!p0 $0x108  }
0x21: {  	s3 =	sadd.s32 s3, s9;
	s6 =	sadd.s32 @!p0 $0x88, s6;
	s7 =	simm.s32 @p2 $0x1082  }
0x22: {  	[simem:s7], [sflag:s8] =	dma.local @!p0 [hbm:s6], $0xF7A  }
0x23: {  	s9 =	sor.u32 $0xD0000000, s2;
	s6 =	simm.s32 $0x108;
	_ =	swait.ge @!p0 [sflag:s8], $0x0  }
0x24: {  	s3 =	sadd.s32 $0x88, s3;
	s6 =	simm.s32 @!p1 $0x1082;
	[sflag:s4] =	ssyncset.s32 $0xFFFFF086  }
0x25: {  	[simem:s6], [sflag:s4] =	dma.local [hbm:s3], $0xF7A  }
0x26: {  	[smem:$0x3F93] =	sst s1;
	(tag) =	ssettag s2;
	_ =	strace s9  }
0x27: {  	s1 =	sld [smem:$0x3FA3]  }
0x28: {  	s2 =	sld [smem:$0x3FA4]  }
0x29: {  	s4 =	sld [smem:$0x3FA6]  }
0x2a: {  	p0 =	seq.s32 s5, $0x0;
	s5 =	sld [smem:$0x3FA7]  }
0x2b: {  	s6 =	sld [smem:$0x3FA8]  }
0x2c: {  	s7 =	sld [smem:$0x3FA9]  }
0x2d: {  	s3 =	simm.s32 $0x108;
	s8 =	sld [smem:$0x3FAA]  }
0x2e: {  	s3 =	simm.s32 @!p0 $0x1082;
	s9 =	sld [smem:$0x3FAB]  }
0x2f: {  	lr =	sadd.s32 s0, s3;
	s0 =	sld [smem:$0x3FA2]  }
0x30: {  	s3 =	sld [smem:$0x3FA5]  }
0x31: {  	[smem:$0x3FAE] =	sst s10  }
0x32: {  	s10 =	sld [smem:$0x3FAC];
	_ =	sdelay $0x3  }
0x33: {  	p0 =	seq.s32 s10, $0x1;
	s10 =	sld [smem:$0x3FAE];
	_ =	sdelay $0x3  }
0x34: {  	[smem:$0x3FAE] =	sst s10  }
0x35: {  	s10 =	sld [smem:$0x3FAD];
	_ =	sdelay $0x3  }
0x36: {  	p1 =	seq.s32 s10, $0x1;
	s10 =	sld [smem:$0x3FAE];
	_ =	sdelay $0x3  }
0x37: {  	[smem:$0x3FAE] =	sst s10  }
0x38: {  	s10 =	sld [smem:$0x3FAF]  }
0x39: {  	_ = 	snop;
	(pc) =	sbr.ind lr, $3  }
0x3a: {  	_ = 	snop  }
0x3b: {  	_ = 	snop  }
0x3c: {  	p2 =	seq.s32 s10, $0x1;
	s10 =	sld [smem:$0x3FAE]  }
0x3d: {  	_ =	shalt  }
0x3e: {  	_ =	shalt  }
0x3f: {  	_ =	shalt  }
0x40: {  	_ =	shalt  }
0x41: {  	_ =	shalt  }
0x42: {  	_ =	shalt  }
0x43: {  	_ =	shalt  }
0x44: {  	_ =	shalt  }
0x45: {  	_ =	shalt  }
0x46: {  	_ =	shalt  }
0x47: {  	_ =	shalt  }
0x48: {  	_ =	shalt  }
0x49: {  	_ =	shalt  }
0x4a: {  	_ =	shalt  }
0x4b: {  	_ =	shalt  }
0x4c: {  	_ =	shalt  }
0x4d: {  	_ =	shalt  }
0x4e: {  	_ =	shalt  }
0x4f: {  	_ =	shalt  }
0x50: {  	_ =	shalt  }
0x51: {  	_ =	shalt  }
0x52: {  	_ =	shalt  }
0x53: {  	_ =	shalt  }
0x54: {  	_ =	shalt  }
0x55: {  	_ =	shalt  }
0x56: {  	_ =	shalt  }
0x57: {  	_ =	shalt  }
0x58: {  	_ =	shalt  }
0x59: {  	_ =	shalt  }
0x5a: {  	_ =	shalt  }
0x5b: {  	_ =	shalt  }
0x5c: {  	_ =	shalt  }
0x5d: {  	_ =	shalt  }
0x5e: {  	_ =	shalt  }
0x5f: {  	_ =	shalt  }
0x60: {  	_ =	shalt  }
0x61: {  	_ =	shalt  }
0x62: {  	_ =	shalt  }
0x63: {  	_ =	shalt  }
0x64: {  	_ =	shalt  }
0x65: {  	_ =	shalt  }
0x66: {  	_ =	shalt  }
0x67: {  	_ =	shalt  }
0x68: {  	_ =	shalt  }
0x69: {  	_ =	shalt  }
0x6a: {  	_ =	shalt  }
0x6b: {  	_ =	shalt  }
0x6c: {  	_ =	shalt  }
0x6d: {  	_ =	shalt  }
0x6e: {  	_ =	shalt  }
0x6f: {  	_ =	shalt  }
0x70: {  	_ =	shalt  }
0x71: {  	_ =	shalt  }
0x72: {  	_ =	shalt  }
0x73: {  	_ =	shalt  }
0x74: {  	_ =	shalt  }
0x75: {  	_ =	shalt  }
0x76: {  	_ =	shalt  }
0x77: {  	_ =	shalt  }
0x78: {  	_ =	shalt  }
0x79: {  	_ =	shalt  }
0x7a: {  	_ =	shalt  }
0x7b: {  	_ =	shalt  }
0x7c: {  	_ =	shalt  }
0x7d: {  	_ =	shalt  }
0x7e: {  	_ =	shalt  }
0x7f: {  	_ =	shalt  }
0x80: {  	_ =	shalt  }
0x81: {  	_ =	shalt  }
0x82: {  	_ =	shalt  }
0x83: {  	_ =	shalt  }
0x84: {  	_ =	shalt  }
0x85: {  	_ =	shalt  }
0x86: {  	_ =	shalt  }
0x87: {  	_ =	shalt  }
.Lfunc_end0:
.L_simem_size_0:
called_computation.2_lowered:
.L_overlay_start_0:
0x88: {  	s2 =	sld [smem:$0x3FD9]  }
0x89: {  	s3 =	sld [smem:$0x3FFE];
	_ =	sdelay $0x1  }
0x8a: {  	s1 =	srdreg.scid  }
0x8b: {  	s0 =	sand.u32 $0x1, s1  }
0x8c: {  	s17 =	sshll.u32 s0, $0xA;
	s2 =	sadd.s32 s3, s2  }
0x8d: {  	s2 =	sadd.s32 s2, s17  }
0x8e: {  	[smem:$0x3FBA] =	sst s2  }
0x8f: {  	_ = 	snop  }
0x90: {  	s18 =	sld [smem:$0x3FC3]  }
0x91: {  	s4 =	sld [smem:$0x3FD0];
	(tm) =	ssettm $0x1  }
0x92: {  	s19 =	sld [smem:$0x3FFB];
	_ =	sdelay $0x3  }
0x93: {  	_ =	strace s19  }
0x94: {  	s2 =	sld [smem:$0x3FFC];
	_ =	sdelay $0x3  }
0x95: {  	_ =	strace s2  }
0x96: {  	s2 =	sld [smem:$0x3FFD];
	_ =	sdelay $0x3  }
0x97: {  	_ =	strace s2  }
0x98: {  	_ =	strace $0x8FFFFFFF  }
0x99: {  	s20 =	sld [smem:$0x3FDB];
	_ =	sdelay $0x1  }
0x9a: {  	s5 =	simm.s32 $_scs_section_size  }
0x9b: {  	s6 =	simm.s32 $_size__tile_overlayer_lowered;
	s7 =	simm.s32 $_tile_overlayer_lowered  }
0x9c: {  	s8 =	simm.s32 $0x1BFF;
	s21 =	sshll.u32 s7, $0x1;
	s5 =	sadd.s32 s5, s20  }
0x9d: {  	s22 =	simm.s32 $0x0;
	s6 =	sshll.u32 s6, $0x1;
	s7 =	sadd.s32 s21, s5  }
0x9e: {  	[timem:s22], [sflag:s8] =	dma.local [hbm:s7], s6  }
0x9f: {  	_ =	swait.ge [sflag:s8], s6  }
0xa0: {  	s6 =	ssub.s32 $0x0, s6;
	[sflag:s8] =	ssyncset.done $0x0  }
0xa1: {  	[sflag:s8] =	ssyncadd.s32 s6;
	_ =	sdelay $0x1  }
0xa2: {  	s23 =	simm.s32 $0x1B8B  }
0xa3: {  	_ =	swait.ge [sflag:s23], $0x1  }
0xa4: {  	[sflag:s23] =	ssyncset.done $0x0  }
0xa5: {  	[sflag:s23] =	ssyncadd.s32 $0xFFFFFFFF  }
0xa6: {  	s6 =	sld [smem:$0x0]  }
0xa7: {  	s7 =	sand.u32 $0xFFFFFFFE, s1  }
0xa8: {  	p0 =	sne.s32 s1, s7  }
0xa9: {  	s7 =	sshll.u32 @p0 s7, $0xE  }
0xaa: {  	s7 =	sadd.s32 @p0 $0x11B8D, s7;
	s8 =	sshll.u32 @p0 s6, $0x11  }
0xab: {  	s7 =	sor.u32 @p0 s8, s7  }
0xac: {  	[sflag:s7] =	ssyncadd.remote.s32 @p0 $0x1;
	_ =	sdelay $0x1  }
0xad: {  	s7 =	simm.s32 @p0 $0x1B8D  }
0xae: {  	_ =	swait.eq @p0 [sflag:s7], $0x1  }
0xaf: {  	[sflag:s7] =	ssyncadd.s32 @p0 $0xFFFFFFFF  }
0xb0: {  	s8 =	sshll.u32 @!p0 s1, $0xE  }
0xb1: {  	s8 =	sor.u32 @!p0 $0x4000, s8;
	s7 =	simm.s32 @!p0 $0x1B8D  }
0xb2: {  	s6 =	sshll.u32 @!p0 s6, $0x11;
	s8 =	sadd.s32 @!p0 $0x11B8D, s8;
	_ =	swait.eq @!p0 [sflag:s7], $0x1  }
0xb3: {  	s6 =	sor.u32 @!p0 s6, s8;
	[sflag:s7] =	ssyncadd.s32 @!p0 $0xFFFFFFFF  }
0xb4: {  	s25 =	simm.s32 $0x1B8E;
	s24 =	sld [smem:$0x3FFE];
	[sflag:s6] =	ssyncadd.remote.s32 @!p0 $0x1  }
0xb5: {  	s26 =	simm.s32 $execute0_lowered;
	[smem:$0x3FD2] =	sst s25  }
0xb6: {  	s7 =	sshll.u32 s26, $0x1;
	_ =	strace $0x8000004C;
	[dreg:$0x1] =	wrdreg $0xFFFFFFFF  }
0xb7: {  	s28 =	simm.s32 $_size_execute0_lowered;
	s5 =	sadd.s32 s5, s7;
	[dreg:$0x0] =	wrdreg $0x0  }
0xb8: {  	s7 =	sshll.u32 s28, $0x1;
	[dreg:$0x2] =	wrdreg s5  }
0xb9: {  	[dreg:$0x3] =	wrdreg s7  }
0xba: {  	[dreg:$0x4] =	wrdreg $0xC0  }
0xbb: {  	_ =	task [dreg:s22], $0x5FFFF  }
0xbc: {  	[dreg:$0x1] =	wrdreg $0xFFFFFFFF  }
0xbd: {  	[dreg:$0x0] =	wrdreg $0x60  }
0xbe: {  	[dreg:$0x2] =	wrdreg s24  }
0xbf: {  	[dreg:$0x3] =	wrdreg s4  }
0xc0: {  	[dreg:$0x4] =	wrdreg s18  }
0xc1: {  	[dreg:$0x5] =	wrdreg $0x9  }
0xc2: {  	_ =	task.clear_ibuf [dreg:s22], $0x6FFFF;
	_ =	strace $0x9000004C  }
0xc3: {  	s29 =	simm.s32 $0x9;
	_ =	strace $0x8000004E  }
0xc4: {  	_ =	swait.ge [sflag:s29], $0x1  }
0xc5: {  	[sflag:s29] =	ssyncadd.s32 $0xFFFFFFFF  }
0xc6: {  	_ =	strace $0x9000004E  }
0xc7: {  	_ =	sfence  }
0xc8: {  	s30 =	sld [smem:$0x0];
	_ =	sdelay $0x2  }
0xc9: {  	s31 =	sshll.u32 s1, $0xD;
	s1 =	sshrl.u32 s1, $0x2  }
0xca: {  	s4 =	sand.u32 $0x4000, s31;
	s1 =	sadd.s32 s1, s30  }
0xcb: {  	s0 =	sor.u32 s4, s0;
	s1 =	sshll.u32 s1, $0x11  }
0xcc: {  	s0 =	sor.u32 s1, s0  }
0xcd: {  	s0 =	sadd.s32 $0x8F2B, s0  }
0xce: {  	[sflag:s0] =	ssyncadd.remote.s32 $0x1  }
0xcf: {  	_ =	sfence.sel $0xFFFF  }
0xd0: {  	[dreg:$0x0] =	wrdreg $0xFFFFFFFF;
	(pc) =	sbr.abs _section_cstart, $3  }
0xd1: {  	[dreg:$0x1] =	wrdreg $0xFFFFFFFF  }
0xd2: {  	_ =	task.clear_ibuf [dreg:s22], $0x2FFFF;
	_ =	strace $0x9FFFFFFF  }
0xd3: {  	(tm) =	ssettm $0x7FFFFFFF  }
tec
execute0_lowered:
.L_overlay_start_1:
0x0: {  	(tag) =	ssettag $0x1  }
0x1: {  	s1 =	rddreg [dreg:$0x0]  }
0x2: {  	s0 =	srdreg.scid;
	s4 =	rddreg [dreg:$0x1]  }
0x3: {  	s2 =	stileid.u32;
	s3 =	rddreg [dreg:$0x2];
	s28 =	simm.s32 $0x38  }
0x4: {  	s13 =	simm.s32 $0x100;
	s29 =	simm.s32 $0x3978;
	s30 =	simm.s32 $0x39F0  }
0x5: {  	s19 =	simm.s32 $0xB380;
	s31 =	simm.s32 $0x3A68;
	s17 =	simm.s32 $0xEF80  }
0x6: {  	s18 =	simm.s32 $0x1;
	s15 =	simm.s32 $0x2;
	s11 =	simm.s32 $0x9  }
0x7: {  	p0 =	por $0x0, $0x0;
	s0 =	sand.u32 $0x1, s0;
	s2 =	sshll.u32 s2, $0x1  }
0x8: {  	s16 =	simm.s32 $0x3AE0;
	s14 =	simm.s32 $0xA;
	s5 =	sor.u32 s0, s2  }
0x9: {  	s12 =	simm.s32 $0xB;
	s10 =	simm.s32 $0xC;
	s6 =	smul.u32 $0x7, s5  }
0xa: {  	s2 =	simm.s32 $0x0;
	s0 =	ssub.s32 $0x2, s0;
	s7 =	smul.u32 $0x12C00, s5  }
0xb: {  	[smem:$0x7FF] =	sst s2;
	s9 =	smul.u32 $0x4B, s5;
	s25 =	sshrl.u32 s0, $0x1  }
0xc: {  	s5 =	smul.u32 $0x380, s5;
	_ =	strace $0x8000004D;
	s0 =	ssub.s32 s0, s25  }
0xd: {  	s25 =	simm.s32 $0xD;
	s6 =	sadd.s32 s6, s1;
	s7 =	sshrl.u32 s7, $0x3  }
0xe: {  	s4 =	sadd.s32 s4, s9;
	s0 =	smax.u32 s0, $0x1;
	s9 =	simm.s32 $0x5  }
0xf: {  	s8 =	sadd.s32 $0x4400, s6;
	s6 =	sadd.s32 $0x1E200, s6;
	[dreg:$0x6] =	wrdreg s4  }
0x10: {  	s7 =	sadd.s32 s7, s1;
	s1 =	sadd.s32 s5, s1;
	[dreg:$0x4] =	wrdreg s8  }
0x11: {  	s5 =	simm.s32 $0x78;
	[dreg:$0x5] =	wrdreg s6;
	s20 =	sadd.s32 $0x1E400, s7  }
0x12: {  	s4 =	simm.s32 $0x3B80;
	s21 =	sadd.s32 $0x1EB80, s7;
	[dreg:$0x7] =	wrdreg s20  }
0x13: {  	p1 =	sne.s32 s0, $0x1;
	s22 =	sadd.s32 $0x1F300, s7;
	[dreg:$0x8] =	wrdreg s21  }
0x14: {  	s23 =	sadd.s32 $0x1FA80, s7;
	s24 =	sadd.s32 $0x69400, s1;
	[dreg:$0x9] =	wrdreg s22  }
0x15: {  	s1 =	sadd.s32 $0x70400, s1;
	s26 =	sadd.s32 $0x20200, s7;
	[dreg:$0xa] =	wrdreg s23  }
.Ltmp0:
0x16: {  	s8 =	simm.s32 $0x1D00;
	[dreg:$0xb] =	wrdreg s24;
	(pc) =	sbr.rel @!p1 .LBB2_3-.Ltmp0, $4  }
0x17: {  	s7 =	simm.s32 $0x3;
	s6 =	simm.s32 $0x4;
	[dreg:$0xc] =	wrdreg s1  }
0x18: {  	[dreg:$0xd] =	wrdreg s26;
	s23 =	simm.s32 $0x80;
	s24 =	simm.s32 $0x3900  }
0x19: {  	s21 =	simm.s32 $0x7780;
	s26 =	simm.s32 $0x6;
	s22 =	simm.s32 $0x7  }
0x1a: {  	s20 =	simm.s32 $0x8;
	s1 =	sadd.s32 $0xFFFFFFFF, s0;
	s0 =	rddreg [dreg:$0x4]  }
0x1b: {  	[tilespmem:s2], [sflag:$0xD] =	stream.linear.gather [hbm4b:s0+s2], $0x38, $0x38;
	[tilespmem:$0x12B80] =	vst v63  }
0x1c: {  	_ =	swait.ge [sflag:s25], $0x38  }
0x1d: {  	[sflag:s25] =	ssyncset.done $0x0  }
0x1e: {  	s0 =	rddreg [dreg:$0x5];
	[sflag:s25] =	ssyncadd.s32 $0xFFFFFFC8  }
0x1f: {  	[tilespmem:s23], [sflag:$0xD] =	stream.linear.gather [hbm4b:s0+s2], $0x38, $0x38;
	[tilespmem:$0x12B80] =	vst v63  }
0x20: {  	_ =	swait.ge [sflag:s25], $0x38  }
0x21: {  	[sflag:s25] =	ssyncset.done $0x0  }
0x22: {  	s0 =	rddreg [dreg:$0x6];
	[sflag:s25] =	ssyncadd.s32 $0xFFFFFFC8  }
0x23: {  	[tilespmem:s24], [sflag:$0xD] =	stream.linear.gather [hbm4b:s0+s2], $0x258, $0x38;
	[tilespmem:$0x12B80] =	vst v63  }
0x24: {  	_ =	swait.ge [sflag:s25], $0x258  }
0x25: {  	[sflag:s25] =	ssyncset.done $0x0  }
0x26: {  	[sflag:s25] =	ssyncadd.s32 $0xFFFFFDA8  }
0x27: {  	[tilespmem:s13], [sflag:$0x1] =	stream.indirect.gather [hbm4b:s3+s28], $0x80, s2, s28, $0xb8;
	[tilespmem:$0x12B80] =	vst v63  }
0x28: {  	_ = 	snop  }
0x29: {  	[tilespmem:s8], [sflag:$0x2] =	stream.indirect.gather [hbm4b:s3+s28], $0x80, s23, s28, $0xb8;
	[tilespmem:$0x12B80] =	vst v63  }
0x2a: {  	_ = 	snop  }
0x2b: {  	[tilespmem:s4], [sflag:$0x5] =	stream.indirect.gather [hbm4b:s3+s5], $0x80, s24, s5, $0xb8;
	[tilespmem:$0x12B80] =	vst v63  }
0x2c: {  	_ = 	snop  }
0x2d: {  	[tilespmem:s21], [sflag:$0x6] =	stream.indirect.gather [hbm4b:s3+s5], $0x80, s29, s5, $0xb8;
	[tilespmem:$0x12B80] =	vst v63  }
0x2e: {  	_ = 	snop  }
0x2f: {  	[tilespmem:s19], [sflag:$0x7] =	stream.indirect.gather [hbm4b:s3+s5], $0x80, s30, s5, $0xb8;
	[tilespmem:$0x12B80] =	vst v63  }
0x30: {  	_ = 	snop  }
0x31: {  	[tilespmem:s17], [sflag:$0x8] =	stream.indirect.gather [hbm4b:s3+s5], $0x80, s31, s5, $0xb8;
	[tilespmem:$0x12B80] =	vst v63  }
0x32: {  	_ =	swait.ge [sflag:s9], $0x3C00  }
0x33: {  	[sflag:s9] =	ssyncset.done $0x0  }
0x34: {  	s0 =	rddreg [dreg:$0x7];
	[sflag:s9] =	ssyncadd.s32 $0xFFFFC400  }
0x35: {  	[hbm4b:s0+s2] =	stream.linear.scatter [tilespmem:s4], [sflag:$0x9], $0x3C00, $0x38;
	[tilespmem:$0x12B80] =	vst v63  }
0x36: {  	_ =	swait.ge [sflag:s26], $0x3C00  }
0x37: {  	[sflag:s26] =	ssyncset.done $0x0  }
0x38: {  	s0 =	rddreg [dreg:$0x8];
	[sflag:s26] =	ssyncadd.s32 $0xFFFFC400  }
0x39: {  	[hbm4b:s0+s2] =	stream.linear.scatter [tilespmem:s21], [sflag:$0xA], $0x3C00, $0x38;
	[tilespmem:$0x12B80] =	vst v63  }
0x3a: {  	_ =	swait.ge [sflag:s22], $0x3C00  }
0x3b: {  	[sflag:s22] =	ssyncset.done $0x0  }
0x3c: {  	s0 =	rddreg [dreg:$0x9];
	[sflag:s22] =	ssyncadd.s32 $0xFFFFC400  }
0x3d: {  	[hbm4b:s0+s2] =	stream.linear.scatter [tilespmem:s19], [sflag:$0xB], $0x3C00, $0x38;
	[tilespmem:$0x12B80] =	vst v63  }
0x3e: {  	_ =	swait.ge [sflag:s20], $0x3C00  }
0x3f: {  	[sflag:s20] =	ssyncset.done $0x0  }
0x40: {  	s0 =	rddreg [dreg:$0xa];
	[sflag:s20] =	ssyncadd.s32 $0xFFFFC400  }
0x41: {  	[hbm4b:s0+s2] =	stream.linear.scatter [tilespmem:s17], [sflag:$0xC], $0x3C00, $0x38;
	[tilespmem:$0x12B80] =	vst v63  }
0x42: {  	_ =	swait.ge [sflag:s18], $0x1C00  }
0x43: {  	[sflag:s18] =	ssyncset.done $0x0  }
0x44: {  	s0 =	rddreg [dreg:$0xb];
	[sflag:s18] =	ssyncadd.s32 $0xFFFFE400  }
0x45: {  	[hbm4b:s0+s2] =	stream.linear.scatter [tilespmem:s13], [sflag:$0x3], $0x1C00, $0x38;
	[tilespmem:$0x12B80] =	vst v63  }
0x46: {  	_ =	swait.ge [sflag:s15], $0x1C00  }
0x47: {  	[sflag:s15] =	ssyncset.done $0x0  }
0x48: {  	s0 =	rddreg [dreg:$0xc];
	[sflag:s15] =	ssyncadd.s32 $0xFFFFE400  }
0x49: {  	[hbm4b:s0+s2] =	stream.linear.scatter [tilespmem:s8], [sflag:$0x4], $0x1C00, $0x38;
	[tilespmem:$0x12B80] =	vst v63  }
0x4a: {  	_ =	swait.ge [sflag:s11], $0x3C00  }
0x4b: {  	[sflag:s11] =	ssyncset.done $0x0  }
0x4c: {  	[sflag:s11] =	ssyncadd.s32 $0xFFFFC400  }
0x4d: {  	[tilespmem:s4], [sflag:$0x5] =	stream.indirect.gather [hbm4b:s3+s5], $0x80, s16, s5, $0xb8;
	[tilespmem:$0x12B80] =	vst v63  }
0x4e: {  	_ =	swait.ge [sflag:s9], $0x3C00  }
0x4f: {  	[sflag:s9] =	ssyncset.done $0x0  }
0x50: {  	s0 =	rddreg [dreg:$0xd];
	[sflag:s9] =	ssyncadd.s32 $0xFFFFC400  }
0x51: {  	[hbm4b:s0+s2] =	stream.linear.scatter [tilespmem:s4], [sflag:$0x9], $0x3C00, $0x38;
	[tilespmem:$0x12B80] =	vst v63  }
0x52: {  	_ =	swait.ge [sflag:s11], $0x3C00  }
0x53: {  	[sflag:s11] =	ssyncset.done $0x0  }
0x54: {  	[sflag:s11] =	ssyncadd.s32 $0xFFFFC400  }
0x55: {  	_ =	swait.ge [sflag:s14], $0x3C00  }
0x56: {  	[sflag:s14] =	ssyncset.done $0x0  }
0x57: {  	[sflag:s14] =	ssyncadd.s32 $0xFFFFC400  }
0x58: {  	_ =	swait.ge [sflag:s12], $0x3C00  }
0x59: {  	[sflag:s12] =	ssyncset.done $0x0  }
0x5a: {  	[sflag:s12] =	ssyncadd.s32 $0xFFFFC400  }
0x5b: {  	_ =	swait.ge [sflag:s10], $0x3C00  }
0x5c: {  	[sflag:s10] =	ssyncset.done $0x0  }
0x5d: {  	p1 =	sne.s32 s1, $0x1;
	[sflag:s10] =	ssyncadd.s32 $0xFFFFC400  }
.Ltmp1:
0x5e: {  	_ =	swait.ge [sflag:s7], $0x1C00;
	(pc) =	sbr.rel @!p1 .LBB2_3-.Ltmp1, $4  }
0x5f: {  	[sflag:s7] =	ssyncset.done $0x0  }
0x60: {  	[sflag:s7] =	ssyncadd.s32 $0xFFFFE400  }
0x61: {  	s1 =	sadd.s32 $0xFFFFFFFF, s1;
	_ =	swait.ge [sflag:s6], $0x1C00  }
0x62: {  	p0 =	por $0x1, $0x1;
	s0 =	rddreg [dreg:$0x4];
	[sflag:s6] =	ssyncset.done $0x0  }
.LBB2_2:
0x63: {  	[sflag:s6] =	ssyncadd.s32 $0xFFFFE400  }
0x64: {  	[tilespmem:s2], [sflag:$0xD] =	stream.linear.gather [hbm4b:s0+s2], $0x38, $0x38;
	[tilespmem:$0x12B80] =	vst v63  }
0x65: {  	_ =	swait.ge [sflag:s25], $0x38  }
0x66: {  	[sflag:s25] =	ssyncset.done $0x0  }
0x67: {  	s0 =	rddreg [dreg:$0x5];
	[sflag:s25] =	ssyncadd.s32 $0xFFFFFFC8  }
0x68: {  	[tilespmem:s23], [sflag:$0xD] =	stream.linear.gather [hbm4b:s0+s2], $0x38, $0x38;
	[tilespmem:$0x12B80] =	vst v63  }
0x69: {  	_ =	swait.ge [sflag:s25], $0x38  }
0x6a: {  	[sflag:s25] =	ssyncset.done $0x0  }
0x6b: {  	s0 =	rddreg [dreg:$0x6];
	[sflag:s25] =	ssyncadd.s32 $0xFFFFFFC8  }
0x6c: {  	[tilespmem:s24], [sflag:$0xD] =	stream.linear.gather [hbm4b:s0+s2], $0x258, $0x38;
	[tilespmem:$0x12B80] =	vst v63  }
0x6d: {  	_ =	swait.ge [sflag:s25], $0x258  }
0x6e: {  	[sflag:s25] =	ssyncset.done $0x0  }
0x6f: {  	[sflag:s25] =	ssyncadd.s32 $0xFFFFFDA8  }
0x70: {  	[tilespmem:s13], [sflag:$0x1] =	stream.indirect.gather [hbm4b:s3+s28], $0x80, s2, s28, $0xb8;
	[tilespmem:$0x12B80] =	vst v63  }
0x71: {  	_ = 	snop  }
0x72: {  	[tilespmem:s8], [sflag:$0x2] =	stream.indirect.gather [hbm4b:s3+s28], $0x80, s23, s28, $0xb8;
	[tilespmem:$0x12B80] =	vst v63  }
0x73: {  	_ = 	snop  }
0x74: {  	[tilespmem:s4], [sflag:$0x5] =	stream.indirect.gather [hbm4b:s3+s5], $0x80, s24, s5, $0xb8;
	[tilespmem:$0x12B80] =	vst v63  }
0x75: {  	_ = 	snop  }
0x76: {  	[tilespmem:s21], [sflag:$0x6] =	stream.indirect.gather [hbm4b:s3+s5], $0x80, s29, s5, $0xb8;
	[tilespmem:$0x12B80] =	vst v63  }
0x77: {  	_ = 	snop  }
0x78: {  	[tilespmem:s19], [sflag:$0x7] =	stream.indirect.gather [hbm4b:s3+s5], $0x80, s30, s5, $0xb8;
	[tilespmem:$0x12B80] =	vst v63  }
0x79: {  	_ = 	snop  }
0x7a: {  	[tilespmem:s17], [sflag:$0x8] =	stream.indirect.gather [hbm4b:s3+s5], $0x80, s31, s5, $0xb8;
	[tilespmem:$0x12B80] =	vst v63  }
0x7b: {  	_ =	swait.ge [sflag:s9], $0x3C00  }
0x7c: {  	[sflag:s9] =	ssyncset.done $0x0  }
0x7d: {  	s0 =	rddreg [dreg:$0x7];
	[sflag:s9] =	ssyncadd.s32 $0xFFFFC400  }
0x7e: {  	[hbm4b:s0+s2] =	stream.linear.scatter [tilespmem:s4], [sflag:$0x9], $0x3C00, $0x38;
	[tilespmem:$0x12B80] =	vst v63  }
0x7f: {  	_ =	swait.ge [sflag:s26], $0x3C00  }
0x80: {  	[sflag:s26] =	ssyncset.done $0x0  }
0x81: {  	s0 =	rddreg [dreg:$0x8];
	[sflag:s26] =	ssyncadd.s32 $0xFFFFC400  }
0x82: {  	[hbm4b:s0+s2] =	stream.linear.scatter [tilespmem:s21], [sflag:$0xA], $0x3C00, $0x38;
	[tilespmem:$0x12B80] =	vst v63  }
0x83: {  	_ =	swait.ge [sflag:s22], $0x3C00  }
0x84: {  	[sflag:s22] =	ssyncset.done $0x0  }
0x85: {  	s0 =	rddreg [dreg:$0x9];
	[sflag:s22] =	ssyncadd.s32 $0xFFFFC400  }
0x86: {  	[hbm4b:s0+s2] =	stream.linear.scatter [tilespmem:s19], [sflag:$0xB], $0x3C00, $0x38;
	[tilespmem:$0x12B80] =	vst v63  }
0x87: {  	_ =	swait.ge [sflag:s20], $0x3C00  }
0x88: {  	[sflag:s20] =	ssyncset.done $0x0  }
0x89: {  	s0 =	rddreg [dreg:$0xa];
	[sflag:s20] =	ssyncadd.s32 $0xFFFFC400  }
0x8a: {  	[hbm4b:s0+s2] =	stream.linear.scatter [tilespmem:s17], [sflag:$0xC], $0x3C00, $0x38;
	[tilespmem:$0x12B80] =	vst v63  }
0x8b: {  	_ =	swait.ge [sflag:s18], $0x1C00  }
0x8c: {  	[sflag:s18] =	ssyncset.done $0x0  }
0x8d: {  	s0 =	rddreg [dreg:$0xb];
	[sflag:s18] =	ssyncadd.s32 $0xFFFFE400  }
0x8e: {  	[hbm4b:s0+s2] =	stream.linear.scatter [tilespmem:s13], [sflag:$0x3], $0x1C00, $0x38;
	[tilespmem:$0x12B80] =	vst v63  }
0x8f: {  	_ =	swait.ge [sflag:s15], $0x1C00  }
0x90: {  	[sflag:s15] =	ssyncset.done $0x0  }
0x91: {  	s0 =	rddreg [dreg:$0xc];
	[sflag:s15] =	ssyncadd.s32 $0xFFFFE400  }
0x92: {  	[hbm4b:s0+s2] =	stream.linear.scatter [tilespmem:s8], [sflag:$0x4], $0x1C00, $0x38;
	[tilespmem:$0x12B80] =	vst v63  }
0x93: {  	_ =	swait.ge [sflag:s11], $0x3C00  }
0x94: {  	[sflag:s11] =	ssyncset.done $0x0  }
0x95: {  	[sflag:s11] =	ssyncadd.s32 $0xFFFFC400  }
0x96: {  	[tilespmem:s4], [sflag:$0x5] =	stream.indirect.gather [hbm4b:s3+s5], $0x80, s16, s5, $0xb8;
	[tilespmem:$0x12B80] =	vst v63  }
0x97: {  	_ =	swait.ge [sflag:s9], $0x3C00  }
0x98: {  	[sflag:s9] =	ssyncset.done $0x0  }
0x99: {  	s0 =	rddreg [dreg:$0xd];
	[sflag:s9] =	ssyncadd.s32 $0xFFFFC400  }
0x9a: {  	[hbm4b:s0+s2] =	stream.linear.scatter [tilespmem:s4], [sflag:$0x9], $0x3C00, $0x38;
	[tilespmem:$0x12B80] =	vst v63  }
0x9b: {  	_ =	swait.ge [sflag:s11], $0x3C00  }
0x9c: {  	[sflag:s11] =	ssyncset.done $0x0  }
0x9d: {  	[sflag:s11] =	ssyncadd.s32 $0xFFFFC400  }
0x9e: {  	_ =	swait.ge [sflag:s14], $0x3C00  }
0x9f: {  	[sflag:s14] =	ssyncset.done $0x0  }
0xa0: {  	[sflag:s14] =	ssyncadd.s32 $0xFFFFC400  }
0xa1: {  	_ =	swait.ge [sflag:s12], $0x3C00  }
0xa2: {  	[sflag:s12] =	ssyncset.done $0x0  }
0xa3: {  	[sflag:s12] =	ssyncadd.s32 $0xFFFFC400  }
0xa4: {  	_ =	swait.ge [sflag:s10], $0x3C00  }
0xa5: {  	[sflag:s10] =	ssyncset.done $0x0  }
0xa6: {  	p1 =	sne.s32 s1, $0x1;
	[sflag:s10] =	ssyncadd.s32 $0xFFFFC400  }
.Ltmp2:
0xa7: {  	_ =	swait.ge [sflag:s7], $0x1C00;
	(pc) =	sbr.rel @p1 .LBB2_2-.Ltmp2, $4  }
0xa8: {  	[sflag:s7] =	ssyncset.done $0x0  }
0xa9: {  	[sflag:s7] =	ssyncadd.s32 $0xFFFFE400  }
0xaa: {  	_ =	swait.ge [sflag:s6], $0x1C00  }
0xab: {  	s1 =	sadd.s32 $0xFFFFFFFF, s1;
	s0 =	rddreg [dreg:$0x4];
	[sflag:s6] =	ssyncset.done $0x0  }
.LBB2_3:
0xac: {  	[sflag:s6] =	ssyncadd.s32 @p0 $0xFFFFE400  }
0xad: {  	[tilespmem:s2], [sflag:$0xD] =	stream.linear.gather [hbm4b:s0+s2], $0x38, $0x38;
	[tilespmem:$0x12B80] =	vst v63  }
0xae: {  	_ =	swait.ge [sflag:s25], $0x38  }
0xaf: {  	[sflag:s25] =	ssyncset.done $0x0  }
0xb0: {  	s1 =	rddreg [dreg:$0x5];
	[sflag:s25] =	ssyncadd.s32 $0xFFFFFFC8  }
0xb1: {  	[tilespmem:s23], [sflag:$0xD] =	stream.linear.gather [hbm4b:s1+s2], $0x38, $0x38;
	[tilespmem:$0x12B80] =	vst v63  }
0xb2: {  	_ =	swait.ge [sflag:s25], $0x38  }
0xb3: {  	[sflag:s25] =	ssyncset.done $0x0  }
0xb4: {  	s1 =	rddreg [dreg:$0x6];
	[sflag:s25] =	ssyncadd.s32 $0xFFFFFFC8  }
0xb5: {  	[tilespmem:s24], [sflag:$0xD] =	stream.linear.gather [hbm4b:s1+s2], $0x258, $0x38;
	[tilespmem:$0x12B80] =	vst v63  }
0xb6: {  	_ =	swait.ge [sflag:s25], $0x258  }
0xb7: {  	[sflag:s25] =	ssyncset.done $0x0  }
0xb8: {  	[sflag:s25] =	ssyncadd.s32 $0xFFFFFDA8  }
0xb9: {  	[tilespmem:s13], [sflag:$0x1] =	stream.indirect.gather [hbm4b:s3+s28], $0x80, s2, s28, $0xb8;
	[tilespmem:$0x12B80] =	vst v63  }
0xba: {  	_ = 	snop  }
0xbb: {  	[tilespmem:s8], [sflag:$0x2] =	stream.indirect.gather [hbm4b:s3+s28], $0x80, s23, s28, $0xb8;
	[tilespmem:$0x12B80] =	vst v63  }
0xbc: {  	_ = 	snop  }
0xbd: {  	[tilespmem:s4], [sflag:$0x5] =	stream.indirect.gather [hbm4b:s3+s5], $0x80, s24, s5, $0xb8;
	[tilespmem:$0x12B80] =	vst v63  }
0xbe: {  	_ = 	snop  }
0xbf: {  	[tilespmem:s21], [sflag:$0x6] =	stream.indirect.gather [hbm4b:s3+s5], $0x80, s29, s5, $0xb8;
	[tilespmem:$0x12B80] =	vst v63  }
0xc0: {  	_ = 	snop  }
0xc1: {  	[tilespmem:s19], [sflag:$0x7] =	stream.indirect.gather [hbm4b:s3+s5], $0x80, s30, s5, $0xb8;
	[tilespmem:$0x12B80] =	vst v63  }
0xc2: {  	_ = 	snop  }
0xc3: {  	[tilespmem:s17], [sflag:$0x8] =	stream.indirect.gather [hbm4b:s3+s5], $0x80, s31, s5, $0xb8;
	[tilespmem:$0x12B80] =	vst v63  }
0xc4: {  	_ =	swait.ge [sflag:s9], $0x3C00  }
0xc5: {  	[sflag:s9] =	ssyncset.done $0x0  }
0xc6: {  	s23 =	rddreg [dreg:$0x7];
	[sflag:s9] =	ssyncadd.s32 $0xFFFFC400  }
0xc7: {  	[hbm4b:s23+s2] =	stream.linear.scatter [tilespmem:s4], [sflag:$0x9], $0x3C00, $0x38;
	[tilespmem:$0x12B80] =	vst v63  }
0xc8: {  	_ =	swait.ge [sflag:s26], $0x3C00  }
0xc9: {  	[sflag:s26] =	ssyncset.done $0x0  }
0xca: {  	s24 =	rddreg [dreg:$0x8];
	[sflag:s26] =	ssyncadd.s32 $0xFFFFC400  }
0xcb: {  	[hbm4b:s24+s2] =	stream.linear.scatter [tilespmem:s21], [sflag:$0xA], $0x3C00, $0x38;
	[tilespmem:$0x12B80] =	vst v63  }
0xcc: {  	_ =	swait.ge [sflag:s22], $0x3C00  }
0xcd: {  	[sflag:s22] =	ssyncset.done $0x0  }
0xce: {  	s25 =	rddreg [dreg:$0x9];
	[sflag:s22] =	ssyncadd.s32 $0xFFFFC400  }
0xcf: {  	[hbm4b:s25+s2] =	stream.linear.scatter [tilespmem:s19], [sflag:$0xB], $0x3C00, $0x38;
	[tilespmem:$0x12B80] =	vst v63  }
0xd0: {  	_ =	swait.ge [sflag:s20], $0x3C00  }
0xd1: {  	[sflag:s20] =	ssyncset.done $0x0  }
0xd2: {  	s26 =	rddreg [dreg:$0xa];
	[sflag:s20] =	ssyncadd.s32 $0xFFFFC400  }
0xd3: {  	[hbm4b:s26+s2] =	stream.linear.scatter [tilespmem:s17], [sflag:$0xC], $0x3C00, $0x38;
	[tilespmem:$0x12B80] =	vst v63  }
0xd4: {  	_ =	swait.ge [sflag:s18], $0x1C00  }
0xd5: {  	[sflag:s18] =	ssyncset.done $0x0  }
0xd6: {  	s28 =	rddreg [dreg:$0xb];
	[sflag:s18] =	ssyncadd.s32 $0xFFFFE400  }
0xd7: {  	[hbm4b:s28+s2] =	stream.linear.scatter [tilespmem:s13], [sflag:$0x3], $0x1C00, $0x38;
	[tilespmem:$0x12B80] =	vst v63  }
0xd8: {  	_ =	swait.ge [sflag:s15], $0x1C00  }
0xd9: {  	[sflag:s15] =	ssyncset.done $0x0  }
0xda: {  	s29 =	rddreg [dreg:$0xc];
	[sflag:s15] =	ssyncadd.s32 $0xFFFFE400  }
0xdb: {  	[hbm4b:s29+s2] =	stream.linear.scatter [tilespmem:s8], [sflag:$0x4], $0x1C00, $0x38;
	[tilespmem:$0x12B80] =	vst v63  }
0xdc: {  	_ =	swait.ge [sflag:s11], $0x3C00  }
0xdd: {  	[sflag:s11] =	ssyncset.done $0x0  }
0xde: {  	[sflag:s11] =	ssyncadd.s32 $0xFFFFC400  }
0xdf: {  	[tilespmem:s4], [sflag:$0x5] =	stream.indirect.gather [hbm4b:s3+s5], $0x80, s16, s5, $0xb8;
	[tilespmem:$0x12B80] =	vst v63  }
0xe0: {  	_ =	swait.ge [sflag:s9], $0x3C00  }
0xe1: {  	[sflag:s9] =	ssyncset.done $0x0  }
0xe2: {  	s30 =	rddreg [dreg:$0xd];
	[sflag:s9] =	ssyncadd.s32 $0xFFFFC400  }
0xe3: {  	[hbm4b:s30+s2] =	stream.linear.scatter [tilespmem:s4], [sflag:$0x9], $0x3C00, $0x38;
	[tilespmem:$0x12B80] =	vst v63  }
0xe4: {  	_ =	swait.ge [sflag:s11], $0x3C00  }
0xe5: {  	[sflag:s11] =	ssyncset.done $0x0  }
0xe6: {  	[sflag:s11] =	ssyncadd.s32 $0xFFFFC400  }
0xe7: {  	_ =	swait.ge [sflag:s14], $0x3C00  }
0xe8: {  	[sflag:s14] =	ssyncset.done $0x0  }
0xe9: {  	[sflag:s14] =	ssyncadd.s32 $0xFFFFC400  }
0xea: {  	_ =	swait.ge [sflag:s12], $0x3C00  }
0xeb: {  	[sflag:s12] =	ssyncset.done $0x0  }
0xec: {  	[sflag:s12] =	ssyncadd.s32 $0xFFFFC400  }
0xed: {  	_ =	swait.ge [sflag:s10], $0x3C00  }
0xee: {  	[sflag:s10] =	ssyncset.done $0x0  }
0xef: {  	[sflag:s10] =	ssyncadd.s32 $0xFFFFC400  }
0xf0: {  	_ =	swait.ge [sflag:s7], $0x1C00  }
0xf1: {  	[sflag:s7] =	ssyncset.done $0x0  }
0xf2: {  	[sflag:s7] =	ssyncadd.s32 $0xFFFFE400  }
0xf3: {  	_ =	swait.ge [sflag:s6], $0x1C00  }
0xf4: {  	[sflag:s6] =	ssyncset.done $0x0  }
0xf5: {  	[sflag:s6] =	ssyncadd.s32 $0xFFFFE400  }
0xf6: {  	_ =	sfence.sel $0x180000  }
0xf7: {  	[bflag:$0x0] =	sbarrier.arrive $0xFFFF  }
0xf8: {  	_ =	strace $0x9000004D  }
0xf9: {  	s31 =	stileid.u32;
	[bflag:$0x2] =	sbarrier.arrive $0xFFFF  }
0xfa: {  	p0 =	sne.s32 s31, $0x0;
	s0 =	rddreg [dreg:$0x3]  }
0xfb: {  	s0 =	sadd.s32 @!p0 $0x100000, s0  }
0xfc: {  	[sflag:s0] =	ssyncadd.tile.s32 @!p0 $0x1;
	_ =	shalt  }
.Lfunc_end2:
_tile_overlayer_lowered:
.L_overlay_start_2:
0xfd: {  	(tag) =	ssettag $0x2  }
0xfe: {  	s0 =	rddreg [dreg:$0x0];
	s2 =	stileid.u32  }
0xff: {  	s1 =	rddreg [dreg:$0x1];
	p0 =	sne.s32 s2, $0x0  }
0x100: {  	s3 =	rddreg [dreg:$0x2];
	[bflag:$0x3] =	sbarrier.arrive $0xFFFF;
	s2 =	simm.s32 @!p0 $0x1C0D  }
0x101: {  	[timem:s3], [sflag:s2] =	dma.local @!p0 [hbm:s0], s1  }
0x102: {  	s0 =	simm.s32 @!p0 $0xD  }
0x103: {  	_ =	swait.ge @!p0 [sflag:s0], s1  }
0x104: {  	s1 =	ssub.s32 @!p0 $0x0, s1;
	[sflag:s0] =	ssyncset.done @!p0 $0x0  }
0x105: {  	[sflag:s0] =	ssyncadd.s32 @!p0 s1  }
0x106: {  	[bflag:$0x3] =	sbarrier.arrive $0xFFFF  }
0x107: {  	_ =	shalt  }

// kernel: kernel.16.cloned.1.call-start
scs
__scs_entry_jumppad:
0x0: {  	(pc) =	sbr.rel $0x88, $3  }
0x1: {  	(tag) =	ssettag $0x0;
	lr =	simm.s32 $0x1  }
0x2: {  	[smem:$0x3F93] =	sst lr;
	_ =	strace $0xD0000000  }
0x3: {  	_ = 	snop  }
0x4: {  	_ = 	snop  }
0x5: {  	_ = 	snop  }
0x6: {  	_ = 	snop  }
0x7: {  	_ = 	snop  }
__scs_overlays_trampoline_lowered:
0x8: {  	[smem:$0x3FA2] =	sst s0  }
0x9: {  	[smem:$0x3FA3] =	sst s1  }
0xa: {  	[smem:$0x3FA4] =	sst s2  }
0xb: {  	[smem:$0x3FA5] =	sst s3  }
0xc: {  	[smem:$0x3FA6] =	sst s4  }
0xd: {  	[smem:$0x3FA7] =	sst s5  }
0xe: {  	[smem:$0x3FA8] =	sst s6  }
0xf: {  	[smem:$0x3FA9] =	sst s7  }
0x10: {  	[smem:$0x3FAA] =	sst s8  }
0x11: {  	[smem:$0x3FAB] =	sst s9;
	s0 =	simm.s32 @!p0 $0x0  }
0x12: {  	s1 =	sld [smem:$0x3F91];
	s0 =	simm.s32 @p0 $0x1  }
0x13: {  	[smem:$0x3FAC] =	sst s0;
	s0 =	simm.s32 @!p1 $0x0  }
0x14: {  	s2 =	sld [smem:$0x3F90];
	s0 =	simm.s32 @p1 $0x1  }
0x15: {  	[smem:$0x3FAD] =	sst s0;
	s0 =	simm.s32 @!p2 $0x0  }
0x16: {  	s3 =	sld [smem:$0x3FDB];
	s0 =	simm.s32 @p2 $0x1  }
0x17: {  	s4 =	simm.s32 $0x1BF5;
	[smem:$0x3FAF] =	sst s0  }
0x18: {  	s0 =	sld [smem:$0x3F92];
	_ =	swait.ge [sflag:s4], $0x0  }
0x19: {  	s7 =	sld [smem:$0x3F93]  }
0x1a: {  	s8 =	sadd.s32 $0xFFFFE003, lr  }
0x1b: {  	s9 =	sadd.s32 $0xFFFFFEF7, lr;
	s5 =	simm.s32 $0xFFFFFFFF;
	p2 =	slt.u32 s8, $0xFFFFF086  }
0x1c: {  	p1 =	slt.u32 s9, $0xF7A;
	s5 =	simm.s32 @!p2 $0x0  }
0x1d: {  	s5 =	simm.s32 @p1 $0x1;
	p0 =	seq.s32 s7, s2  }
0x1e: {  	s7 =	smul.u32 @!p0 $0xF7A, s2;
	p2 =	seq.s32 @!p0 s5, $0x0  }
0x1f: {  	s9 =	smul.u32 $0xF7A, s1;
	s8 =	simm.s32 @!p0 $0x1BF5;
	p2 =	por !p2, p0  }
0x20: {  	[sflag:s8] =	ssyncset.s32 @!p0 $0xFFFFF086;
	s6 =	sadd.s32 @!p0 s3, s7;
	s7 =	simm.s32 @!p0 $0x108  }
0x21: {  	s3 =	sadd.s32 s3, s9;
	s6 =	sadd.s32 @!p0 $0x88, s6;
	s7 =	simm.s32 @p2 $0x1082  }
0x22: {  	[simem:s7], [sflag:s8] =	dma.local @!p0 [hbm:s6], $0xF7A  }
0x23: {  	s9 =	sor.u32 $0xD0000000, s2;
	s6 =	simm.s32 $0x108;
	_ =	swait.ge @!p0 [sflag:s8], $0x0  }
0x24: {  	s3 =	sadd.s32 $0x88, s3;
	s6 =	simm.s32 @!p1 $0x1082;
	[sflag:s4] =	ssyncset.s32 $0xFFFFF086  }
0x25: {  	[simem:s6], [sflag:s4] =	dma.local [hbm:s3], $0xF7A  }
0x26: {  	[smem:$0x3F93] =	sst s1;
	(tag) =	ssettag s2;
	_ =	strace s9  }
0x27: {  	s1 =	sld [smem:$0x3FA3]  }
0x28: {  	s2 =	sld [smem:$0x3FA4]  }
0x29: {  	s4 =	sld [smem:$0x3FA6]  }
0x2a: {  	p0 =	seq.s32 s5, $0x0;
	s5 =	sld [smem:$0x3FA7]  }
0x2b: {  	s6 =	sld [smem:$0x3FA8]  }
0x2c: {  	s7 =	sld [smem:$0x3FA9]  }
0x2d: {  	s3 =	simm.s32 $0x108;
	s8 =	sld [smem:$0x3FAA]  }
0x2e: {  	s3 =	simm.s32 @!p0 $0x1082;
	s9 =	sld [smem:$0x3FAB]  }
0x2f: {  	lr =	sadd.s32 s0, s3;
	s0 =	sld [smem:$0x3FA2]  }
0x30: {  	s3 =	sld [smem:$0x3FA5]  }
0x31: {  	[smem:$0x3FAE] =	sst s10  }
0x32: {  	s10 =	sld [smem:$0x3FAC];
	_ =	sdelay $0x3  }
0x33: {  	p0 =	seq.s32 s10, $0x1;
	s10 =	sld [smem:$0x3FAE];
	_ =	sdelay $0x3  }
0x34: {  	[smem:$0x3FAE] =	sst s10  }
0x35: {  	s10 =	sld [smem:$0x3FAD];
	_ =	sdelay $0x3  }
0x36: {  	p1 =	seq.s32 s10, $0x1;
	s10 =	sld [smem:$0x3FAE];
	_ =	sdelay $0x3  }
0x37: {  	[smem:$0x3FAE] =	sst s10  }
0x38: {  	s10 =	sld [smem:$0x3FAF]  }
0x39: {  	_ = 	snop;
	(pc) =	sbr.ind lr, $3  }
0x3a: {  	_ = 	snop  }
0x3b: {  	_ = 	snop  }
0x3c: {  	p2 =	seq.s32 s10, $0x1;
	s10 =	sld [smem:$0x3FAE]  }
0x3d: {  	_ =	shalt  }
0x3e: {  	_ =	shalt  }
0x3f: {  	_ =	shalt  }
0x40: {  	_ =	shalt  }
0x41: {  	_ =	shalt  }
0x42: {  	_ =	shalt  }
0x43: {  	_ =	shalt  }
0x44: {  	_ =	shalt  }
0x45: {  	_ =	shalt  }
0x46: {  	_ =	shalt  }
0x47: {  	_ =	shalt  }
0x48: {  	_ =	shalt  }
0x49: {  	_ =	shalt  }
0x4a: {  	_ =	shalt  }
0x4b: {  	_ =	shalt  }
0x4c: {  	_ =	shalt  }
0x4d: {  	_ =	shalt  }
0x4e: {  	_ =	shalt  }
0x4f: {  	_ =	shalt  }
0x50: {  	_ =	shalt  }
0x51: {  	_ =	shalt  }
0x52: {  	_ =	shalt  }
0x53: {  	_ =	shalt  }
0x54: {  	_ =	shalt  }
0x55: {  	_ =	shalt  }
0x56: {  	_ =	shalt  }
0x57: {  	_ =	shalt  }
0x58: {  	_ =	shalt  }
0x59: {  	_ =	shalt  }
0x5a: {  	_ =	shalt  }
0x5b: {  	_ =	shalt  }
0x5c: {  	_ =	shalt  }
0x5d: {  	_ =	shalt  }
0x5e: {  	_ =	shalt  }
0x5f: {  	_ =	shalt  }
0x60: {  	_ =	shalt  }
0x61: {  	_ =	shalt  }
0x62: {  	_ =	shalt  }
0x63: {  	_ =	shalt  }
0x64: {  	_ =	shalt  }
0x65: {  	_ =	shalt  }
0x66: {  	_ =	shalt  }
0x67: {  	_ =	shalt  }
0x68: {  	_ =	shalt  }
0x69: {  	_ =	shalt  }
0x6a: {  	_ =	shalt  }
0x6b: {  	_ =	shalt  }
0x6c: {  	_ =	shalt  }
0x6d: {  	_ =	shalt  }
0x6e: {  	_ =	shalt  }
0x6f: {  	_ =	shalt  }
0x70: {  	_ =	shalt  }
0x71: {  	_ =	shalt  }
0x72: {  	_ =	shalt  }
0x73: {  	_ =	shalt  }
0x74: {  	_ =	shalt  }
0x75: {  	_ =	shalt  }
0x76: {  	_ =	shalt  }
0x77: {  	_ =	shalt  }
0x78: {  	_ =	shalt  }
0x79: {  	_ =	shalt  }
0x7a: {  	_ =	shalt  }
0x7b: {  	_ =	shalt  }
0x7c: {  	_ =	shalt  }
0x7d: {  	_ =	shalt  }
0x7e: {  	_ =	shalt  }
0x7f: {  	_ =	shalt  }
0x80: {  	_ =	shalt  }
0x81: {  	_ =	shalt  }
0x82: {  	_ =	shalt  }
0x83: {  	_ =	shalt  }
0x84: {  	_ =	shalt  }
0x85: {  	_ =	shalt  }
0x86: {  	_ =	shalt  }
0x87: {  	_ =	shalt  }
.Lfunc_end0:
.L_simem_size_0:
called_computation.3_lowered:
.L_overlay_start_0:
0x88: {  	s2 =	sld [smem:$0x3FD9]  }
0x89: {  	s3 =	sld [smem:$0x3FFE];
	_ =	sdelay $0x1  }
0x8a: {  	s1 =	srdreg.scid  }
0x8b: {  	s0 =	sand.u32 $0x1, s1  }
0x8c: {  	s17 =	sshll.u32 s0, $0xA;
	s2 =	sadd.s32 s3, s2  }
0x8d: {  	s2 =	sadd.s32 s2, s17  }
0x8e: {  	[smem:$0x3FBA] =	sst s2  }
0x8f: {  	_ = 	snop  }
0x90: {  	s18 =	sld [smem:$0x3FC3];
	(tm) =	ssettm $0x1  }
0x91: {  	s19 =	sld [smem:$0x3FFB];
	_ =	sdelay $0x3  }
0x92: {  	_ =	strace s19  }
0x93: {  	s2 =	sld [smem:$0x3FFC];
	_ =	sdelay $0x3  }
0x94: {  	_ =	strace s2  }
0x95: {  	s2 =	sld [smem:$0x3FFD];
	_ =	sdelay $0x3  }
0x96: {  	_ =	strace s2  }
0x97: {  	_ =	strace $0x8FFFFFFF  }
0x98: {  	s20 =	sld [smem:$0x3FDB];
	_ =	sdelay $0x1  }
0x99: {  	s4 =	simm.s32 $_scs_section_size  }
0x9a: {  	s5 =	simm.s32 $_size__tile_overlayer_lowered;
	s6 =	simm.s32 $_tile_overlayer_lowered  }
0x9b: {  	s7 =	simm.s32 $0x1BFF;
	s21 =	sshll.u32 s6, $0x1;
	s4 =	sadd.s32 s4, s20  }
0x9c: {  	s22 =	simm.s32 $0x0;
	s5 =	sshll.u32 s5, $0x1;
	s6 =	sadd.s32 s21, s4  }
0x9d: {  	[timem:s22], [sflag:s7] =	dma.local [hbm:s6], s5  }
0x9e: {  	_ =	swait.ge [sflag:s7], s5  }
0x9f: {  	s5 =	ssub.s32 $0x0, s5;
	[sflag:s7] =	ssyncset.done $0x0  }
0xa0: {  	[sflag:s7] =	ssyncadd.s32 s5;
	_ =	sdelay $0x1  }
0xa1: {  	s23 =	simm.s32 $0x1B8B  }
0xa2: {  	_ =	swait.ge [sflag:s23], $0x1  }
0xa3: {  	[sflag:s23] =	ssyncset.done $0x0  }
0xa4: {  	[sflag:s23] =	ssyncadd.s32 $0xFFFFFFFF  }
0xa5: {  	s5 =	sld [smem:$0x0]  }
0xa6: {  	s6 =	sand.u32 $0xFFFFFFFE, s1  }
0xa7: {  	p0 =	sne.s32 s1, s6  }
0xa8: {  	s6 =	sshll.u32 @p0 s6, $0xE  }
0xa9: {  	s6 =	sadd.s32 @p0 $0x11B8D, s6;
	s7 =	sshll.u32 @p0 s5, $0x11  }
0xaa: {  	s6 =	sor.u32 @p0 s7, s6  }
0xab: {  	[sflag:s6] =	ssyncadd.remote.s32 @p0 $0x1;
	_ =	sdelay $0x1  }
0xac: {  	s6 =	simm.s32 @p0 $0x1B8D  }
0xad: {  	_ =	swait.eq @p0 [sflag:s6], $0x1  }
0xae: {  	[sflag:s6] =	ssyncadd.s32 @p0 $0xFFFFFFFF  }
0xaf: {  	s7 =	sshll.u32 @!p0 s1, $0xE  }
0xb0: {  	s7 =	sor.u32 @!p0 $0x4000, s7;
	s6 =	simm.s32 @!p0 $0x1B8D  }
0xb1: {  	s5 =	sshll.u32 @!p0 s5, $0x11;
	s7 =	sadd.s32 @!p0 $0x11B8D, s7;
	_ =	swait.eq @!p0 [sflag:s6], $0x1  }
0xb2: {  	s5 =	sor.u32 @!p0 s5, s7;
	[sflag:s6] =	ssyncadd.s32 @!p0 $0xFFFFFFFF  }
0xb3: {  	s25 =	simm.s32 $0x1B8E;
	s24 =	sld [smem:$0x3FFE];
	[sflag:s5] =	ssyncadd.remote.s32 @!p0 $0x1  }
0xb4: {  	s26 =	simm.s32 $execute0_lowered;
	[smem:$0x3FD2] =	sst s25  }
0xb5: {  	s6 =	sshll.u32 s26, $0x1;
	_ =	strace $0x8000004F;
	[dreg:$0x1] =	wrdreg $0xFFFFFFFF  }
0xb6: {  	s28 =	simm.s32 $_size_execute0_lowered;
	s4 =	sadd.s32 s4, s6;
	[dreg:$0x0] =	wrdreg $0x0  }
0xb7: {  	s6 =	sshll.u32 s28, $0x1;
	[dreg:$0x2] =	wrdreg s4  }
0xb8: {  	[dreg:$0x3] =	wrdreg s6  }
0xb9: {  	[dreg:$0x4] =	wrdreg $0xC0  }
0xba: {  	_ =	task [dreg:s22], $0x5FFFF  }
0xbb: {  	[dreg:$0x1] =	wrdreg $0xFFFFFFFF  }
0xbc: {  	[dreg:$0x0] =	wrdreg $0x60  }
0xbd: {  	[dreg:$0x2] =	wrdreg s24  }
0xbe: {  	[dreg:$0x3] =	wrdreg s18  }
0xbf: {  	[dreg:$0x4] =	wrdreg $0xA  }
0xc0: {  	_ =	task.clear_ibuf [dreg:s22], $0x5FFFF;
	_ =	strace $0x9000004F  }
0xc1: {  	s29 =	simm.s32 $0xA;
	_ =	strace $0x80000051  }
0xc2: {  	_ =	swait.ge [sflag:s29], $0x1  }
0xc3: {  	[sflag:s29] =	ssyncadd.s32 $0xFFFFFFFF  }
0xc4: {  	_ =	strace $0x90000051  }
0xc5: {  	_ =	sfence  }
0xc6: {  	s30 =	sld [smem:$0x0];
	_ =	sdelay $0x2  }
0xc7: {  	s31 =	sshll.u32 s1, $0xD;
	s1 =	sshrl.u32 s1, $0x2  }
0xc8: {  	s4 =	sand.u32 $0x4000, s31;
	s1 =	sadd.s32 s1, s30  }
0xc9: {  	s0 =	sor.u32 s4, s0;
	s1 =	sshll.u32 s1, $0x11  }
0xca: {  	s0 =	sor.u32 s1, s0  }
0xcb: {  	s0 =	sadd.s32 $0x8F2B, s0  }
0xcc: {  	[sflag:s0] =	ssyncadd.remote.s32 $0x1  }
0xcd: {  	_ =	sfence.sel $0xFFFF  }
0xce: {  	[dreg:$0x0] =	wrdreg $0xFFFFFFFF;
	(pc) =	sbr.abs _section_cstart, $3  }
0xcf: {  	[dreg:$0x1] =	wrdreg $0xFFFFFFFF  }
0xd0: {  	_ =	task.clear_ibuf [dreg:s22], $0x2FFFF;
	_ =	strace $0x9FFFFFFF  }
0xd1: {  	(tm) =	ssettm $0x7FFFFFFF  }
tec
execute0_lowered:
.L_overlay_start_1:
0x0: {  	(tag) =	ssettag $0x1  }
0x1: {  	s0 =	srdreg.scid  }
0x2: {  	s7 =	stileid.u32;
	s1 =	rddreg [dreg:$0x0]  }
0x3: {  	s2 =	rddreg [dreg:$0x1];
	s14 =	simm.s32 $0x9;
	s15 =	simm.s32 $0x78  }
0x4: {  	s16 =	simm.s32 $0x1C80;
	s17 =	simm.s32 $0x5880;
	s19 =	simm.s32 $0x9480  }
0x5: {  	s28 =	simm.s32 $0x6;
	s29 =	simm.s32 $0x7;
	s30 =	simm.s32 $0x8  }
0x6: {  	s0 =	sand.u32 $0x1, s0;
	s3 =	sshll.u32 s7, $0x1;
	s8 =	smul.u32 $0x1C2000, s7  }
0x7: {  	s4 =	sor.u32 s0, s3;
	s6 =	ssub.s32 $0x2, s0;
	s0 =	smul.u32 $0xE1000, s0  }
0x8: {  	s31 =	simm.s32 $0x0;
	s3 =	simm.s32 $0x0;
	s5 =	smul.u32 $0x384, s4  }
0x9: {  	[smem:$0x7FF] =	sst s3;
	s4 =	smul.u32 $0xE1000, s4;
	s20 =	sshrl.u32 s6, $0x1  }
0xa: {  	_ =	strace $0x80000050;
	s9 =	ssub.s32 s6, s20;
	s0 =	sadd.s32 s0, s8  }
0xb: {  	s5 =	sadd.s32 s5, s1;
	s1 =	sadd.s32 $0xC2400, s1;
	s4 =	sshrl.u32 s4, $0x3  }
0xc: {  	s9 =	smax.u32 s9, $0x1;
	s23 =	sadd.s32 $0xB400, s0;
	s24 =	sadd.s32 $0x7800, s0  }
0xd: {  	s11 =	sadd.s32 $0x3C00, s0;
	s0 =	sshrl.u32 s0, $0x3;
	s4 =	sadd.s32 s1, s4  }
0xe: {  	s5 =	sadd.s32 $0xB600, s5;
	s25 =	sshrl.u32 s24, $0x3;
	s26 =	sshrl.u32 s11, $0x3  }
0xf: {  	s13 =	sadd.s32 s0, s1;
	s24 =	simm.s32 $0x3;
	[dreg:$0x3] =	wrdreg s5  }
0x10: {  	s21 =	sadd.s32 $0x1A400, s4;
	s22 =	sadd.s32 $0x1AB80, s4;
	s7 =	sadd.s32 $0x1B300, s4  }
0x11: {  	s8 =	sadd.s32 $0x1BA80, s4;
	s4 =	sshrl.u32 s23, $0x3;
	s11 =	sadd.s32 s25, s1  }
0x12: {  	s12 =	sadd.s32 s26, s1;
	s23 =	simm.s32 $0x2;
	[dreg:$0x4] =	wrdreg s21  }
0x13: {  	s25 =	simm.s32 $0x4;
	s26 =	simm.s32 $0x5;
	[dreg:$0x5] =	wrdreg s22  }
0x14: {  	s10 =	sadd.s32 s4, s1;
	s21 =	simm.s32 $0xD080;
	s22 =	simm.s32 $0x1  }
.LBB2_1:
0x15: {  	s0 =	rddreg [dreg:$0x3]  }
0x16: {  	[tilespmem:s3], [sflag:$0x9] =	stream.linear.gather [hbm4b:s0+s3], $0x1C20, $0x38;
	[tilespmem:$0x10C80] =	vst v63  }
0x17: {  	_ =	swait.ge [sflag:s14], $0x1C20  }
0x18: {  	[sflag:s14] =	ssyncset.done $0x0  }
0x19: {  	[sflag:s14] =	ssyncadd.s32 $0xFFFFE3E0  }
0x1a: {  	[tilespmem:s16], [sflag:$0x1] =	stream.indirect.gather [hbm4b:s2+s15], $0x80, s3, s15, $0xb8;
	[tilespmem:$0x10C80] =	vst v63  }
0x1b: {  	_ = 	snop  }
0x1c: {  	[tilespmem:s17], [sflag:$0x2] =	stream.indirect.gather [hbm4b:s2+s15], $0x80, s15, s15, $0xb8;
	[tilespmem:$0x10C80] =	vst v63  }
0x1d: {  	s4 =	simm.s32 $0xF0  }
0x1e: {  	[tilespmem:s19], [sflag:$0x3] =	stream.indirect.gather [hbm4b:s2+s15], $0x80, s4, s15, $0xb8;
	[tilespmem:$0x10C80] =	vst v63  }
0x1f: {  	s5 =	simm.s32 $0x168  }
0x20: {  	[tilespmem:s21], [sflag:$0x4] =	stream.indirect.gather [hbm4b:s2+s15], $0x80, s5, s15, $0xb8;
	[tilespmem:$0x10C80] =	vst v63  }
0x21: {  	_ =	swait.ge [sflag:s22], $0x3C00  }
0x22: {  	[sflag:s22] =	ssyncset.done $0x0  }
0x23: {  	[sflag:s22] =	ssyncadd.s32 $0xFFFFC400  }
0x24: {  	[hbm4b:s13+s3] =	stream.linear.scatter [tilespmem:s16], [sflag:$0x5], $0x3C00, $0x38;
	[tilespmem:$0x10C80] =	vst v63  }
0x25: {  	_ =	swait.ge [sflag:s23], $0x3C00  }
0x26: {  	[sflag:s23] =	ssyncset.done $0x0  }
0x27: {  	[sflag:s23] =	ssyncadd.s32 $0xFFFFC400  }
0x28: {  	[hbm4b:s12+s3] =	stream.linear.scatter [tilespmem:s17], [sflag:$0x6], $0x3C00, $0x38;
	[tilespmem:$0x10C80] =	vst v63  }
0x29: {  	_ =	swait.ge [sflag:s24], $0x3C00  }
0x2a: {  	[sflag:s24] =	ssyncset.done $0x0  }
0x2b: {  	[sflag:s24] =	ssyncadd.s32 $0xFFFFC400  }
0x2c: {  	[hbm4b:s11+s3] =	stream.linear.scatter [tilespmem:s19], [sflag:$0x7], $0x3C00, $0x38;
	[tilespmem:$0x10C80] =	vst v63  }
0x2d: {  	_ =	swait.ge [sflag:s25], $0x3C00  }
0x2e: {  	[sflag:s25] =	ssyncset.done $0x0  }
0x2f: {  	[sflag:s25] =	ssyncadd.s32 $0xFFFFC400  }
0x30: {  	[hbm4b:s10+s3] =	stream.linear.scatter [tilespmem:s21], [sflag:$0x8], $0x3C00, $0x38;
	[tilespmem:$0x10C80] =	vst v63  }
0x31: {  	_ =	swait.ge [sflag:s26], $0x3C00  }
0x32: {  	[sflag:s26] =	ssyncset.done $0x0  }
0x33: {  	s6 =	simm.s32 $0x1E0;
	[sflag:s26] =	ssyncadd.s32 $0xFFFFC400  }
0x34: {  	[tilespmem:s16], [sflag:$0x1] =	stream.indirect.gather [hbm4b:s2+s15], $0x80, s6, s15, $0xb8;
	[tilespmem:$0x10C80] =	vst v63  }
0x35: {  	_ =	swait.ge [sflag:s28], $0x3C00  }
0x36: {  	[sflag:s28] =	ssyncset.done $0x0  }
0x37: {  	s18 =	simm.s32 $0x258;
	[sflag:s28] =	ssyncadd.s32 $0xFFFFC400  }
0x38: {  	[tilespmem:s17], [sflag:$0x2] =	stream.indirect.gather [hbm4b:s2+s15], $0x80, s18, s15, $0xb8;
	[tilespmem:$0x10C80] =	vst v63  }
0x39: {  	_ =	swait.ge [sflag:s29], $0x3C00  }
0x3a: {  	[sflag:s29] =	ssyncset.done $0x0  }
0x3b: {  	s20 =	simm.s32 $0x2D0;
	[sflag:s29] =	ssyncadd.s32 $0xFFFFC400  }
0x3c: {  	[tilespmem:s19], [sflag:$0x3] =	stream.indirect.gather [hbm4b:s2+s15], $0x80, s20, s15, $0xb8;
	[tilespmem:$0x10C80] =	vst v63  }
0x3d: {  	s1 =	simm.s32 $0x780;
	s0 =	sadd.s32 $0x1E00, s13;
	_ =	swait.ge [sflag:s30], $0x3C00  }
0x3e: {  	s4 =	sadd.s32 $0x1E00, s10;
	s5 =	simm.s32 $0x348;
	[sflag:s30] =	ssyncset.done $0x0  }
0x3f: {  	s18 =	sadd.s32 $0x1E00, s11;
	s20 =	sadd.s32 $0x1E00, s12;
	[sflag:s30] =	ssyncadd.s32 $0xFFFFC400  }
.LBB2_2:
0x40: {  	[tilespmem:s21], [sflag:$0x4] =	stream.indirect.gather [hbm4b:s2+s15], $0x80, s5, s15, $0xb8;
	[tilespmem:$0x10C80] =	vst v63  }
0x41: {  	s5 =	smov.u32 s1  }
0x42: {  	p0 =	sne.s32 s1, $0x6180;
	s1 =	sadd.s32 $0x780, s1;
	_ =	swait.ge [sflag:s22], $0x3C00  }
0x43: {  	[sflag:s22] =	ssyncset.done $0x0  }
0x44: {  	[sflag:s22] =	ssyncadd.s32 $0xFFFFC400  }
0x45: {  	[hbm4b:s0+s3] =	stream.linear.scatter [tilespmem:s16], [sflag:$0x5], $0x3C00, $0x38;
	[tilespmem:$0x10C80] =	vst v63  }
0x46: {  	_ =	swait.ge [sflag:s23], $0x3C00  }
0x47: {  	[sflag:s23] =	ssyncset.done $0x0  }
0x48: {  	[sflag:s23] =	ssyncadd.s32 $0xFFFFC400  }
0x49: {  	[hbm4b:s20+s3] =	stream.linear.scatter [tilespmem:s17], [sflag:$0x6], $0x3C00, $0x38;
	[tilespmem:$0x10C80] =	vst v63  }
0x4a: {  	_ =	swait.ge [sflag:s24], $0x3C00  }
0x4b: {  	[sflag:s24] =	ssyncset.done $0x0  }
0x4c: {  	[sflag:s24] =	ssyncadd.s32 $0xFFFFC400  }
0x4d: {  	[hbm4b:s18+s3] =	stream.linear.scatter [tilespmem:s19], [sflag:$0x7], $0x3C00, $0x38;
	[tilespmem:$0x10C80] =	vst v63  }
0x4e: {  	_ =	swait.ge [sflag:s25], $0x3C00  }
0x4f: {  	[sflag:s25] =	ssyncset.done $0x0  }
0x50: {  	[sflag:s25] =	ssyncadd.s32 $0xFFFFC400  }
0x51: {  	[hbm4b:s4+s3] =	stream.linear.scatter [tilespmem:s21], [sflag:$0x8], $0x3C00, $0x38;
	[tilespmem:$0x10C80] =	vst v63  }
0x52: {  	_ =	swait.ge [sflag:s26], $0x3C00  }
0x53: {  	s5 =	sshra.s32 s5, $0x2;
	[sflag:s26] =	ssyncset.done $0x0  }
0x54: {  	s6 =	sadd.s32 $0x1E0, s5;
	[sflag:s26] =	ssyncadd.s32 $0xFFFFC400  }
0x55: {  	[tilespmem:s16], [sflag:$0x1] =	stream.indirect.gather [hbm4b:s2+s15], $0x80, s6, s15, $0xb8;
	[tilespmem:$0x10C80] =	vst v63  }
0x56: {  	_ =	swait.ge [sflag:s28], $0x3C00  }
0x57: {  	[sflag:s28] =	ssyncset.done $0x0  }
0x58: {  	s6 =	sadd.s32 $0x258, s5;
	[sflag:s28] =	ssyncadd.s32 $0xFFFFC400  }
0x59: {  	[tilespmem:s17], [sflag:$0x2] =	stream.indirect.gather [hbm4b:s2+s15], $0x80, s6, s15, $0xb8;
	[tilespmem:$0x10C80] =	vst v63  }
0x5a: {  	_ =	swait.ge [sflag:s29], $0x3C00  }
0x5b: {  	[sflag:s29] =	ssyncset.done $0x0  }
.Ltmp0:
0x5c: {  	s6 =	sadd.s32 $0x2D0, s5;
	[sflag:s29] =	ssyncadd.s32 $0xFFFFC400;
	(pc) =	sbr.rel @p0 .LBB2_2-.Ltmp0, $4  }
0x5d: {  	[tilespmem:s19], [sflag:$0x3] =	stream.indirect.gather [hbm4b:s2+s15], $0x80, s6, s15, $0xb8;
	[tilespmem:$0x10C80] =	vst v63  }
0x5e: {  	s0 =	sadd.s32 $0x1E00, s0;
	_ =	swait.ge [sflag:s30], $0x3C00  }
0x5f: {  	s20 =	sadd.s32 $0x1E00, s20;
	s18 =	sadd.s32 $0x1E00, s18;
	[sflag:s30] =	ssyncset.done $0x0  }
0x60: {  	s4 =	sadd.s32 $0x1E00, s4;
	s5 =	sadd.s32 $0x348, s5;
	[sflag:s30] =	ssyncadd.s32 $0xFFFFC400  }
0x61: {  	[tilespmem:s21], [sflag:$0x4] =	stream.indirect.gather [hbm4b:s2+s15], $0x80, s5, s15, $0xb8;
	[tilespmem:$0x10C80] =	vst v63  }
0x62: {  	_ =	swait.ge [sflag:s22], $0x3C00  }
0x63: {  	[sflag:s22] =	ssyncset.done $0x0  }
0x64: {  	s0 =	rddreg [dreg:$0x4];
	[sflag:s22] =	ssyncadd.s32 $0xFFFFC400  }
0x65: {  	[hbm4b:s0+s3] =	stream.linear.scatter [tilespmem:s16], [sflag:$0x5], $0x3C00, $0x38;
	[tilespmem:$0x10C80] =	vst v63  }
0x66: {  	_ =	swait.ge [sflag:s23], $0x3C00  }
0x67: {  	[sflag:s23] =	ssyncset.done $0x0  }
0x68: {  	s20 =	rddreg [dreg:$0x5];
	[sflag:s23] =	ssyncadd.s32 $0xFFFFC400  }
0x69: {  	[hbm4b:s20+s3] =	stream.linear.scatter [tilespmem:s17], [sflag:$0x6], $0x3C00, $0x38;
	[tilespmem:$0x10C80] =	vst v63  }
0x6a: {  	_ =	swait.ge [sflag:s24], $0x3C00  }
0x6b: {  	[sflag:s24] =	ssyncset.done $0x0  }
0x6c: {  	[sflag:s24] =	ssyncadd.s32 $0xFFFFC400  }
0x6d: {  	[hbm4b:s7+s3] =	stream.linear.scatter [tilespmem:s19], [sflag:$0x7], $0x3C00, $0x38;
	[tilespmem:$0x10C80] =	vst v63  }
0x6e: {  	_ =	swait.ge [sflag:s25], $0x3C00  }
0x6f: {  	[sflag:s25] =	ssyncset.done $0x0  }
0x70: {  	[sflag:s25] =	ssyncadd.s32 $0xFFFFC400  }
0x71: {  	[hbm4b:s8+s3] =	stream.linear.scatter [tilespmem:s21], [sflag:$0x8], $0x3C00, $0x38;
	[tilespmem:$0x10C80] =	vst v63  }
0x72: {  	_ =	swait.ge [sflag:s26], $0x3C00  }
0x73: {  	[sflag:s26] =	ssyncset.done $0x0  }
0x74: {  	[sflag:s26] =	ssyncadd.s32 $0xFFFFC400  }
0x75: {  	_ =	swait.ge [sflag:s28], $0x3C00  }
0x76: {  	[sflag:s28] =	ssyncset.done $0x0  }
0x77: {  	s31 =	sadd.s32 $0x1, s31;
	[sflag:s28] =	ssyncadd.s32 $0xFFFFC400  }
0x78: {  	p0 =	sne.s32 s31, s9;
	_ =	swait.ge [sflag:s29], $0x3C00  }
.Ltmp1:
0x79: {  	[sflag:s29] =	ssyncset.done $0x0;
	(pc) =	sbr.rel @p0 .LBB2_1-.Ltmp1, $4  }
0x7a: {  	[sflag:s29] =	ssyncadd.s32 $0xFFFFC400  }
0x7b: {  	_ =	swait.ge [sflag:s30], $0x3C00  }
0x7c: {  	[sflag:s30] =	ssyncset.done $0x0  }
0x7d: {  	[sflag:s30] =	ssyncadd.s32 $0xFFFFC400  }
0x7e: {  	_ =	sfence.sel $0x180000  }
0x7f: {  	[bflag:$0x0] =	sbarrier.arrive $0xFFFF  }
0x80: {  	_ =	strace $0x90000050  }
0x81: {  	s0 =	stileid.u32;
	[bflag:$0x2] =	sbarrier.arrive $0xFFFF  }
0x82: {  	p0 =	sne.s32 s0, $0x0;
	s0 =	rddreg [dreg:$0x2]  }
0x83: {  	s0 =	sadd.s32 @!p0 $0x100000, s0  }
0x84: {  	[sflag:s0] =	ssyncadd.tile.s32 @!p0 $0x1;
	_ =	shalt  }
.Lfunc_end2:
_tile_overlayer_lowered:
.L_overlay_start_2:
0x85: {  	(tag) =	ssettag $0x2  }
0x86: {  	s0 =	rddreg [dreg:$0x0];
	s2 =	stileid.u32  }
0x87: {  	s1 =	rddreg [dreg:$0x1];
	p0 =	sne.s32 s2, $0x0  }
0x88: {  	s3 =	rddreg [dreg:$0x2];
	[bflag:$0x3] =	sbarrier.arrive $0xFFFF;
	s2 =	simm.s32 @!p0 $0x1C09  }
0x89: {  	[timem:s3], [sflag:s2] =	dma.local @!p0 [hbm:s0], s1  }
0x8a: {  	s0 =	simm.s32 @!p0 $0x9  }
0x8b: {  	_ =	swait.ge @!p0 [sflag:s0], s1  }
0x8c: {  	s1 =	ssub.s32 @!p0 $0x0, s1;
	[sflag:s0] =	ssyncset.done @!p0 $0x0  }
0x8d: {  	[sflag:s0] =	ssyncadd.s32 @!p0 s1  }
0x8e: {  	[bflag:$0x3] =	sbarrier.arrive $0xFFFF  }
0x8f: {  	_ =	shalt  }

// kernel: kernel.7.cloned.1.call-start
scs
__scs_entry_jumppad:
0x0: {  	(pc) =	sbr.rel $0x88, $3  }
0x1: {  	(tag) =	ssettag $0x0;
	lr =	simm.s32 $0x1  }
0x2: {  	[smem:$0x3F93] =	sst lr;
	_ =	strace $0xD0000000  }
0x3: {  	_ = 	snop  }
0x4: {  	_ = 	snop  }
0x5: {  	_ = 	snop  }
0x6: {  	_ = 	snop  }
0x7: {  	_ = 	snop  }
__scs_overlays_trampoline_lowered:
0x8: {  	[smem:$0x3FA2] =	sst s0  }
0x9: {  	[smem:$0x3FA3] =	sst s1  }
0xa: {  	[smem:$0x3FA4] =	sst s2  }
0xb: {  	[smem:$0x3FA5] =	sst s3  }
0xc: {  	[smem:$0x3FA6] =	sst s4  }
0xd: {  	[smem:$0x3FA7] =	sst s5  }
0xe: {  	[smem:$0x3FA8] =	sst s6  }
0xf: {  	[smem:$0x3FA9] =	sst s7  }
0x10: {  	[smem:$0x3FAA] =	sst s8  }
0x11: {  	[smem:$0x3FAB] =	sst s9;
	s0 =	simm.s32 @!p0 $0x0  }
0x12: {  	s1 =	sld [smem:$0x3F91];
	s0 =	simm.s32 @p0 $0x1  }
0x13: {  	[smem:$0x3FAC] =	sst s0;
	s0 =	simm.s32 @!p1 $0x0  }
0x14: {  	s2 =	sld [smem:$0x3F90];
	s0 =	simm.s32 @p1 $0x1  }
0x15: {  	[smem:$0x3FAD] =	sst s0;
	s0 =	simm.s32 @!p2 $0x0  }
0x16: {  	s3 =	sld [smem:$0x3FDB];
	s0 =	simm.s32 @p2 $0x1  }
0x17: {  	s4 =	simm.s32 $0x1BF5;
	[smem:$0x3FAF] =	sst s0  }
0x18: {  	s0 =	sld [smem:$0x3F92];
	_ =	swait.ge [sflag:s4], $0x0  }
0x19: {  	s7 =	sld [smem:$0x3F93]  }
0x1a: {  	s8 =	sadd.s32 $0xFFFFE003, lr  }
0x1b: {  	s9 =	sadd.s32 $0xFFFFFEF7, lr;
	s5 =	simm.s32 $0xFFFFFFFF;
	p2 =	slt.u32 s8, $0xFFFFF086  }
0x1c: {  	p1 =	slt.u32 s9, $0xF7A;
	s5 =	simm.s32 @!p2 $0x0  }
0x1d: {  	s5 =	simm.s32 @p1 $0x1;
	p0 =	seq.s32 s7, s2  }
0x1e: {  	s7 =	smul.u32 @!p0 $0xF7A, s2;
	p2 =	seq.s32 @!p0 s5, $0x0  }
0x1f: {  	s9 =	smul.u32 $0xF7A, s1;
	s8 =	simm.s32 @!p0 $0x1BF5;
	p2 =	por !p2, p0  }
0x20: {  	[sflag:s8] =	ssyncset.s32 @!p0 $0xFFFFF086;
	s6 =	sadd.s32 @!p0 s3, s7;
	s7 =	simm.s32 @!p0 $0x108  }
0x21: {  	s3 =	sadd.s32 s3, s9;
	s6 =	sadd.s32 @!p0 $0x88, s6;
	s7 =	simm.s32 @p2 $0x1082  }
0x22: {  	[simem:s7], [sflag:s8] =	dma.local @!p0 [hbm:s6], $0xF7A  }
0x23: {  	s9 =	sor.u32 $0xD0000000, s2;
	s6 =	simm.s32 $0x108;
	_ =	swait.ge @!p0 [sflag:s8], $0x0  }
0x24: {  	s3 =	sadd.s32 $0x88, s3;
	s6 =	simm.s32 @!p1 $0x1082;
	[sflag:s4] =	ssyncset.s32 $0xFFFFF086  }
0x25: {  	[simem:s6], [sflag:s4] =	dma.local [hbm:s3], $0xF7A  }
0x26: {  	[smem:$0x3F93] =	sst s1;
	(tag) =	ssettag s2;
	_ =	strace s9  }
0x27: {  	s1 =	sld [smem:$0x3FA3]  }
0x28: {  	s2 =	sld [smem:$0x3FA4]  }
0x29: {  	s4 =	sld [smem:$0x3FA6]  }
0x2a: {  	p0 =	seq.s32 s5, $0x0;
	s5 =	sld [smem:$0x3FA7]  }
0x2b: {  	s6 =	sld [smem:$0x3FA8]  }
0x2c: {  	s7 =	sld [smem:$0x3FA9]  }
0x2d: {  	s3 =	simm.s32 $0x108;
	s8 =	sld [smem:$0x3FAA]  }
0x2e: {  	s3 =	simm.s32 @!p0 $0x1082;
	s9 =	sld [smem:$0x3FAB]  }
0x2f: {  	lr =	sadd.s32 s0, s3;
	s0 =	sld [smem:$0x3FA2]  }
0x30: {  	s3 =	sld [smem:$0x3FA5]  }
0x31: {  	[smem:$0x3FAE] =	sst s10  }
0x32: {  	s10 =	sld [smem:$0x3FAC];
	_ =	sdelay $0x3  }
0x33: {  	p0 =	seq.s32 s10, $0x1;
	s10 =	sld [smem:$0x3FAE];
	_ =	sdelay $0x3  }
0x34: {  	[smem:$0x3FAE] =	sst s10  }
0x35: {  	s10 =	sld [smem:$0x3FAD];
	_ =	sdelay $0x3  }
0x36: {  	p1 =	seq.s32 s10, $0x1;
	s10 =	sld [smem:$0x3FAE];
	_ =	sdelay $0x3  }
0x37: {  	[smem:$0x3FAE] =	sst s10  }
0x38: {  	s10 =	sld [smem:$0x3FAF]  }
0x39: {  	_ = 	snop;
	(pc) =	sbr.ind lr, $3  }
0x3a: {  	_ = 	snop  }
0x3b: {  	_ = 	snop  }
0x3c: {  	p2 =	seq.s32 s10, $0x1;
	s10 =	sld [smem:$0x3FAE]  }
0x3d: {  	_ =	shalt  }
0x3e: {  	_ =	shalt  }
0x3f: {  	_ =	shalt  }
0x40: {  	_ =	shalt  }
0x41: {  	_ =	shalt  }
0x42: {  	_ =	shalt  }
0x43: {  	_ =	shalt  }
0x44: {  	_ =	shalt  }
0x45: {  	_ =	shalt  }
0x46: {  	_ =	shalt  }
0x47: {  	_ =	shalt  }
0x48: {  	_ =	shalt  }
0x49: {  	_ =	shalt  }
0x4a: {  	_ =	shalt  }
0x4b: {  	_ =	shalt  }
0x4c: {  	_ =	shalt  }
0x4d: {  	_ =	shalt  }
0x4e: {  	_ =	shalt  }
0x4f: {  	_ =	shalt  }
0x50: {  	_ =	shalt  }
0x51: {  	_ =	shalt  }
0x52: {  	_ =	shalt  }
0x53: {  	_ =	shalt  }
0x54: {  	_ =	shalt  }
0x55: {  	_ =	shalt  }
0x56: {  	_ =	shalt  }
0x57: {  	_ =	shalt  }
0x58: {  	_ =	shalt  }
0x59: {  	_ =	shalt  }
0x5a: {  	_ =	shalt  }
0x5b: {  	_ =	shalt  }
0x5c: {  	_ =	shalt  }
0x5d: {  	_ =	shalt  }
0x5e: {  	_ =	shalt  }
0x5f: {  	_ =	shalt  }
0x60: {  	_ =	shalt  }
0x61: {  	_ =	shalt  }
0x62: {  	_ =	shalt  }
0x63: {  	_ =	shalt  }
0x64: {  	_ =	shalt  }
0x65: {  	_ =	shalt  }
0x66: {  	_ =	shalt  }
0x67: {  	_ =	shalt  }
0x68: {  	_ =	shalt  }
0x69: {  	_ =	shalt  }
0x6a: {  	_ =	shalt  }
0x6b: {  	_ =	shalt  }
0x6c: {  	_ =	shalt  }
0x6d: {  	_ =	shalt  }
0x6e: {  	_ =	shalt  }
0x6f: {  	_ =	shalt  }
0x70: {  	_ =	shalt  }
0x71: {  	_ =	shalt  }
0x72: {  	_ =	shalt  }
0x73: {  	_ =	shalt  }
0x74: {  	_ =	shalt  }
0x75: {  	_ =	shalt  }
0x76: {  	_ =	shalt  }
0x77: {  	_ =	shalt  }
0x78: {  	_ =	shalt  }
0x79: {  	_ =	shalt  }
0x7a: {  	_ =	shalt  }
0x7b: {  	_ =	shalt  }
0x7c: {  	_ =	shalt  }
0x7d: {  	_ =	shalt  }
0x7e: {  	_ =	shalt  }
0x7f: {  	_ =	shalt  }
0x80: {  	_ =	shalt  }
0x81: {  	_ =	shalt  }
0x82: {  	_ =	shalt  }
0x83: {  	_ =	shalt  }
0x84: {  	_ =	shalt  }
0x85: {  	_ =	shalt  }
0x86: {  	_ =	shalt  }
0x87: {  	_ =	shalt  }
.Lfunc_end0:
.L_simem_size_0:
called_computation_lowered:
.L_overlay_start_0:
0x88: {  	s2 =	sld [smem:$0x3FD9]  }
0x89: {  	s3 =	sld [smem:$0x3FFE];
	_ =	sdelay $0x1  }
0x8a: {  	s1 =	srdreg.scid  }
0x8b: {  	s0 =	sand.u32 $0x1, s1  }
0x8c: {  	s17 =	sshll.u32 s0, $0xA;
	s2 =	sadd.s32 s3, s2  }
0x8d: {  	s2 =	sadd.s32 s2, s17  }
0x8e: {  	[smem:$0x3FBA] =	sst s2  }
0x8f: {  	_ = 	snop  }
0x90: {  	s2 =	sld [smem:$0x3FD0];
	(tm) =	ssettm $0x1  }
0x91: {  	s18 =	sld [smem:$0x3FFB];
	_ =	sdelay $0x3  }
0x92: {  	_ =	strace s18  }
0x93: {  	s3 =	sld [smem:$0x3FFC];
	_ =	sdelay $0x3  }
0x94: {  	_ =	strace s3  }
0x95: {  	s3 =	sld [smem:$0x3FFD];
	_ =	sdelay $0x3  }
0x96: {  	_ =	strace s3  }
0x97: {  	_ =	strace $0x8FFFFFFF  }
0x98: {  	s19 =	sld [smem:$0x3FDB];
	_ =	sdelay $0x1  }
0x99: {  	s4 =	simm.s32 $_scs_section_size  }
0x9a: {  	s5 =	simm.s32 $_size__tile_overlayer_lowered;
	s6 =	simm.s32 $_tile_overlayer_lowered  }
0x9b: {  	s22 =	simm.s32 $0x1BFF;
	s21 =	sshll.u32 s6, $0x1;
	s3 =	sadd.s32 s4, s19  }
0x9c: {  	s7 =	simm.s32 $0x0;
	s20 =	sshll.u32 s5, $0x1;
	s5 =	sadd.s32 s21, s3  }
0x9d: {  	[timem:s7], [sflag:s22] =	dma.local [hbm:s5], s20  }
0x9e: {  	_ =	swait.ge [sflag:s22], s20  }
0x9f: {  	s4 =	ssub.s32 $0x0, s20;
	[sflag:s22] =	ssyncset.done $0x0  }
0xa0: {  	[sflag:s22] =	ssyncadd.s32 s4;
	_ =	sdelay $0x1  }
0xa1: {  	s23 =	simm.s32 $0x1B8B  }
0xa2: {  	_ =	swait.ge [sflag:s23], $0x1  }
0xa3: {  	[sflag:s23] =	ssyncset.done $0x0  }
0xa4: {  	s25 =	simm.s32 $0x1B8E;
	s24 =	sld [smem:$0x3FFE];
	[sflag:s23] =	ssyncadd.s32 $0xFFFFFFFF  }
0xa5: {  	s26 =	simm.s32 $execute0_lowered;
	[smem:$0x3FD2] =	sst s25  }
0xa6: {  	s5 =	sshll.u32 s26, $0x1;
	_ =	strace $0x80000046;
	[dreg:$0x1] =	wrdreg $0xFFFFFFFF  }
0xa7: {  	s28 =	simm.s32 $_size_execute0_lowered;
	s3 =	sadd.s32 s3, s5;
	[dreg:$0x0] =	wrdreg $0x0  }
0xa8: {  	s5 =	sshll.u32 s28, $0x1;
	[dreg:$0x2] =	wrdreg s3  }
0xa9: {  	[dreg:$0x3] =	wrdreg s5  }
0xaa: {  	[dreg:$0x4] =	wrdreg $0xC0  }
0xab: {  	_ =	task [dreg:s7], $0x5FFFF  }
0xac: {  	[dreg:$0x1] =	wrdreg $0xFFFFFFFF  }
0xad: {  	[dreg:$0x0] =	wrdreg $0x60  }
0xae: {  	[dreg:$0x2] =	wrdreg s24  }
0xaf: {  	[dreg:$0x3] =	wrdreg s2  }
0xb0: {  	[dreg:$0x4] =	wrdreg $0x9  }
0xb1: {  	_ =	task.clear_ibuf [dreg:s7], $0x5FFFF;
	_ =	strace $0x90000046  }
0xb2: {  	s29 =	simm.s32 $0x9;
	_ =	strace $0x80000048  }
0xb3: {  	_ =	swait.ge [sflag:s29], $0x1  }
0xb4: {  	[sflag:s29] =	ssyncadd.s32 $0xFFFFFFFF  }
0xb5: {  	_ =	strace $0x90000048  }
0xb6: {  	_ =	sfence  }
0xb7: {  	s30 =	sld [smem:$0x0];
	_ =	sdelay $0x2  }
0xb8: {  	s31 =	sshll.u32 s1, $0xD;
	s1 =	sshrl.u32 s1, $0x2  }
0xb9: {  	s3 =	sand.u32 $0x4000, s31;
	s1 =	sadd.s32 s1, s30  }
0xba: {  	s0 =	sor.u32 s3, s0;
	s1 =	sshll.u32 s1, $0x11  }
0xbb: {  	s0 =	sor.u32 s1, s0  }
0xbc: {  	s0 =	sadd.s32 $0x8F2B, s0  }
0xbd: {  	[sflag:s0] =	ssyncadd.remote.s32 $0x1  }
0xbe: {  	_ =	sfence.sel $0xFFFF  }
0xbf: {  	[dreg:$0x0] =	wrdreg $0xFFFFFFFF;
	(pc) =	sbr.abs _section_cstart, $3  }
0xc0: {  	[dreg:$0x1] =	wrdreg $0xFFFFFFFF  }
0xc1: {  	_ =	task.clear_ibuf [dreg:s7], $0x2FFFF;
	_ =	strace $0x9FFFFFFF  }
0xc2: {  	(tm) =	ssettm $0x7FFFFFFF  }
0xc3: {  	_ =	shalt  }
tec
execute0_lowered:
.L_overlay_start_1:
0x0: {  	(tag) =	ssettag $0x1  }
0x1: {  	s1 =	srdreg.scid;
	s0 =	stileid.u32  }
0x2: {  	s6 =	sand.u32 $0x1, s1;
	s30 =	sshll.u32 s0, $0x1  }
0x3: {  	s5 =	rddreg [dreg:$0x0];
	s8 =	sor.u32 s6, s30  }
0x4: {  	s9 =	rddreg [dreg:$0x1];
	s2 =	simm.s32 $0x0;
	s3 =	smul.u32 $0x7, s8  }
0x5: {  	[smem:$0x7FF] =	sst s2  }
0x6: {  	s1 =	rddreg [dreg:$0x2];
	_ =	strace $0x80000047;
	s3 =	sadd.s32 s3, s5  }
0x7: {  	s10 =	ssub.s32 $0x2, s6;
	s4 =	sadd.s32 $0x4400, s3;
	s3 =	simm.s32 $0x2  }
0x8: {  	[tilespmem:s2], [sflag:$0x2] =	stream.linear.gather [hbm4b:s4+s2], $0x38, $0x38;
	[tilespmem:$0x738] =	vst v63  }
0x9: {  	s7 =	simm.s32 $0x1;
	s11 =	sshrl.u32 s10, $0x1;
	_ =	swait.ge [sflag:s3], $0x38  }
0xa: {  	s6 =	simm.s32 $0x38;
	s10 =	ssub.s32 s10, s11;
	[sflag:s3] =	ssyncset.done $0x0  }
0xb: {  	s5 =	sadd.s32 $0x18AE00, s5;
	s31 =	smax.u32 s10, $0x1;
	[sflag:s3] =	ssyncadd.s32 $0xFFFFFFC8  }
0xc: {  	[tilespmem:s6], [sflag:$0x1] =	stream.indirect.gather [hbm4b:s5+s6], $0x20, s2, s6, $0xb8;
	[tilespmem:$0x738] =	vst v63  }
0xd: {  	s8 =	smul.u32 $0xE0, s8;
	p0 =	sne.s32 s31, $0x1;
	_ =	swait.ge [sflag:s7], $0x700  }
.Ltmp0:
0xe: {  	[sflag:s7] =	ssyncset.done $0x0;
	(pc) =	sbr.rel @!p0 .LBB2_2-.Ltmp0, $4  }
0xf: {  	s8 =	sadd.s32 s9, s8;
	[sflag:s7] =	ssyncadd.s32 $0xFFFFF900  }
0x10: {  	[hbm4b:s8+s2] =	stream.linear.scatter [tilespmem:s6], [sflag:$0x2], $0x700, $0x38;
	[tilespmem:$0x738] =	vst v63  }
0x11: {  	_ =	swait.ge [sflag:s3], $0x700  }
0x12: {  	s9 =	sadd.s32 $0xFFFFFFFF, s31;
	[sflag:s3] =	ssyncset.done $0x0  }
.LBB2_1:
0x13: {  	p0 =	sne.s32 s9, $0x1;
	s9 =	sadd.s32 $0xFFFFFFFF, s9;
	[sflag:s3] =	ssyncadd.s32 $0xFFFFF900  }
0x14: {  	[tilespmem:s2], [sflag:$0x2] =	stream.linear.gather [hbm4b:s4+s2], $0x38, $0x38;
	[tilespmem:$0x738] =	vst v63  }
0x15: {  	_ =	swait.ge [sflag:s3], $0x38  }
0x16: {  	[sflag:s3] =	ssyncset.done $0x0  }
0x17: {  	[sflag:s3] =	ssyncadd.s32 $0xFFFFFFC8  }
0x18: {  	[tilespmem:s6], [sflag:$0x1] =	stream.indirect.gather [hbm4b:s5+s6], $0x20, s2, s6, $0xb8;
	[tilespmem:$0x738] =	vst v63  }
0x19: {  	_ =	swait.ge [sflag:s7], $0x700  }
.Ltmp1:
0x1a: {  	[sflag:s7] =	ssyncset.done $0x0;
	(pc) =	sbr.rel @p0 .LBB2_1-.Ltmp1, $4  }
0x1b: {  	[sflag:s7] =	ssyncadd.s32 $0xFFFFF900  }
0x1c: {  	[hbm4b:s8+s2] =	stream.linear.scatter [tilespmem:s6], [sflag:$0x2], $0x700, $0x38;
	[tilespmem:$0x738] =	vst v63  }
0x1d: {  	_ =	swait.ge [sflag:s3], $0x700  }
0x1e: {  	[sflag:s3] =	ssyncset.done $0x0  }
.LBB2_2:
0x1f: {  	[sflag:s3] =	ssyncadd.s32 $0xFFFFF900  }
0x20: {  	_ =	sfence.sel $0x180000  }
0x21: {  	[bflag:$0x0] =	sbarrier.arrive $0xFFFF  }
0x22: {  	p0 =	sne.s32 s0, $0x0;
	_ =	strace $0x90000047  }
0x23: {  	s0 =	sadd.s32 @!p0 $0x100000, s1;
	[bflag:$0x2] =	sbarrier.arrive $0xFFFF  }
0x24: {  	[sflag:s0] =	ssyncadd.tile.s32 @!p0 $0x1;
	_ =	shalt  }
.Lfunc_end2:
_tile_overlayer_lowered:
.L_overlay_start_2:
0x25: {  	(tag) =	ssettag $0x2  }
0x26: {  	s0 =	rddreg [dreg:$0x0];
	s2 =	stileid.u32  }
0x27: {  	s1 =	rddreg [dreg:$0x1];
	p0 =	sne.s32 s2, $0x0  }
0x28: {  	s3 =	rddreg [dreg:$0x2];
	[bflag:$0x3] =	sbarrier.arrive $0xFFFF;
	s2 =	simm.s32 @!p0 $0x1C02  }
0x29: {  	[timem:s3], [sflag:s2] =	dma.local @!p0 [hbm:s0], s1  }
0x2a: {  	s0 =	simm.s32 @!p0 $0x2  }
0x2b: {  	_ =	swait.ge @!p0 [sflag:s0], s1  }
0x2c: {  	s1 =	ssub.s32 @!p0 $0x0, s1;
	[sflag:s0] =	ssyncset.done @!p0 $0x0  }
0x2d: {  	[sflag:s0] =	ssyncadd.s32 @!p0 s1  }
0x2e: {  	[bflag:$0x3] =	sbarrier.arrive $0xFFFF  }
0x2f: {  	_ =	shalt  }

</sc_bundles>
